<compile_context>
chip_gen: v7x
topology: tpu7x:2x2x1
jax: 0.10.2.dev20260603
libtpu: 0.0.44.dev20260713+nightly
codegen_flags: <defaults>
</compile_context>

<pallas_src>
import functools

import jax
import jax.numpy as jnp
from jax import lax
from jax.experimental import pallas as pl
from jax.experimental.pallas import tpu as pltpu
from jax.experimental.pallas import tpu_sc as plsc

N = 10000
E = 320000
D = 128
G = 64
NPAD = 10240
NBLK = 80
E2 = E + N
NW = 32
CHUNK = 96
NCH = 108
TT = NCH * CHUNK
EPAD = NW * TT
ROWS_PER_TILE = NPAD // 16


def _tc_a_body(x_ref, w_ref, asrc_ref, adst_ref,
               xw_ref, as_ref, ad_ref, cc_ref, mmax):
    b = pl.program_id(0)
    xwb = jnp.dot(x_ref[...], w_ref[...], preferred_element_type=jnp.float32)
    xw_ref[...] = xwb
    asb = jnp.sum(xwb * asrc_ref[...], axis=1, keepdims=True)
    adb = jnp.sum(xwb * adst_ref[...], axis=1, keepdims=True)
    as_ref[...] = asb
    ad_ref[...] = adb
    ms = jnp.max(asb)
    md = jnp.max(adb)

    @pl.when(b == 0)
    def _():
        mmax[0] = ms
        mmax[1] = md

    @pl.when(b > 0)
    def _():
        mmax[0] = jnp.maximum(mmax[0], ms)
        mmax[1] = jnp.maximum(mmax[1], md)

    @pl.when(b == NBLK - 1)
    def _():
        c0 = mmax[0] + mmax[1]
        ccs = jnp.where(c0 >= 0, c0, 0.2 * c0)
        cc_ref[...] = jnp.full((1, 16), ccs, jnp.float32)


def _run_a(xp, w, att_s, att_d):
    return pl.pallas_call(
        _tc_a_body,
        grid=(NBLK,),
        in_specs=[
            pl.BlockSpec((128, D), lambda b: (b, 0)),
            pl.BlockSpec((D, D), lambda b: (0, 0)),
            pl.BlockSpec((1, D), lambda b: (0, 0)),
            pl.BlockSpec((1, D), lambda b: (0, 0)),
        ],
        out_specs=[
            pl.BlockSpec((128, D), lambda b: (b, 0)),
            pl.BlockSpec((128, 1), lambda b: (b, 0)),
            pl.BlockSpec((128, 1), lambda b: (b, 0)),
            pl.BlockSpec((1, 16), lambda b: (0, 0)),
        ],
        out_shape=[
            jax.ShapeDtypeStruct((NPAD, D), jnp.float32),
            jax.ShapeDtypeStruct((NPAD, 1), jnp.float32),
            jax.ShapeDtypeStruct((NPAD, 1), jnp.float32),
            jax.ShapeDtypeStruct((1, 16), jnp.float32),
        ],
        scratch_shapes=[pltpu.SMEM((2,), jnp.float32)],
    )(xp, w, att_s, att_d)


def _sc_body(xw_hbm, as_hbm, ad_hbm, cc_hbm, src_hbm, dst_hbm,
             accp_hbm, denp_hbm,
             asv, adv, srcb, dstb, exb, rows, zden, ccv,
             acc_sh, den_sh, semi, semg, semsc, semd):
    c = lax.axis_index("c")
    s = lax.axis_index("s")
    wid = c * 16 + s
    base = s * ROWS_PER_TILE

    zero16 = jnp.zeros((16,), jnp.float32)

    def _zrow(r, carry):
        for c8 in range(8):
            rows[0, r, pl.ds(c8 * 16, 16)] = zero16
        return carry
    lax.fori_loop(0, CHUNK, _zrow, 0)

    def _zden(i, carry):
        zden[pl.ds(i * 16, 16)] = zero16
        return carry
    lax.fori_loop(0, ROWS_PER_TILE // 16, _zden, 0)

    for k in range(ROWS_PER_TILE // CHUNK):
        pltpu.sync_copy(rows.at[0], acc_sh.at[pl.ds(base + k * CHUNK, CHUNK)])
    _rem = ROWS_PER_TILE % CHUNK
    if _rem:
        pltpu.sync_copy(
            rows.at[0].at[pl.ds(0, _rem)],
            acc_sh.at[pl.ds(base + (ROWS_PER_TILE // CHUNK) * CHUNK, _rem)])
    pltpu.sync_copy(zden, den_sh.at[pl.ds(base, ROWS_PER_TILE)])

    pltpu.sync_copy(as_hbm, asv)
    pltpu.sync_copy(ad_hbm, adv)
    pltpu.sync_copy(cc_hbm, ccv)

    plsc.subcore_barrier()

    ccvec = ccv[...]
    lanes = lax.iota(jnp.int32, 16)
    ebase = wid * TT

    def _compute_ex(ch, slot, islot):
        for gg in range(CHUNK // 16):
            srcg = srcb[islot, pl.ds(gg * 16, 16)]
            dstg = dstb[islot, pl.ds(gg * 16, 16)]
            a1 = plsc.load_gather(asv, [srcg])
            a2 = plsc.load_gather(adv, [dstg])
            e = a1 + a2
            e = jnp.where(e >= 0, e, 0.2 * e)
            ex = jnp.exp(e - ccvec)
            gid = ebase + ch * CHUNK + gg * 16 + lanes
            ex = jnp.where(gid < E2, ex, 0.0)
            exb[slot, pl.ds(gg * 16, 16)] = ex

    def _scale_rows(slot):
        slotv = jnp.full((16,), slot, jnp.int32)

        @plsc.parallel_loop(0, CHUNK, unroll=4)
        def _scale(e_i):
            idx = jnp.broadcast_to(e_i, (16,)).astype(jnp.int32)
            exs = plsc.load_gather(exb, [slotv, idx])
            for c8 in range(8):
                rows[slot, e_i, pl.ds(c8 * 16, 16)] = (
                    rows[slot, e_i, pl.ds(c8 * 16, 16)] * exs)

    def _sub(i, slot):
        ch = i * 2 + slot
        pslot = 1 - slot
        nxt = ch + 1

        def _wait_den_prev():
            pltpu.make_async_copy(exb.at[pslot],
                                  den_sh.at[dstb.at[pslot]], semd).wait()

        def _wait_rows_prev():
            pltpu.make_async_copy(rows.at[pslot],
                                  acc_sh.at[dstb.at[pslot]], semsc).wait()

        def _prefetch():
            pltpu.async_copy(src_hbm.at[wid, nxt], srcb.at[pslot], semi)
            pltpu.async_copy(dst_hbm.at[wid, nxt], dstb.at[pslot], semi)

        def _launch_next():
            pltpu.make_async_copy(src_hbm.at[wid, nxt],
                                  srcb.at[pslot], semi).wait()
            pltpu.make_async_copy(dst_hbm.at[wid, nxt],
                                  dstb.at[pslot], semi).wait()
            pltpu.async_copy(xw_hbm.at[srcb.at[pslot]], rows.at[pslot], semg)

        if slot == 0:
            pl.when(i > 0)(_wait_den_prev)
        else:
            _wait_den_prev()
        _compute_ex(ch, slot, slot)
        pltpu.async_copy(exb.at[slot], den_sh.at[dstb.at[slot]], semd,
                         add=True)
        pltpu.make_async_copy(xw_hbm.at[srcb.at[slot]],
                              rows.at[slot], semg).wait()
        if slot == 0:
            pl.when(i > 0)(_wait_rows_prev)
            _prefetch()
            _launch_next()
        else:
            _wait_rows_prev()
            pl.when(i < NCH // 2 - 1)(_prefetch)
            pl.when(i < NCH // 2 - 1)(_launch_next)
        _scale_rows(slot)
        pltpu.async_copy(rows.at[slot], acc_sh.at[dstb.at[slot]], semsc,
                         add=True)

    pltpu.sync_copy(src_hbm.at[wid, 0], srcb.at[0])
    pltpu.sync_copy(dst_hbm.at[wid, 0], dstb.at[0])
    pltpu.async_copy(xw_hbm.at[srcb.at[0]], rows.at[0], semg)

    def _pair(i, carry):
        _sub(i, 0)
        _sub(i, 1)
        return carry
    lax.fori_loop(0, NCH // 2, _pair, 0)

    pltpu.make_async_copy(exb.at[1], den_sh.at[dstb.at[1]], semd).wait()
    pltpu.make_async_copy(rows.at[1], acc_sh.at[dstb.at[1]], semsc).wait()

    plsc.subcore_barrier()

    pltpu.sync_copy(acc_sh.at[pl.ds(base, ROWS_PER_TILE)],
                    accp_hbm.at[c, pl.ds(base, ROWS_PER_TILE)])
    pltpu.sync_copy(den_sh.at[pl.ds(base, ROWS_PER_TILE)],
                    denp_hbm.at[c, pl.ds(base, ROWS_PER_TILE)])


def _run_b(xw, asf, adf, cc, src3, dst3):
    mesh = plsc.VectorSubcoreMesh(core_axis_name="c", subcore_axis_name="s",
                                  num_cores=2, num_subcores=16)
    kb = functools.partial(
        pl.kernel,
        out_type=[
            jax.ShapeDtypeStruct((2, NPAD, D), jnp.float32),
            jax.ShapeDtypeStruct((2, NPAD), jnp.float32),
        ],
        mesh=mesh,
        compiler_params=pltpu.CompilerParams(needs_layout_passes=False),
        scratch_types=[
            pltpu.VMEM((NPAD,), jnp.float32),
            pltpu.VMEM((NPAD,), jnp.float32),
            pltpu.VMEM((2, CHUNK), jnp.int32),
            pltpu.VMEM((2, CHUNK), jnp.int32),
            pltpu.VMEM((2, CHUNK), jnp.float32),
            pltpu.VMEM((2, CHUNK, D), jnp.float32),
            pltpu.VMEM((ROWS_PER_TILE,), jnp.float32),
            pltpu.VMEM((16,), jnp.float32),
            pltpu.VMEM_SHARED((NPAD, D), jnp.float32),
            pltpu.VMEM_SHARED((NPAD,), jnp.float32),
            pltpu.SemaphoreType.DMA,
            pltpu.SemaphoreType.DMA,
            pltpu.SemaphoreType.DMA,
            pltpu.SemaphoreType.DMA,
        ],
    )(_sc_body)
    return kb(xw, asf, adf, cc, src3, dst3)


def _tc_c_body(accp_ref, denp_ref, batch_ref, bgat_ref, wlin_ref, blin_ref,
               out_ref, sums, cnt):
    b = pl.program_id(0)

    @pl.when(b == 0)
    def _():
        sums[...] = jnp.zeros((G, D), jnp.float32)
        cnt[...] = jnp.zeros((G, 1), jnp.float32)

    acc = accp_ref[0] + accp_ref[1]
    den = denp_ref[0, 0, 0] + denp_ref[1, 0, 0]
    h = acc / (den[:, None] + 1e-16) + bgat_ref[...]
    h = jnp.maximum(h, 0.0)
    bb = batch_ref[0]
    gids = lax.broadcasted_iota(jnp.int32, (G, 128), 0)
    oh = (gids == bb).astype(jnp.float32)
    sums[...] = sums[...] + jnp.dot(oh, h, preferred_element_type=jnp.float32)
    cnt[...] = cnt[...] + jnp.sum(oh, axis=1, keepdims=True)

    @pl.when(b == NBLK - 1)
    def _():
        pooled = sums[...] / jnp.maximum(cnt[...], 1.0)
        out_ref[...] = (jnp.dot(pooled, wlin_ref[...],
                                preferred_element_type=jnp.float32)
                        + blin_ref[...])


def _run_c(accp, denp_r, batch3, bgat, wlin, blin):
    return pl.pallas_call(
        _tc_c_body,
        grid=(NBLK,),
        in_specs=[
            pl.BlockSpec((2, 128, D), lambda b: (0, b, 0)),
            pl.BlockSpec((2, 1, 1, 128), lambda b: (0, b, 0, 0)),
            pl.BlockSpec((1, 1, 128), lambda b: (b, 0, 0)),
            pl.BlockSpec((1, D), lambda b: (0, 0)),
            pl.BlockSpec((D, D), lambda b: (0, 0)),
            pl.BlockSpec((1, D), lambda b: (0, 0)),
        ],
        out_specs=pl.BlockSpec((G, D), lambda b: (0, 0)),
        out_shape=jax.ShapeDtypeStruct((G, D), jnp.float32),
        scratch_shapes=[
            pltpu.VMEM((G, D), jnp.float32),
            pltpu.VMEM((G, 1), jnp.float32),
        ],
    )(accp, denp_r, batch3, bgat, wlin, blin)


def kernel(x, edge_index, edge_attr, batch, W_gat, att_src, att_dst,
           b_gat, W_lin, b_lin):
    del edge_attr
    xp = jnp.pad(x, ((0, NPAD - N), (0, 0)))
    xw, as2, ad2, cc16 = _run_a(xp, W_gat,
                                att_src.reshape(1, D), att_dst.reshape(1, D))
    asf = as2.reshape(NPAD)
    adf = ad2.reshape(NPAD)
    cc = cc16.reshape(16)

    sl = jnp.arange(N, dtype=edge_index.dtype)
    src = jnp.concatenate([edge_index[0], sl])
    dst = jnp.concatenate([edge_index[1], sl])
    pad = EPAD - E2
    src3 = jnp.pad(src, (0, pad)).reshape(NW, NCH, CHUNK)
    dst3 = jnp.pad(dst, (0, pad)).reshape(NW, NCH, CHUNK)

    accp, denp = _run_b(xw, asf, adf, cc, src3, dst3)

    batch3 = jnp.pad(batch, (0, NPAD - N),
                     constant_values=127).reshape(NBLK, 1, 128)
    denp_r = denp.reshape(2, NBLK, 1, 128)
    return _run_c(accp, denp_r, batch3, b_gat.reshape(1, D),
                  W_lin, b_lin.reshape(1, D))

# --- scband reference (transcript-rebuilt; emitter-appended) ---
"""Pipeline reference for scband-gcn-13254269075791 (READ-ONLY COPY).

The authoritative reference and input builder live on the scoring server;
editing this copy changes nothing except your own understanding.
"""

import jax, jax.numpy as jnp
import numpy as np

N = 10000
E = 320000
D_IN = 128
D_OUT = 128
D_EDGE = 16
G = 64


def setup_inputs(seed: int = 0) -> dict:
    key = jax.random.key(seed)
    ks = jax.random.split(key, 10)
    x = jax.random.normal(ks[0], (N, D_IN), dtype=jnp.float32)
    edge_index = jax.random.randint(ks[1], (2, E), 0, N, dtype=jnp.int32)
    edge_attr = jax.random.normal(ks[2], (E, D_EDGE), dtype=jnp.float32)
    batch = jnp.sort(jax.random.randint(ks[3], (N,), 0, G, dtype=jnp.int32))
    W_gat = jax.random.normal(ks[4], (D_IN, D_OUT), dtype=jnp.float32) * (1.0 / np.sqrt(D_IN))
    att_src = jax.random.normal(ks[5], (D_OUT,), dtype=jnp.float32) * 0.1
    att_dst = jax.random.normal(ks[6], (D_OUT,), dtype=jnp.float32) * 0.1
    b_gat = jnp.zeros((D_OUT,), dtype=jnp.float32)
    W_lin = jax.random.normal(ks[7], (D_IN, D_OUT), dtype=jnp.float32) * (1.0 / np.sqrt(D_IN))
    b_lin = jnp.zeros((D_OUT,), dtype=jnp.float32)
    return {"x": x, "edge_index": edge_index, "edge_attr": edge_attr, "batch": batch,
            "W_gat": W_gat, "att_src": att_src, "att_dst": att_dst, "b_gat": b_gat,
            "W_lin": W_lin, "b_lin": b_lin}


def _gat_conv(x, W, att_s, att_d, bias, src, dst, n_nodes):
    # PyG GATConv, heads=1, concat=True, negative_slope=0.2, add_self_loops=True
    xw = x @ W                                   # [N, D_OUT]
    a_s = xw @ att_s                             # [N]
    a_d = xw @ att_d                             # [N]
    e = a_s[src] + a_d[dst]                      # [E+N]
    e = jax.nn.leaky_relu(e, negative_slope=0.2)
    m = jax.ops.segment_max(e, dst, num_segments=n_nodes)
    m = jnp.where(jnp.isfinite(m), m, 0.0)
    ex = jnp.exp(e - m[dst])
    denom = jax.ops.segment_sum(ex, dst, num_segments=n_nodes)
    alpha = ex / (denom[dst] + 1e-16)
    out = jax.ops.segment_sum(xw[src] * alpha[:, None], dst, num_segments=n_nodes)
    return out + bias


def reference(x, edge_index, edge_attr, batch, W_gat, att_src, att_dst, b_gat, W_lin, b_lin):
    # edge_attr is carried by the batch but GATConv(in, out) has edge_dim=None,
    # so edge features do not enter the computation.
    self_loop = jnp.arange(N, dtype=edge_index.dtype)
    src = jnp.concatenate([edge_index[0], self_loop])
    dst = jnp.concatenate([edge_index[1], self_loop])
    h = _gat_conv(x, W_gat, att_src, att_dst, b_gat, src, dst, N)
    h = jax.nn.relu(h)
    # global_mean_pool over graph ids in `batch`
    sums = jax.ops.segment_sum(h, batch, num_segments=G)
    cnt = jax.ops.segment_sum(jnp.ones((N,), dtype=h.dtype), batch, num_segments=G)
    pooled = sums / jnp.clip(cnt, 1.0)[:, None]
    # dropout is identity in eval mode
    out = pooled @ W_lin + b_lin
    return out

if __name__ == "__main__":
    import jax
    _d = setup_inputs()
    print(jax.jit(kernel)(*tuple(_d.values())))

</pallas_src>

<mosaic_0001>
#map = affine_map<(d0, d1) -> (0, 0)>
#map1 = affine_map<(d0, d1) -> (0)>
#map2 = affine_map<(d0, d1) -> (0, 0, 0)>
module attributes {stable_mosaic.version = 14 : i64} {
  func.func @_sc_body(%arg0: i32, %arg1: i32, %arg2: memref<10240x128xf32, #tpu.memory_space<hbm>>, %arg3: memref<10240xf32, #tpu.memory_space<hbm>>, %arg4: memref<10240xf32, #tpu.memory_space<hbm>>, %arg5: memref<16xf32, #tpu.memory_space<hbm>>, %arg6: memref<32x108x96xi32, #tpu.memory_space<hbm>>, %arg7: memref<32x108x96xi32, #tpu.memory_space<hbm>>, %arg8: memref<2x10240x128xf32, #tpu.memory_space<hbm>>, %arg9: memref<2x10240xf32, #tpu.memory_space<hbm>>, %arg10: memref<10240xf32, #tpu.memory_space<vmem>>, %arg11: memref<10240xf32, #tpu.memory_space<vmem>>, %arg12: memref<2x96xi32, #tpu.memory_space<vmem>>, %arg13: memref<2x96xi32, #tpu.memory_space<vmem>>, %arg14: memref<2x96xf32, #tpu.memory_space<vmem>>, %arg15: memref<2x96x128xf32, #tpu.memory_space<vmem>>, %arg16: memref<640xf32, #tpu.memory_space<vmem>>, %arg17: memref<16xf32, #tpu.memory_space<vmem>>, %arg18: memref<10240x128xf32, #tpu.memory_space<vmem_shared>>, %arg19: memref<10240xf32, #tpu.memory_space<vmem_shared>>, %arg20: memref<!tpu.dma_semaphore, #tpu.memory_space<semaphore_mem>>, %arg21: memref<!tpu.dma_semaphore, #tpu.memory_space<semaphore_mem>>, %arg22: memref<!tpu.dma_semaphore, #tpu.memory_space<semaphore_mem>>, %arg23: memref<!tpu.dma_semaphore, #tpu.memory_space<semaphore_mem>>) attributes {dimension_semantics = [#tpu.dimension_semantics<core_parallel>, #tpu.dimension_semantics<subcore_parallel>], iteration_bounds = array<i64: 2, 16>, scalar_prefetch = 0 : i64, scratch_operands = 14 : i64, tpu.core_type = #tpu.core_type<sc_vector_subcore>, window_params = [{transform_indices = #map}, {transform_indices = #map1}, {transform_indices = #map1}, {transform_indices = #map1}, {transform_indices = #map2}, {transform_indices = #map2}, {transform_indices = #map2}, {transform_indices = #map}]} {
    %mul3A = arith.constant 16 : i32
    %mul3A_0 = arith.muli %arg0, %mul3A : i32
    %add3A = arith.addi %mul3A_0, %arg1 : i32
    %mul3A_1 = arith.constant 640 : i32
    %mul3A_2 = arith.muli %arg1, %mul3A_1 : i32
    %broadcast_in_dim3A = arith.constant 0.000000e+00 : f32
    %broadcast_in_dim3A_3 = vector.broadcast %broadcast_in_dim3A : f32 to vector<16xf32>
    %scan3A = arith.constant 0 : i32
    %scan3A_4 = arith.constant 0 : i32
    %scan3A_5 = arith.constant 96 : i32
    %scan3A_6 = arith.addi %scan3A_4, %scan3A_5 : i32
    %scan3A_7 = arith.constant 1 : i32
    scf.for %scan3A_81 = %scan3A_4 to %scan3A_6 step %scan3A_7  : i32 {
      %swap3A = arith.constant 0 : i32
      %swap3A_82 = arith.index_cast %swap3A : i32 to index
      %swap3A_83 = arith.index_cast %scan3A_81 : i32 to index
      %swap3A_84 = arith.constant 0 : index
      %swap3A_85 = tpu.vector_load %arg15[%swap3A_82, %swap3A_83, %swap3A_84] {strides = array<i32>} : memref<2x96x128xf32, #tpu.memory_space<vmem>>, vector<16xf32>,
      tpu.vector_store %arg15[%swap3A_82, %swap3A_83, %swap3A_84], %broadcast_in_dim3A_3 {strides = array<i32>} : memref<2x96x128xf32, #tpu.memory_space<vmem>>, vector<16xf32>,
      %swap3A_86 = arith.constant 0 : i32
      %swap3A_87 = arith.index_cast %swap3A_86 : i32 to index
      %swap3A_88 = arith.index_cast %scan3A_81 : i32 to index
      %swap3A_89 = arith.constant 16 : index
      %swap3A_90 = tpu.vector_load %arg15[%swap3A_87, %swap3A_88, %swap3A_89] {strides = array<i32>} : memref<2x96x128xf32, #tpu.memory_space<vmem>>, vector<16xf32>,
      tpu.vector_store %arg15[%swap3A_87, %swap3A_88, %swap3A_89], %broadcast_in_dim3A_3 {strides = array<i32>} : memref<2x96x128xf32, #tpu.memory_space<vmem>>, vector<16xf32>,
      %swap3A_91 = arith.constant 0 : i32
      %swap3A_92 = arith.index_cast %swap3A_91 : i32 to index
      %swap3A_93 = arith.index_cast %scan3A_81 : i32 to index
      %swap3A_94 = arith.constant 32 : index
      %swap3A_95 = tpu.vector_load %arg15[%swap3A_92, %swap3A_93, %swap3A_94] {strides = array<i32>} : memref<2x96x128xf32, #tpu.memory_space<vmem>>, vector<16xf32>,
      tpu.vector_store %arg15[%swap3A_92, %swap3A_93, %swap3A_94], %broadcast_in_dim3A_3 {strides = array<i32>} : memref<2x96x128xf32, #tpu.memory_space<vmem>>, vector<16xf32>,
      %swap3A_96 = arith.constant 0 : i32
      %swap3A_97 = arith.index_cast %swap3A_96 : i32 to index
      %swap3A_98 = arith.index_cast %scan3A_81 : i32 to index
      %swap3A_99 = arith.constant 48 : index
      %swap3A_100 = tpu.vector_load %arg15[%swap3A_97, %swap3A_98, %swap3A_99] {strides = array<i32>} : memref<2x96x128xf32, #tpu.memory_space<vmem>>, vector<16xf32>,
      tpu.vector_store %arg15[%swap3A_97, %swap3A_98, %swap3A_99], %broadcast_in_dim3A_3 {strides = array<i32>} : memref<2x96x128xf32, #tpu.memory_space<vmem>>, vector<16xf32>,
      %swap3A_101 = arith.constant 0 : i32
      %swap3A_102 = arith.index_cast %swap3A_101 : i32 to index
      %swap3A_103 = arith.index_cast %scan3A_81 : i32 to index
      %swap3A_104 = arith.constant 64 : index
      %swap3A_105 = tpu.vector_load %arg15[%swap3A_102, %swap3A_103, %swap3A_104] {strides = array<i32>} : memref<2x96x128xf32, #tpu.memory_space<vmem>>, vector<16xf32>,
      tpu.vector_store %arg15[%swap3A_102, %swap3A_103, %swap3A_104], %broadcast_in_dim3A_3 {strides = array<i32>} : memref<2x96x128xf32, #tpu.memory_space<vmem>>, vector<16xf32>,
      %swap3A_106 = arith.constant 0 : i32
      %swap3A_107 = arith.index_cast %swap3A_106 : i32 to index
      %swap3A_108 = arith.index_cast %scan3A_81 : i32 to index
      %swap3A_109 = arith.constant 80 : index
      %swap3A_110 = tpu.vector_load %arg15[%swap3A_107, %swap3A_108, %swap3A_109] {strides = array<i32>} : memref<2x96x128xf32, #tpu.memory_space<vmem>>, vector<16xf32>,
      tpu.vector_store %arg15[%swap3A_107, %swap3A_108, %swap3A_109], %broadcast_in_dim3A_3 {strides = array<i32>} : memref<2x96x128xf32, #tpu.memory_space<vmem>>, vector<16xf32>,
      %swap3A_111 = arith.constant 0 : i32
      %swap3A_112 = arith.index_cast %swap3A_111 : i32 to index
      %swap3A_113 = arith.index_cast %scan3A_81 : i32 to index
      %swap3A_114 = arith.constant 96 : index
      %swap3A_115 = tpu.vector_load %arg15[%swap3A_112, %swap3A_113, %swap3A_114] {strides = array<i32>} : memref<2x96x128xf32, #tpu.memory_space<vmem>>, vector<16xf32>,
      tpu.vector_store %arg15[%swap3A_112, %swap3A_113, %swap3A_114], %broadcast_in_dim3A_3 {strides = array<i32>} : memref<2x96x128xf32, #tpu.memory_space<vmem>>, vector<16xf32>,
      %swap3A_116 = arith.constant 0 : i32
      %swap3A_117 = arith.index_cast %swap3A_116 : i32 to index
      %swap3A_118 = arith.index_cast %scan3A_81 : i32 to index
      %swap3A_119 = arith.constant 112 : index
      %swap3A_120 = tpu.vector_load %arg15[%swap3A_117, %swap3A_118, %swap3A_119] {strides = array<i32>} : memref<2x96x128xf32, #tpu.memory_space<vmem>>, vector<16xf32>,
      tpu.vector_store %arg15[%swap3A_117, %swap3A_118, %swap3A_119], %broadcast_in_dim3A_3 {strides = array<i32>} : memref<2x96x128xf32, #tpu.memory_space<vmem>>, vector<16xf32>,
    }
    %scan3A_8 = arith.constant 96 : i32
    %scan3A_9 = arith.constant 0 : i32
    %scan3A_10 = arith.constant 0 : i32
    %scan3A_11 = arith.constant 40 : i32
    %scan3A_12 = arith.addi %scan3A_10, %scan3A_11 : i32
    %scan3A_13 = arith.constant 1 : i32
    scf.for %scan3A_81 = %scan3A_10 to %scan3A_12 step %scan3A_13  : i32 {
      %mul3A_82 = arith.constant 16 : i32
      %mul3A_83 = arith.muli %scan3A_81, %mul3A_82 : i32
      %swap3A = arith.index_cast %mul3A_83 : i32 to index
      %swap3A_84 = tpu.vector_load %arg16[%swap3A] {strides = array<i32>} : memref<640xf32, #tpu.memory_space<vmem>>, vector<16xf32>,
      tpu.vector_store %arg16[%swap3A], %broadcast_in_dim3A_3 {strides = array<i32>} : memref<640xf32, #tpu.memory_space<vmem>>, vector<16xf32>,
    }
    %scan3A_14 = arith.constant 40 : i32
    %add3A_15 = arith.constant 0 : i32
    %add3A_16 = arith.addi %mul3A_2, %add3A_15 : i32
    %run_scoped3A = arith.constant 0 : i32
    "tpu.region"() ({
      %run_scoped3A_81 = tpu.sem_alloc : memref<!tpu.dma_semaphore, #tpu.memory_space<semaphore_mem>>
      %dma_start3A_82 = arith.constant 0 : i32
      %dma_start3A_83 = arith.constant 0 : i32
      %dma_start3A_84 = tpu.memref_slice %arg15[%run_scoped3A, %dma_start3A_82, %dma_start3A_83] : memref<2x96x128xf32, #tpu.memory_space<vmem>> -> memref<1x96x128xf32, #tpu.memory_space<vmem>>
      %dma_start3A_85 = tpu.memref_squeeze %dma_start3A_84 : memref<1x96x128xf32, #tpu.memory_space<vmem>> -> memref<96x128xf32, #tpu.memory_space<vmem>>
      %dma_start3A_86 = arith.constant 0 : i32
      %dma_start3A_87 = tpu.memref_slice %arg18[%add3A_16, %dma_start3A_86] : memref<10240x128xf32, #tpu.memory_space<vmem_shared>> -> memref<96x128xf32, #tpu.memory_space<vmem_shared>>
      %dma_start3A_88 = arith.constant 0 : i32
      %dma_start3A_89 = tpu.memref_slice %arg18[%add3A_16, %dma_start3A_88] : memref<10240x128xf32, #tpu.memory_space<vmem_shared>> -> memref<96x128xf32, #tpu.memory_space<vmem_shared>>
      %dma_start3A_90 = arith.constant 0 : i32
      %dma_start3A_91 = arith.constant 0 : i32
      %dma_start3A_92 = tpu.memref_slice %arg15[%run_scoped3A, %dma_start3A_90, %dma_start3A_91] : memref<2x96x128xf32, #tpu.memory_space<vmem>> -> memref<1x96x128xf32, #tpu.memory_space<vmem>>
      %dma_start3A_93 = tpu.memref_squeeze %dma_start3A_92 : memref<1x96x128xf32, #tpu.memory_space<vmem>> -> memref<96x128xf32, #tpu.memory_space<vmem>>
      tpu.enqueue_dma source(%dma_start3A_93 : memref<96x128xf32, #tpu.memory_space<vmem>>) target(%dma_start3A_89 : memref<96x128xf32, #tpu.memory_space<vmem_shared>>) target_semaphore(%run_scoped3A_81 : memref<!tpu.dma_semaphore, #tpu.memory_space<semaphore_mem>>)
      %dma_wait3A_94 = arith.constant 0 : i32
      %dma_wait3A_95 = arith.constant 0 : i32
      %dma_wait3A_96 = tpu.memref_slice %arg15[%run_scoped3A, %dma_wait3A_94, %dma_wait3A_95] : memref<2x96x128xf32, #tpu.memory_space<vmem>> -> memref<1x96x128xf32, #tpu.memory_space<vmem>>
      %dma_wait3A_97 = tpu.memref_squeeze %dma_wait3A_96 : memref<1x96x128xf32, #tpu.memory_space<vmem>> -> memref<96x128xf32, #tpu.memory_space<vmem>>
      %dma_wait3A_98 = arith.constant 0 : i32
      %dma_wait3A_99 = tpu.memref_slice %arg18[%add3A_16, %dma_wait3A_98] : memref<10240x128xf32, #tpu.memory_space<vmem_shared>> -> memref<96x128xf32, #tpu.memory_space<vmem_shared>>
      %dma_wait3A_100 = arith.constant 0 : i32
      %dma_wait3A_101 = tpu.memref_slice %arg18[%add3A_16, %dma_wait3A_100] : memref<10240x128xf32, #tpu.memory_space<vmem_shared>> -> memref<96x128xf32, #tpu.memory_space<vmem_shared>>
      %dma_wait3A_102 = arith.constant 0 : i32
      %dma_wait3A_103 = arith.constant 0 : i32
      %dma_wait3A_104 = tpu.memref_slice %arg15[%run_scoped3A, %dma_wait3A_102, %dma_wait3A_103] : memref<2x96x128xf32, #tpu.memory_space<vmem>> -> memref<1x96x128xf32, #tpu.memory_space<vmem>>
      %dma_wait3A_105 = tpu.memref_squeeze %dma_wait3A_104 : memref<1x96x128xf32, #tpu.memory_space<vmem>> -> memref<96x128xf32, #tpu.memory_space<vmem>>
      tpu.wait_dma2 semaphore(%run_scoped3A_81 : memref<!tpu.dma_semaphore, #tpu.memory_space<semaphore_mem>>) src(%dma_wait3A_105 : memref<96x128xf32, #tpu.memory_space<vmem>>) dst(%dma_wait3A_101 : memref<96x128xf32, #tpu.memory_space<vmem_shared>>)
      tpu.yield
    }) : () -> ()
    %add3A_17 = arith.constant 96 : i32
    %add3A_18 = arith.addi %mul3A_2, %add3A_17 : i32
    %run_scoped3A_19 = arith.constant 0 : i32
    "tpu.region"() ({
      %run_scoped3A_81 = tpu.sem_alloc : memref<!tpu.dma_semaphore, #tpu.memory_space<semaphore_mem>>
      %dma_start3A_82 = arith.constant 0 : i32
      %dma_start3A_83 = arith.constant 0 : i32
      %dma_start3A_84 = tpu.memref_slice %arg15[%run_scoped3A_19, %dma_start3A_82, %dma_start3A_83] : memref<2x96x128xf32, #tpu.memory_space<vmem>> -> memref<1x96x128xf32, #tpu.memory_space<vmem>>
      %dma_start3A_85 = tpu.memref_squeeze %dma_start3A_84 : memref<1x96x128xf32, #tpu.memory_space<vmem>> -> memref<96x128xf32, #tpu.memory_space<vmem>>
      %dma_start3A_86 = arith.constant 0 : i32
      %dma_start3A_87 = tpu.memref_slice %arg18[%add3A_18, %dma_start3A_86] : memref<10240x128xf32, #tpu.memory_space<vmem_shared>> -> memref<96x128xf32, #tpu.memory_space<vmem_shared>>
      %dma_start3A_88 = arith.constant 0 : i32
      %dma_start3A_89 = tpu.memref_slice %arg18[%add3A_18, %dma_start3A_88] : memref<10240x128xf32, #tpu.memory_space<vmem_shared>> -> memref<96x128xf32, #tpu.memory_space<vmem_shared>>
      %dma_start3A_90 = arith.constant 0 : i32
      %dma_start3A_91 = arith.constant 0 : i32
      %dma_start3A_92 = tpu.memref_slice %arg15[%run_scoped3A_19, %dma_start3A_90, %dma_start3A_91] : memref<2x96x128xf32, #tpu.memory_space<vmem>> -> memref<1x96x128xf32, #tpu.memory_space<vmem>>
      %dma_start3A_93 = tpu.memref_squeeze %dma_start3A_92 : memref<1x96x128xf32, #tpu.memory_space<vmem>> -> memref<96x128xf32, #tpu.memory_space<vmem>>
      tpu.enqueue_dma source(%dma_start3A_93 : memref<96x128xf32, #tpu.memory_space<vmem>>) target(%dma_start3A_89 : memref<96x128xf32, #tpu.memory_space<vmem_shared>>) target_semaphore(%run_scoped3A_81 : memref<!tpu.dma_semaphore, #tpu.memory_space<semaphore_mem>>)
      %dma_wait3A_94 = arith.constant 0 : i32
      %dma_wait3A_95 = arith.constant 0 : i32
      %dma_wait3A_96 = tpu.memref_slice %arg15[%run_scoped3A_19, %dma_wait3A_94, %dma_wait3A_95] : memref<2x96x128xf32, #tpu.memory_space<vmem>> -> memref<1x96x128xf32, #tpu.memory_space<vmem>>
      %dma_wait3A_97 = tpu.memref_squeeze %dma_wait3A_96 : memref<1x96x128xf32, #tpu.memory_space<vmem>> -> memref<96x128xf32, #tpu.memory_space<vmem>>
      %dma_wait3A_98 = arith.constant 0 : i32
      %dma_wait3A_99 = tpu.memref_slice %arg18[%add3A_18, %dma_wait3A_98] : memref<10240x128xf32, #tpu.memory_space<vmem_shared>> -> memref<96x128xf32, #tpu.memory_space<vmem_shared>>
      %dma_wait3A_100 = arith.constant 0 : i32
      %dma_wait3A_101 = tpu.memref_slice %arg18[%add3A_18, %dma_wait3A_100] : memref<10240x128xf32, #tpu.memory_space<vmem_shared>> -> memref<96x128xf32, #tpu.memory_space<vmem_shared>>
      %dma_wait3A_102 = arith.constant 0 : i32
      %dma_wait3A_103 = arith.constant 0 : i32
      %dma_wait3A_104 = tpu.memref_slice %arg15[%run_scoped3A_19, %dma_wait3A_102, %dma_wait3A_103] : memref<2x96x128xf32, #tpu.memory_space<vmem>> -> memref<1x96x128xf32, #tpu.memory_space<vmem>>
      %dma_wait3A_105 = tpu.memref_squeeze %dma_wait3A_104 : memref<1x96x128xf32, #tpu.memory_space<vmem>> -> memref<96x128xf32, #tpu.memory_space<vmem>>
      tpu.wait_dma2 semaphore(%run_scoped3A_81 : memref<!tpu.dma_semaphore, #tpu.memory_space<semaphore_mem>>) src(%dma_wait3A_105 : memref<96x128xf32, #tpu.memory_space<vmem>>) dst(%dma_wait3A_101 : memref<96x128xf32, #tpu.memory_space<vmem_shared>>)
      tpu.yield
    }) : () -> ()
    %add3A_20 = arith.constant 192 : i32
    %add3A_21 = arith.addi %mul3A_2, %add3A_20 : i32
    %run_scoped3A_22 = arith.constant 0 : i32
    "tpu.region"() ({
      %run_scoped3A_81 = tpu.sem_alloc : memref<!tpu.dma_semaphore, #tpu.memory_space<semaphore_mem>>
      %dma_start3A_82 = arith.constant 0 : i32
      %dma_start3A_83 = arith.constant 0 : i32
      %dma_start3A_84 = tpu.memref_slice %arg15[%run_scoped3A_22, %dma_start3A_82, %dma_start3A_83] : memref<2x96x128xf32, #tpu.memory_space<vmem>> -> memref<1x96x128xf32, #tpu.memory_space<vmem>>
      %dma_start3A_85 = tpu.memref_squeeze %dma_start3A_84 : memref<1x96x128xf32, #tpu.memory_space<vmem>> -> memref<96x128xf32, #tpu.memory_space<vmem>>
      %dma_start3A_86 = arith.constant 0 : i32
      %dma_start3A_87 = tpu.memref_slice %arg18[%add3A_21, %dma_start3A_86] : memref<10240x128xf32, #tpu.memory_space<vmem_shared>> -> memref<96x128xf32, #tpu.memory_space<vmem_shared>>
      %dma_start3A_88 = arith.constant 0 : i32
      %dma_start3A_89 = tpu.memref_slice %arg18[%add3A_21, %dma_start3A_88] : memref<10240x128xf32, #tpu.memory_space<vmem_shared>> -> memref<96x128xf32, #tpu.memory_space<vmem_shared>>
      %dma_start3A_90 = arith.constant 0 : i32
      %dma_start3A_91 = arith.constant 0 : i32
      %dma_start3A_92 = tpu.memref_slice %arg15[%run_scoped3A_22, %dma_start3A_90, %dma_start3A_91] : memref<2x96x128xf32, #tpu.memory_space<vmem>> -> memref<1x96x128xf32, #tpu.memory_space<vmem>>
      %dma_start3A_93 = tpu.memref_squeeze %dma_start3A_92 : memref<1x96x128xf32, #tpu.memory_space<vmem>> -> memref<96x128xf32, #tpu.memory_space<vmem>>
      tpu.enqueue_dma source(%dma_start3A_93 : memref<96x128xf32, #tpu.memory_space<vmem>>) target(%dma_start3A_89 : memref<96x128xf32, #tpu.memory_space<vmem_shared>>) target_semaphore(%run_scoped3A_81 : memref<!tpu.dma_semaphore, #tpu.memory_space<semaphore_mem>>)
      %dma_wait3A_94 = arith.constant 0 : i32
      %dma_wait3A_95 = arith.constant 0 : i32
      %dma_wait3A_96 = tpu.memref_slice %arg15[%run_scoped3A_22, %dma_wait3A_94, %dma_wait3A_95] : memref<2x96x128xf32, #tpu.memory_space<vmem>> -> memref<1x96x128xf32, #tpu.memory_space<vmem>>
      %dma_wait3A_97 = tpu.memref_squeeze %dma_wait3A_96 : memref<1x96x128xf32, #tpu.memory_space<vmem>> -> memref<96x128xf32, #tpu.memory_space<vmem>>
      %dma_wait3A_98 = arith.constant 0 : i32
      %dma_wait3A_99 = tpu.memref_slice %arg18[%add3A_21, %dma_wait3A_98] : memref<10240x128xf32, #tpu.memory_space<vmem_shared>> -> memref<96x128xf32, #tpu.memory_space<vmem_shared>>
      %dma_wait3A_100 = arith.constant 0 : i32
      %dma_wait3A_101 = tpu.memref_slice %arg18[%add3A_21, %dma_wait3A_100] : memref<10240x128xf32, #tpu.memory_space<vmem_shared>> -> memref<96x128xf32, #tpu.memory_space<vmem_shared>>
      %dma_wait3A_102 = arith.constant 0 : i32
      %dma_wait3A_103 = arith.constant 0 : i32
      %dma_wait3A_104 = tpu.memref_slice %arg15[%run_scoped3A_22, %dma_wait3A_102, %dma_wait3A_103] : memref<2x96x128xf32, #tpu.memory_space<vmem>> -> memref<1x96x128xf32, #tpu.memory_space<vmem>>
      %dma_wait3A_105 = tpu.memref_squeeze %dma_wait3A_104 : memref<1x96x128xf32, #tpu.memory_space<vmem>> -> memref<96x128xf32, #tpu.memory_space<vmem>>
      tpu.wait_dma2 semaphore(%run_scoped3A_81 : memref<!tpu.dma_semaphore, #tpu.memory_space<semaphore_mem>>) src(%dma_wait3A_105 : memref<96x128xf32, #tpu.memory_space<vmem>>) dst(%dma_wait3A_101 : memref<96x128xf32, #tpu.memory_space<vmem_shared>>)
      tpu.yield
    }) : () -> ()
    %add3A_23 = arith.constant 288 : i32
    %add3A_24 = arith.addi %mul3A_2, %add3A_23 : i32
    %run_scoped3A_25 = arith.constant 0 : i32
    "tpu.region"() ({
      %run_scoped3A_81 = tpu.sem_alloc : memref<!tpu.dma_semaphore, #tpu.memory_space<semaphore_mem>>
      %dma_start3A_82 = arith.constant 0 : i32
      %dma_start3A_83 = arith.constant 0 : i32
      %dma_start3A_84 = tpu.memref_slice %arg15[%run_scoped3A_25, %dma_start3A_82, %dma_start3A_83] : memref<2x96x128xf32, #tpu.memory_space<vmem>> -> memref<1x96x128xf32, #tpu.memory_space<vmem>>
      %dma_start3A_85 = tpu.memref_squeeze %dma_start3A_84 : memref<1x96x128xf32, #tpu.memory_space<vmem>> -> memref<96x128xf32, #tpu.memory_space<vmem>>
      %dma_start3A_86 = arith.constant 0 : i32
      %dma_start3A_87 = tpu.memref_slice %arg18[%add3A_24, %dma_start3A_86] : memref<10240x128xf32, #tpu.memory_space<vmem_shared>> -> memref<96x128xf32, #tpu.memory_space<vmem_shared>>
      %dma_start3A_88 = arith.constant 0 : i32
      %dma_start3A_89 = tpu.memref_slice %arg18[%add3A_24, %dma_start3A_88] : memref<10240x128xf32, #tpu.memory_space<vmem_shared>> -> memref<96x128xf32, #tpu.memory_space<vmem_shared>>
      %dma_start3A_90 = arith.constant 0 : i32
      %dma_start3A_91 = arith.constant 0 : i32
      %dma_start3A_92 = tpu.memref_slice %arg15[%run_scoped3A_25, %dma_start3A_90, %dma_start3A_91] : memref<2x96x128xf32, #tpu.memory_space<vmem>> -> memref<1x96x128xf32, #tpu.memory_space<vmem>>
      %dma_start3A_93 = tpu.memref_squeeze %dma_start3A_92 : memref<1x96x128xf32, #tpu.memory_space<vmem>> -> memref<96x128xf32, #tpu.memory_space<vmem>>
      tpu.enqueue_dma source(%dma_start3A_93 : memref<96x128xf32, #tpu.memory_space<vmem>>) target(%dma_start3A_89 : memref<96x128xf32, #tpu.memory_space<vmem_shared>>) target_semaphore(%run_scoped3A_81 : memref<!tpu.dma_semaphore, #tpu.memory_space<semaphore_mem>>)
      %dma_wait3A_94 = arith.constant 0 : i32
      %dma_wait3A_95 = arith.constant 0 : i32
      %dma_wait3A_96 = tpu.memref_slice %arg15[%run_scoped3A_25, %dma_wait3A_94, %dma_wait3A_95] : memref<2x96x128xf32, #tpu.memory_space<vmem>> -> memref<1x96x128xf32, #tpu.memory_space<vmem>>
      %dma_wait3A_97 = tpu.memref_squeeze %dma_wait3A_96 : memref<1x96x128xf32, #tpu.memory_space<vmem>> -> memref<96x128xf32, #tpu.memory_space<vmem>>
      %dma_wait3A_98 = arith.constant 0 : i32
      %dma_wait3A_99 = tpu.memref_slice %arg18[%add3A_24, %dma_wait3A_98] : memref<10240x128xf32, #tpu.memory_space<vmem_shared>> -> memref<96x128xf32, #tpu.memory_space<vmem_shared>>
      %dma_wait3A_100 = arith.constant 0 : i32
      %dma_wait3A_101 = tpu.memref_slice %arg18[%add3A_24, %dma_wait3A_100] : memref<10240x128xf32, #tpu.memory_space<vmem_shared>> -> memref<96x128xf32, #tpu.memory_space<vmem_shared>>
      %dma_wait3A_102 = arith.constant 0 : i32
      %dma_wait3A_103 = arith.constant 0 : i32
      %dma_wait3A_104 = tpu.memref_slice %arg15[%run_scoped3A_25, %dma_wait3A_102, %dma_wait3A_103] : memref<2x96x128xf32, #tpu.memory_space<vmem>> -> memref<1x96x128xf32, #tpu.memory_space<vmem>>
      %dma_wait3A_105 = tpu.memref_squeeze %dma_wait3A_104 : memref<1x96x128xf32, #tpu.memory_space<vmem>> -> memref<96x128xf32, #tpu.memory_space<vmem>>
      tpu.wait_dma2 semaphore(%run_scoped3A_81 : memref<!tpu.dma_semaphore, #tpu.memory_space<semaphore_mem>>) src(%dma_wait3A_105 : memref<96x128xf32, #tpu.memory_space<vmem>>) dst(%dma_wait3A_101 : memref<96x128xf32, #tpu.memory_space<vmem_shared>>)
      tpu.yield
    }) : () -> ()
    %add3A_26 = arith.constant 384 : i32
    %add3A_27 = arith.addi %mul3A_2, %add3A_26 : i32
    %run_scoped3A_28 = arith.constant 0 : i32
    "tpu.region"() ({
      %run_scoped3A_81 = tpu.sem_alloc : memref<!tpu.dma_semaphore, #tpu.memory_space<semaphore_mem>>
      %dma_start3A_82 = arith.constant 0 : i32
      %dma_start3A_83 = arith.constant 0 : i32
      %dma_start3A_84 = tpu.memref_slice %arg15[%run_scoped3A_28, %dma_start3A_82, %dma_start3A_83] : memref<2x96x128xf32, #tpu.memory_space<vmem>> -> memref<1x96x128xf32, #tpu.memory_space<vmem>>
      %dma_start3A_85 = tpu.memref_squeeze %dma_start3A_84 : memref<1x96x128xf32, #tpu.memory_space<vmem>> -> memref<96x128xf32, #tpu.memory_space<vmem>>
      %dma_start3A_86 = arith.constant 0 : i32
      %dma_start3A_87 = tpu.memref_slice %arg18[%add3A_27, %dma_start3A_86] : memref<10240x128xf32, #tpu.memory_space<vmem_shared>> -> memref<96x128xf32, #tpu.memory_space<vmem_shared>>
      %dma_start3A_88 = arith.constant 0 : i32
      %dma_start3A_89 = tpu.memref_slice %arg18[%add3A_27, %dma_start3A_88] : memref<10240x128xf32, #tpu.memory_space<vmem_shared>> -> memref<96x128xf32, #tpu.memory_space<vmem_shared>>
      %dma_start3A_90 = arith.constant 0 : i32
      %dma_start3A_91 = arith.constant 0 : i32
      %dma_start3A_92 = tpu.memref_slice %arg15[%run_scoped3A_28, %dma_start3A_90, %dma_start3A_91] : memref<2x96x128xf32, #tpu.memory_space<vmem>> -> memref<1x96x128xf32, #tpu.memory_space<vmem>>
      %dma_start3A_93 = tpu.memref_squeeze %dma_start3A_92 : memref<1x96x128xf32, #tpu.memory_space<vmem>> -> memref<96x128xf32, #tpu.memory_space<vmem>>
      tpu.enqueue_dma source(%dma_start3A_93 : memref<96x128xf32, #tpu.memory_space<vmem>>) target(%dma_start3A_89 : memref<96x128xf32, #tpu.memory_space<vmem_shared>>) target_semaphore(%run_scoped3A_81 : memref<!tpu.dma_semaphore, #tpu.memory_space<semaphore_mem>>)
      %dma_wait3A_94 = arith.constant 0 : i32
      %dma_wait3A_95 = arith.constant 0 : i32
      %dma_wait3A_96 = tpu.memref_slice %arg15[%run_scoped3A_28, %dma_wait3A_94, %dma_wait3A_95] : memref<2x96x128xf32, #tpu.memory_space<vmem>> -> memref<1x96x128xf32, #tpu.memory_space<vmem>>
      %dma_wait3A_97 = tpu.memref_squeeze %dma_wait3A_96 : memref<1x96x128xf32, #tpu.memory_space<vmem>> -> memref<96x128xf32, #tpu.memory_space<vmem>>
      %dma_wait3A_98 = arith.constant 0 : i32
      %dma_wait3A_99 = tpu.memref_slice %arg18[%add3A_27, %dma_wait3A_98] : memref<10240x128xf32, #tpu.memory_space<vmem_shared>> -> memref<96x128xf32, #tpu.memory_space<vmem_shared>>
      %dma_wait3A_100 = arith.constant 0 : i32
      %dma_wait3A_101 = tpu.memref_slice %arg18[%add3A_27, %dma_wait3A_100] : memref<10240x128xf32, #tpu.memory_space<vmem_shared>> -> memref<96x128xf32, #tpu.memory_space<vmem_shared>>
      %dma_wait3A_102 = arith.constant 0 : i32
      %dma_wait3A_103 = arith.constant 0 : i32
      %dma_wait3A_104 = tpu.memref_slice %arg15[%run_scoped3A_28, %dma_wait3A_102, %dma_wait3A_103] : memref<2x96x128xf32, #tpu.memory_space<vmem>> -> memref<1x96x128xf32, #tpu.memory_space<vmem>>
      %dma_wait3A_105 = tpu.memref_squeeze %dma_wait3A_104 : memref<1x96x128xf32, #tpu.memory_space<vmem>> -> memref<96x128xf32, #tpu.memory_space<vmem>>
      tpu.wait_dma2 semaphore(%run_scoped3A_81 : memref<!tpu.dma_semaphore, #tpu.memory_space<semaphore_mem>>) src(%dma_wait3A_105 : memref<96x128xf32, #tpu.memory_space<vmem>>) dst(%dma_wait3A_101 : memref<96x128xf32, #tpu.memory_space<vmem_shared>>)
      tpu.yield
    }) : () -> ()
    %add3A_29 = arith.constant 480 : i32
    %add3A_30 = arith.addi %mul3A_2, %add3A_29 : i32
    %run_scoped3A_31 = arith.constant 0 : i32
    "tpu.region"() ({
      %run_scoped3A_81 = tpu.sem_alloc : memref<!tpu.dma_semaphore, #tpu.memory_space<semaphore_mem>>
      %dma_start3A_82 = arith.constant 0 : i32
      %dma_start3A_83 = arith.constant 0 : i32
      %dma_start3A_84 = tpu.memref_slice %arg15[%run_scoped3A_31, %dma_start3A_82, %dma_start3A_83] : memref<2x96x128xf32, #tpu.memory_space<vmem>> -> memref<1x96x128xf32, #tpu.memory_space<vmem>>
      %dma_start3A_85 = tpu.memref_squeeze %dma_start3A_84 : memref<1x96x128xf32, #tpu.memory_space<vmem>> -> memref<96x128xf32, #tpu.memory_space<vmem>>
      %dma_start3A_86 = arith.constant 0 : i32
      %dma_start3A_87 = tpu.memref_slice %arg18[%add3A_30, %dma_start3A_86] : memref<10240x128xf32, #tpu.memory_space<vmem_shared>> -> memref<96x128xf32, #tpu.memory_space<vmem_shared>>
      %dma_start3A_88 = arith.constant 0 : i32
      %dma_start3A_89 = tpu.memref_slice %arg18[%add3A_30, %dma_start3A_88] : memref<10240x128xf32, #tpu.memory_space<vmem_shared>> -> memref<96x128xf32, #tpu.memory_space<vmem_shared>>
      %dma_start3A_90 = arith.constant 0 : i32
      %dma_start3A_91 = arith.constant 0 : i32
      %dma_start3A_92 = tpu.memref_slice %arg15[%run_scoped3A_31, %dma_start3A_90, %dma_start3A_91] : memref<2x96x128xf32, #tpu.memory_space<vmem>> -> memref<1x96x128xf32, #tpu.memory_space<vmem>>
      %dma_start3A_93 = tpu.memref_squeeze %dma_start3A_92 : memref<1x96x128xf32, #tpu.memory_space<vmem>> -> memref<96x128xf32, #tpu.memory_space<vmem>>
      tpu.enqueue_dma source(%dma_start3A_93 : memref<96x128xf32, #tpu.memory_space<vmem>>) target(%dma_start3A_89 : memref<96x128xf32, #tpu.memory_space<vmem_shared>>) target_semaphore(%run_scoped3A_81 : memref<!tpu.dma_semaphore, #tpu.memory_space<semaphore_mem>>)
      %dma_wait3A_94 = arith.constant 0 : i32
      %dma_wait3A_95 = arith.constant 0 : i32
      %dma_wait3A_96 = tpu.memref_slice %arg15[%run_scoped3A_31, %dma_wait3A_94, %dma_wait3A_95] : memref<2x96x128xf32, #tpu.memory_space<vmem>> -> memref<1x96x128xf32, #tpu.memory_space<vmem>>
      %dma_wait3A_97 = tpu.memref_squeeze %dma_wait3A_96 : memref<1x96x128xf32, #tpu.memory_space<vmem>> -> memref<96x128xf32, #tpu.memory_space<vmem>>
      %dma_wait3A_98 = arith.constant 0 : i32
      %dma_wait3A_99 = tpu.memref_slice %arg18[%add3A_30, %dma_wait3A_98] : memref<10240x128xf32, #tpu.memory_space<vmem_shared>> -> memref<96x128xf32, #tpu.memory_space<vmem_shared>>
      %dma_wait3A_100 = arith.constant 0 : i32
      %dma_wait3A_101 = tpu.memref_slice %arg18[%add3A_30, %dma_wait3A_100] : memref<10240x128xf32, #tpu.memory_space<vmem_shared>> -> memref<96x128xf32, #tpu.memory_space<vmem_shared>>
      %dma_wait3A_102 = arith.constant 0 : i32
      %dma_wait3A_103 = arith.constant 0 : i32
      %dma_wait3A_104 = tpu.memref_slice %arg15[%run_scoped3A_31, %dma_wait3A_102, %dma_wait3A_103] : memref<2x96x128xf32, #tpu.memory_space<vmem>> -> memref<1x96x128xf32, #tpu.memory_space<vmem>>
      %dma_wait3A_105 = tpu.memref_squeeze %dma_wait3A_104 : memref<1x96x128xf32, #tpu.memory_space<vmem>> -> memref<96x128xf32, #tpu.memory_space<vmem>>
      tpu.wait_dma2 semaphore(%run_scoped3A_81 : memref<!tpu.dma_semaphore, #tpu.memory_space<semaphore_mem>>) src(%dma_wait3A_105 : memref<96x128xf32, #tpu.memory_space<vmem>>) dst(%dma_wait3A_101 : memref<96x128xf32, #tpu.memory_space<vmem_shared>>)
      tpu.yield
    }) : () -> ()
    %add3A_32 = arith.constant 576 : i32
    %add3A_33 = arith.addi %mul3A_2, %add3A_32 : i32
    %run_scoped3A_34 = arith.constant 0 : i32
    "tpu.region"() ({
      %run_scoped3A_81 = tpu.sem_alloc : memref<!tpu.dma_semaphore, #tpu.memory_space<semaphore_mem>>
      %dma_start3A_82 = arith.constant 0 : i32
      %dma_start3A_83 = arith.constant 0 : i32
      %dma_start3A_84 = tpu.memref_slice %arg15[%run_scoped3A_34, %dma_start3A_82, %dma_start3A_83] : memref<2x96x128xf32, #tpu.memory_space<vmem>> -> memref<1x96x128xf32, #tpu.memory_space<vmem>>
      %dma_start3A_85 = tpu.memref_squeeze %dma_start3A_84 : memref<1x96x128xf32, #tpu.memory_space<vmem>> -> memref<96x128xf32, #tpu.memory_space<vmem>>
      %dma_start3A_86 = arith.constant 0 : i32
      %dma_start3A_87 = arith.constant 0 : i32
      %dma_start3A_88 = tpu.memref_slice %dma_start3A_85[%dma_start3A_86, %dma_start3A_87] : memref<96x128xf32, #tpu.memory_space<vmem>> -> memref<64x128xf32, #tpu.memory_space<vmem>>
      %dma_start3A_89 = arith.constant 0 : i32
      %dma_start3A_90 = tpu.memref_slice %arg18[%add3A_33, %dma_start3A_89] : memref<10240x128xf32, #tpu.memory_space<vmem_shared>> -> memref<64x128xf32, #tpu.memory_space<vmem_shared>>
      %dma_start3A_91 = arith.constant 0 : i32
      %dma_start3A_92 = tpu.memref_slice %arg18[%add3A_33, %dma_start3A_91] : memref<10240x128xf32, #tpu.memory_space<vmem_shared>> -> memref<64x128xf32, #tpu.memory_space<vmem_shared>>
      %dma_start3A_93 = arith.constant 0 : i32
      %dma_start3A_94 = arith.constant 0 : i32
      %dma_start3A_95 = tpu.memref_slice %arg15[%run_scoped3A_34, %dma_start3A_93, %dma_start3A_94] : memref<2x96x128xf32, #tpu.memory_space<vmem>> -> memref<1x96x128xf32, #tpu.memory_space<vmem>>
      %dma_start3A_96 = tpu.memref_squeeze %dma_start3A_95 : memref<1x96x128xf32, #tpu.memory_space<vmem>> -> memref<96x128xf32, #tpu.memory_space<vmem>>
      %dma_start3A_97 = arith.constant 0 : i32
      %dma_start3A_98 = arith.constant 0 : i32
      %dma_start3A_99 = tpu.memref_slice %dma_start3A_96[%dma_start3A_97, %dma_start3A_98] : memref<96x128xf32, #tpu.memory_space<vmem>> -> memref<64x128xf32, #tpu.memory_space<vmem>>
      tpu.enqueue_dma source(%dma_start3A_99 : memref<64x128xf32, #tpu.memory_space<vmem>>) target(%dma_start3A_92 : memref<64x128xf32, #tpu.memory_space<vmem_shared>>) target_semaphore(%run_scoped3A_81 : memref<!tpu.dma_semaphore, #tpu.memory_space<semaphore_mem>>)
      %dma_wait3A_100 = arith.constant 0 : i32
      %dma_wait3A_101 = arith.constant 0 : i32
      %dma_wait3A_102 = tpu.memref_slice %arg15[%run_scoped3A_34, %dma_wait3A_100, %dma_wait3A_101] : memref<2x96x128xf32, #tpu.memory_space<vmem>> -> memref<1x96x128xf32, #tpu.memory_space<vmem>>
      %dma_wait3A_103 = tpu.memref_squeeze %dma_wait3A_102 : memref<1x96x128xf32, #tpu.memory_space<vmem>> -> memref<96x128xf32, #tpu.memory_space<vmem>>
      %dma_wait3A_104 = arith.constant 0 : i32
      %dma_wait3A_105 = arith.constant 0 : i32
      %dma_wait3A_106 = tpu.memref_slice %dma_wait3A_103[%dma_wait3A_104, %dma_wait3A_105] : memref<96x128xf32, #tpu.memory_space<vmem>> -> memref<64x128xf32, #tpu.memory_space<vmem>>
      %dma_wait3A_107 = arith.constant 0 : i32
      %dma_wait3A_108 = tpu.memref_slice %arg18[%add3A_33, %dma_wait3A_107] : memref<10240x128xf32, #tpu.memory_space<vmem_shared>> -> memref<64x128xf32, #tpu.memory_space<vmem_shared>>
      %dma_wait3A_109 = arith.constant 0 : i32
      %dma_wait3A_110 = tpu.memref_slice %arg18[%add3A_33, %dma_wait3A_109] : memref<10240x128xf32, #tpu.memory_space<vmem_shared>> -> memref<64x128xf32, #tpu.memory_space<vmem_shared>>
      %dma_wait3A_111 = arith.constant 0 : i32
      %dma_wait3A_112 = arith.constant 0 : i32
      %dma_wait3A_113 = tpu.memref_slice %arg15[%run_scoped3A_34, %dma_wait3A_111, %dma_wait3A_112] : memref<2x96x128xf32, #tpu.memory_space<vmem>> -> memref<1x96x128xf32, #tpu.memory_space<vmem>>
      %dma_wait3A_114 = tpu.memref_squeeze %dma_wait3A_113 : memref<1x96x128xf32, #tpu.memory_space<vmem>> -> memref<96x128xf32, #tpu.memory_space<vmem>>
      %dma_wait3A_115 = arith.constant 0 : i32
      %dma_wait3A_116 = arith.constant 0 : i32
      %dma_wait3A_117 = tpu.memref_slice %dma_wait3A_114[%dma_wait3A_115, %dma_wait3A_116] : memref<96x128xf32, #tpu.memory_space<vmem>> -> memref<64x128xf32, #tpu.memory_space<vmem>>
      tpu.wait_dma2 semaphore(%run_scoped3A_81 : memref<!tpu.dma_semaphore, #tpu.memory_space<semaphore_mem>>) src(%dma_wait3A_117 : memref<64x128xf32, #tpu.memory_space<vmem>>) dst(%dma_wait3A_110 : memref<64x128xf32, #tpu.memory_space<vmem_shared>>)
      tpu.yield
    }) : () -> ()
    "tpu.region"() ({
      %run_scoped3A_81 = tpu.sem_alloc : memref<!tpu.dma_semaphore, #tpu.memory_space<semaphore_mem>>
      %dma_start3A_82 = tpu.memref_slice %arg19[%mul3A_2] : memref<10240xf32, #tpu.memory_space<vmem_shared>> -> memref<640xf32, #tpu.memory_space<vmem_shared>>
      %dma_start3A_83 = tpu.memref_slice %arg19[%mul3A_2] : memref<10240xf32, #tpu.memory_space<vmem_shared>> -> memref<640xf32, #tpu.memory_space<vmem_shared>>
      tpu.enqueue_dma source(%arg16 : memref<640xf32, #tpu.memory_space<vmem>>) target(%dma_start3A_83 : memref<640xf32, #tpu.memory_space<vmem_shared>>) target_semaphore(%run_scoped3A_81 : memref<!tpu.dma_semaphore, #tpu.memory_space<semaphore_mem>>)
      %dma_wait3A_84 = tpu.memref_slice %arg19[%mul3A_2] : memref<10240xf32, #tpu.memory_space<vmem_shared>> -> memref<640xf32, #tpu.memory_space<vmem_shared>>
      %dma_wait3A_85 = tpu.memref_slice %arg19[%mul3A_2] : memref<10240xf32, #tpu.memory_space<vmem_shared>> -> memref<640xf32, #tpu.memory_space<vmem_shared>>
      tpu.wait_dma2 semaphore(%run_scoped3A_81 : memref<!tpu.dma_semaphore, #tpu.memory_space<semaphore_mem>>) src(%arg16 : memref<640xf32, #tpu.memory_space<vmem>>) dst(%dma_wait3A_85 : memref<640xf32, #tpu.memory_space<vmem_shared>>)
      tpu.yield
    }) : () -> ()
    "tpu.region"() ({
      %run_scoped3A_81 = tpu.sem_alloc : memref<!tpu.dma_semaphore, #tpu.memory_space<semaphore_mem>>
      tpu.enqueue_dma source(%arg3 : memref<10240xf32, #tpu.memory_space<hbm>>) target(%arg10 : memref<10240xf32, #tpu.memory_space<vmem>>) target_semaphore(%run_scoped3A_81 : memref<!tpu.dma_semaphore, #tpu.memory_space<semaphore_mem>>)
      tpu.wait_dma2 semaphore(%run_scoped3A_81 : memref<!tpu.dma_semaphore, #tpu.memory_space<semaphore_mem>>) src(%arg3 : memref<10240xf32, #tpu.memory_space<hbm>>) dst(%arg10 : memref<10240xf32, #tpu.memory_space<vmem>>)
      tpu.yield
    }) : () -> ()
    "tpu.region"() ({
      %run_scoped3A_81 = tpu.sem_alloc : memref<!tpu.dma_semaphore, #tpu.memory_space<semaphore_mem>>
      tpu.enqueue_dma source(%arg4 : memref<10240xf32, #tpu.memory_space<hbm>>) target(%arg11 : memref<10240xf32, #tpu.memory_space<vmem>>) target_semaphore(%run_scoped3A_81 : memref<!tpu.dma_semaphore, #tpu.memory_space<semaphore_mem>>)
      tpu.wait_dma2 semaphore(%run_scoped3A_81 : memref<!tpu.dma_semaphore, #tpu.memory_space<semaphore_mem>>) src(%arg4 : memref<10240xf32, #tpu.memory_space<hbm>>) dst(%arg11 : memref<10240xf32, #tpu.memory_space<vmem>>)
      tpu.yield
    }) : () -> ()
    "tpu.region"() ({
      %run_scoped3A_81 = tpu.sem_alloc : memref<!tpu.dma_semaphore, #tpu.memory_space<semaphore_mem>>
      tpu.enqueue_dma source(%arg5 : memref<16xf32, #tpu.memory_space<hbm>>) target(%arg17 : memref<16xf32, #tpu.memory_space<vmem>>) target_semaphore(%run_scoped3A_81 : memref<!tpu.dma_semaphore, #tpu.memory_space<semaphore_mem>>)
      tpu.wait_dma2 semaphore(%run_scoped3A_81 : memref<!tpu.dma_semaphore, #tpu.memory_space<semaphore_mem>>) src(%arg5 : memref<16xf32, #tpu.memory_space<hbm>>) dst(%arg17 : memref<16xf32, #tpu.memory_space<vmem>>)
      tpu.yield
    }) : () -> ()
    %barrier3A = arith.constant 0 : index
    tpu.barrier barrier_id(%barrier3A)
    %get3A = arith.constant 0 : index
    %get3A_35 = tpu.vector_load %arg17[%get3A] {strides = array<i32>} : memref<16xf32, #tpu.memory_space<vmem>>, vector<16xf32>,
    %iota3A = tpu.iota {dimensions = array<i32: 0>} : vector<16xi32>
    %mul3A_36 = arith.constant 10368 : i32
    %mul3A_37 = arith.muli %add3A, %mul3A_36 : i32
    %run_scoped3A_38 = arith.constant 0 : i32
    %run_scoped3A_39 = arith.constant 0 : i32
    "tpu.region"() ({
      %run_scoped3A_81 = tpu.sem_alloc : memref<!tpu.dma_semaphore, #tpu.memory_space<semaphore_mem>>
      %dma_start3A_82 = arith.constant 0 : i32
      %dma_start3A_83 = tpu.memref_slice %arg12[%run_scoped3A_39, %dma_start3A_82] : memref<2x96xi32, #tpu.memory_space<vmem>> -> memref<1x96xi32, #tpu.memory_space<vmem>>
      %dma_start3A_84 = tpu.memref_squeeze %dma_start3A_83 : memref<1x96xi32, #tpu.memory_space<vmem>> -> memref<96xi32, #tpu.memory_space<vmem>>
      %dma_start3A_85 = arith.constant 0 : i32
      %dma_start3A_86 = tpu.memref_slice %arg6[%add3A, %run_scoped3A_38, %dma_start3A_85] : memref<32x108x96xi32, #tpu.memory_space<hbm>> -> memref<1x1x96xi32, #tpu.memory_space<hbm>>
      %dma_start3A_87 = tpu.memref_squeeze %dma_start3A_86 : memref<1x1x96xi32, #tpu.memory_space<hbm>> -> memref<96xi32, #tpu.memory_space<hbm>>
      %dma_start3A_88 = arith.constant 0 : i32
      %dma_start3A_89 = tpu.memref_slice %arg12[%run_scoped3A_39, %dma_start3A_88] : memref<2x96xi32, #tpu.memory_space<vmem>> -> memref<1x96xi32, #tpu.memory_space<vmem>>
      %dma_start3A_90 = tpu.memref_squeeze %dma_start3A_89 : memref<1x96xi32, #tpu.memory_space<vmem>> -> memref<96xi32, #tpu.memory_space<vmem>>
      %dma_start3A_91 = arith.constant 0 : i32
      %dma_start3A_92 = tpu.memref_slice %arg6[%add3A, %run_scoped3A_38, %dma_start3A_91] : memref<32x108x96xi32, #tpu.memory_space<hbm>> -> memref<1x1x96xi32, #tpu.memory_space<hbm>>
      %dma_start3A_93 = tpu.memref_squeeze %dma_start3A_92 : memref<1x1x96xi32, #tpu.memory_space<hbm>> -> memref<96xi32, #tpu.memory_space<hbm>>
      tpu.enqueue_dma source(%dma_start3A_93 : memref<96xi32, #tpu.memory_space<hbm>>) target(%dma_start3A_90 : memref<96xi32, #tpu.memory_space<vmem>>) target_semaphore(%run_scoped3A_81 : memref<!tpu.dma_semaphore, #tpu.memory_space<semaphore_mem>>)
      %dma_wait3A_94 = arith.constant 0 : i32
      %dma_wait3A_95 = tpu.memref_slice %arg12[%run_scoped3A_39, %dma_wait3A_94] : memref<2x96xi32, #tpu.memory_space<vmem>> -> memref<1x96xi32, #tpu.memory_space<vmem>>
      %dma_wait3A_96 = tpu.memref_squeeze %dma_wait3A_95 : memref<1x96xi32, #tpu.memory_space<vmem>> -> memref<96xi32, #tpu.memory_space<vmem>>
      %dma_wait3A_97 = arith.constant 0 : i32
      %dma_wait3A_98 = tpu.memref_slice %arg6[%add3A, %run_scoped3A_38, %dma_wait3A_97] : memref<32x108x96xi32, #tpu.memory_space<hbm>> -> memref<1x1x96xi32, #tpu.memory_space<hbm>>
      %dma_wait3A_99 = tpu.memref_squeeze %dma_wait3A_98 : memref<1x1x96xi32, #tpu.memory_space<hbm>> -> memref<96xi32, #tpu.memory_space<hbm>>
      %dma_wait3A_100 = arith.constant 0 : i32
      %dma_wait3A_101 = tpu.memref_slice %arg12[%run_scoped3A_39, %dma_wait3A_100] : memref<2x96xi32, #tpu.memory_space<vmem>> -> memref<1x96xi32, #tpu.memory_space<vmem>>
      %dma_wait3A_102 = tpu.memref_squeeze %dma_wait3A_101 : memref<1x96xi32, #tpu.memory_space<vmem>> -> memref<96xi32, #tpu.memory_space<vmem>>
      %dma_wait3A_103 = arith.constant 0 : i32
      %dma_wait3A_104 = tpu.memref_slice %arg6[%add3A, %run_scoped3A_38, %dma_wait3A_103] : memref<32x108x96xi32, #tpu.memory_space<hbm>> -> memref<1x1x96xi32, #tpu.memory_space<hbm>>
      %dma_wait3A_105 = tpu.memref_squeeze %dma_wait3A_104 : memref<1x1x96xi32, #tpu.memory_space<hbm>> -> memref<96xi32, #tpu.memory_space<hbm>>
      tpu.wait_dma2 semaphore(%run_scoped3A_81 : memref<!tpu.dma_semaphore, #tpu.memory_space<semaphore_mem>>) src(%dma_wait3A_105 : memref<96xi32, #tpu.memory_space<hbm>>) dst(%dma_wait3A_102 : memref<96xi32, #tpu.memory_space<vmem>>)
      tpu.yield
    }) : () -> ()
    %run_scoped3A_40 = arith.constant 0 : i32
    %run_scoped3A_41 = arith.constant 0 : i32
    "tpu.region"() ({
      %run_scoped3A_81 = tpu.sem_alloc : memref<!tpu.dma_semaphore, #tpu.memory_space<semaphore_mem>>
      %dma_start3A_82 = arith.constant 0 : i32
      %dma_start3A_83 = tpu.memref_slice %arg13[%run_scoped3A_41, %dma_start3A_82] : memref<2x96xi32, #tpu.memory_space<vmem>> -> memref<1x96xi32, #tpu.memory_space<vmem>>
      %dma_start3A_84 = tpu.memref_squeeze %dma_start3A_83 : memref<1x96xi32, #tpu.memory_space<vmem>> -> memref<96xi32, #tpu.memory_space<vmem>>
      %dma_start3A_85 = arith.constant 0 : i32
      %dma_start3A_86 = tpu.memref_slice %arg7[%add3A, %run_scoped3A_40, %dma_start3A_85] : memref<32x108x96xi32, #tpu.memory_space<hbm>> -> memref<1x1x96xi32, #tpu.memory_space<hbm>>
      %dma_start3A_87 = tpu.memref_squeeze %dma_start3A_86 : memref<1x1x96xi32, #tpu.memory_space<hbm>> -> memref<96xi32, #tpu.memory_space<hbm>>
      %dma_start3A_88 = arith.constant 0 : i32
      %dma_start3A_89 = tpu.memref_slice %arg13[%run_scoped3A_41, %dma_start3A_88] : memref<2x96xi32, #tpu.memory_space<vmem>> -> memref<1x96xi32, #tpu.memory_space<vmem>>
      %dma_start3A_90 = tpu.memref_squeeze %dma_start3A_89 : memref<1x96xi32, #tpu.memory_space<vmem>> -> memref<96xi32, #tpu.memory_space<vmem>>
      %dma_start3A_91 = arith.constant 0 : i32
      %dma_start3A_92 = tpu.memref_slice %arg7[%add3A, %run_scoped3A_40, %dma_start3A_91] : memref<32x108x96xi32, #tpu.memory_space<hbm>> -> memref<1x1x96xi32, #tpu.memory_space<hbm>>
      %dma_start3A_93 = tpu.memref_squeeze %dma_start3A_92 : memref<1x1x96xi32, #tpu.memory_space<hbm>> -> memref<96xi32, #tpu.memory_space<hbm>>
      tpu.enqueue_dma source(%dma_start3A_93 : memref<96xi32, #tpu.memory_space<hbm>>) target(%dma_start3A_90 : memref<96xi32, #tpu.memory_space<vmem>>) target_semaphore(%run_scoped3A_81 : memref<!tpu.dma_semaphore, #tpu.memory_space<semaphore_mem>>)
      %dma_wait3A_94 = arith.constant 0 : i32
      %dma_wait3A_95 = tpu.memref_slice %arg13[%run_scoped3A_41, %dma_wait3A_94] : memref<2x96xi32, #tpu.memory_space<vmem>> -> memref<1x96xi32, #tpu.memory_space<vmem>>
      %dma_wait3A_96 = tpu.memref_squeeze %dma_wait3A_95 : memref<1x96xi32, #tpu.memory_space<vmem>> -> memref<96xi32, #tpu.memory_space<vmem>>
      %dma_wait3A_97 = arith.constant 0 : i32
      %dma_wait3A_98 = tpu.memref_slice %arg7[%add3A, %run_scoped3A_40, %dma_wait3A_97] : memref<32x108x96xi32, #tpu.memory_space<hbm>> -> memref<1x1x96xi32, #tpu.memory_space<hbm>>
      %dma_wait3A_99 = tpu.memref_squeeze %dma_wait3A_98 : memref<1x1x96xi32, #tpu.memory_space<hbm>> -> memref<96xi32, #tpu.memory_space<hbm>>
      %dma_wait3A_100 = arith.constant 0 : i32
      %dma_wait3A_101 = tpu.memref_slice %arg13[%run_scoped3A_41, %dma_wait3A_100] : memref<2x96xi32, #tpu.memory_space<vmem>> -> memref<1x96xi32, #tpu.memory_space<vmem>>
      %dma_wait3A_102 = tpu.memref_squeeze %dma_wait3A_101 : memref<1x96xi32, #tpu.memory_space<vmem>> -> memref<96xi32, #tpu.memory_space<vmem>>
      %dma_wait3A_103 = arith.constant 0 : i32
      %dma_wait3A_104 = tpu.memref_slice %arg7[%add3A, %run_scoped3A_40, %dma_wait3A_103] : memref<32x108x96xi32, #tpu.memory_space<hbm>> -> memref<1x1x96xi32, #tpu.memory_space<hbm>>
      %dma_wait3A_105 = tpu.memref_squeeze %dma_wait3A_104 : memref<1x1x96xi32, #tpu.memory_space<hbm>> -> memref<96xi32, #tpu.memory_space<hbm>>
      tpu.wait_dma2 semaphore(%run_scoped3A_81 : memref<!tpu.dma_semaphore, #tpu.memory_space<semaphore_mem>>) src(%dma_wait3A_105 : memref<96xi32, #tpu.memory_space<hbm>>) dst(%dma_wait3A_102 : memref<96xi32, #tpu.memory_space<vmem>>)
      tpu.yield
    }) : () -> ()
    %dma_start3A = arith.constant 0 : i32
    %dma_start3A_42 = arith.constant 0 : i32
    %dma_start3A_43 = arith.constant 0 : i32
    %dma_start3A_44 = arith.constant 0 : i32
    %dma_start3A_45 = tpu.memref_slice %arg15[%dma_start3A_42, %dma_start3A_43, %dma_start3A_44] : memref<2x96x128xf32, #tpu.memory_space<vmem>> -> memref<1x96x128xf32, #tpu.memory_space<vmem>>
    %dma_start3A_46 = tpu.memref_squeeze %dma_start3A_45 : memref<1x96x128xf32, #tpu.memory_space<vmem>> -> memref<96x128xf32, #tpu.memory_space<vmem>>
    %dma_start3A_47 = arith.constant 0 : i32
    %dma_start3A_48 = tpu.memref_slice %arg12[%dma_start3A, %dma_start3A_47] : memref<2x96xi32, #tpu.memory_space<vmem>> -> memref<1x96xi32, #tpu.memory_space<vmem>>
    %dma_start3A_49 = tpu.memref_squeeze %dma_start3A_48 : memref<1x96xi32, #tpu.memory_space<vmem>> -> memref<96xi32, #tpu.memory_space<vmem>>
    %dma_start3A_50 = arith.constant 0 : i32
    %dma_start3A_51 = arith.constant 0 : i32
    %dma_start3A_52 = tpu.memref_slice %arg2[%dma_start3A_50, %dma_start3A_51] : memref<10240x128xf32, #tpu.memory_space<hbm>> -> memref<10240x128xf32, #tpu.memory_space<hbm>>
    tpu.enqueue_indirect_dma source(%dma_start3A_52 : memref<10240x128xf32, #tpu.memory_space<hbm>>) target(%dma_start3A_46 : memref<96x128xf32, #tpu.memory_space<vmem>>) offsets(%dma_start3A_49 : memref<96xi32, #tpu.memory_space<vmem>>) semaphore(%arg21 : memref<!tpu.dma_semaphore, #tpu.memory_space<semaphore_mem>>)
    %scan3A_53 = arith.constant 0 : i32
    %scan3A_54 = arith.constant 0 : i32
    %scan3A_55 = arith.constant 54 : i32
    %scan3A_56 = arith.addi %scan3A_54, %scan3A_55 : i32
    %scan3A_57 = arith.constant 1 : i32
    scf.for %scan3A_81 = %scan3A_54 to %scan3A_56 step %scan3A_57  : i32 {
      %mul3A_82 = arith.constant 2 : i32
      %mul3A_83 = arith.muli %scan3A_81, %mul3A_82 : i32
      %add3A_84 = arith.constant 0 : i32
      %add3A_85 = arith.addi %mul3A_83, %add3A_84 : i32
      %add3A_86 = arith.constant 1 : i32
      %add3A_87 = arith.addi %add3A_85, %add3A_86 : i32
      %gt3A = arith.constant 0 : i32
      %gt3A_88 = arith.cmpi sgt, %scan3A_81, %gt3A : i32
      %convert_element_type3A = arith.extui %gt3A_88 : i1 to i32
      %cond3A = arith.constant 0 : i32
      %cond3A_89 = arith.cmpi ne, %convert_element_type3A, %cond3A : i32
      scf.if %cond3A_89 {
        %dma_wait3A_710 = arith.constant 1 : i32
        %dma_wait3A_711 = arith.constant 1 : i32
        %dma_wait3A_712 = arith.constant 0 : i32
        %dma_wait3A_713 = tpu.memref_slice %arg14[%dma_wait3A_710, %dma_wait3A_712] : memref<2x96xf32, #tpu.memory_space<vmem>> -> memref<1x96xf32, #tpu.memory_space<vmem>>
        %dma_wait3A_714 = tpu.memref_squeeze %dma_wait3A_713 : memref<1x96xf32, #tpu.memory_space<vmem>> -> memref<96xf32, #tpu.memory_space<vmem>>
        %dma_wait3A_715 = arith.constant 0 : i32
        %dma_wait3A_716 = tpu.memref_slice %arg13[%dma_wait3A_711, %dma_wait3A_715] : memref<2x96xi32, #tpu.memory_space<vmem>> -> memref<1x96xi32, #tpu.memory_space<vmem>>
        %dma_wait3A_717 = tpu.memref_squeeze %dma_wait3A_716 : memref<1x96xi32, #tpu.memory_space<vmem>> -> memref<96xi32, #tpu.memory_space<vmem>>
        %dma_wait3A_718 = arith.constant 0 : i32
        %dma_wait3A_719 = tpu.memref_slice %arg19[%dma_wait3A_718] : memref<10240xf32, #tpu.memory_space<vmem_shared>> -> memref<10240xf32, #tpu.memory_space<vmem_shared>>
        tpu.wait_indirect_dma semaphore(%arg23 : memref<!tpu.dma_semaphore, #tpu.memory_space<semaphore_mem>>) src(%dma_wait3A_714 : memref<96xf32, #tpu.memory_space<vmem>>) dst(%dma_wait3A_719 : memref<10240xf32, #tpu.memory_space<vmem_shared>>)
      } else {
      }
      %get3A_90 = arith.constant 0 : i32
      %get3A_91 = arith.index_cast %get3A_90 : i32 to index
      %get3A_92 = arith.constant 0 : index
      %get3A_93 = tpu.vector_load %arg12[%get3A_91, %get3A_92] {strides = array<i32>} : memref<2x96xi32, #tpu.memory_space<vmem>>, vector<16xi32>,
      %get3A_94 = arith.constant 0 : i32
      %get3A_95 = arith.index_cast %get3A_94 : i32 to index
      %get3A_96 = arith.constant 0 : index
      %get3A_97 = tpu.vector_load %arg13[%get3A_95, %get3A_96] {strides = array<i32>} : memref<2x96xi32, #tpu.memory_space<vmem>>, vector<16xi32>,
      %gather3A = tpu.vector_load_idx %arg10[%get3A_93] : memref<10240xf32, #tpu.memory_space<vmem>>[vector<16xi32>], vector<16xf32>,
      %gather3A_98 = tpu.vector_load_idx %arg11[%get3A_97] : memref<10240xf32, #tpu.memory_space<vmem>>[vector<16xi32>], vector<16xf32>,
      %add3A_99 = arith.addf %gather3A, %gather3A_98 : vector<16xf32>
      %ge3A = arith.constant 0.000000e+00 : f32
      %ge3A_100 = vector.broadcast %ge3A : f32 to vector<16xf32>
      %ge3A_101 = arith.cmpf oge, %add3A_99, %ge3A_100 : vector<16xf32>
      %mul3A_102 = arith.constant 2.000000e-01 : f32
      %mul3A_103 = vector.broadcast %mul3A_102 : f32 to vector<16xf32>
      %mul3A_104 = arith.mulf %mul3A_103, %add3A_99 : vector<16xf32>
      %select_n3A = arith.select %ge3A_101, %add3A_99, %mul3A_104 : vector<16xi1>, vector<16xf32>
      %sub3A = arith.subf %select_n3A, %get3A_35 : vector<16xf32>
      %exp3A = math.exp %sub3A : vector<16xf32>
      %mul3A_105 = arith.constant 96 : i32
      %mul3A_106 = arith.muli %add3A_85, %mul3A_105 : i32
      %add3A_107 = arith.addi %mul3A_37, %mul3A_106 : i32
      %add3A_108 = arith.constant 0 : i32
      %add3A_109 = arith.addi %add3A_107, %add3A_108 : i32
      %add3A_110 = vector.broadcast %add3A_109 : i32 to vector<16xi32>
      %add3A_111 = arith.addi %add3A_110, %iota3A : vector<16xi32>
      %lt3A = arith.constant 330000 : i32
      %lt3A_112 = vector.broadcast %lt3A : i32 to vector<16xi32>
      %lt3A_113 = arith.cmpi slt, %add3A_111, %lt3A_112 : vector<16xi32>
      %jit3A = arith.constant 0.000000e+00 : f32
      %broadcast_in_dim3A_114 = vector.broadcast %jit3A : f32 to vector<16xf32>
      %select_n3A_115 = arith.select %lt3A_113, %exp3A, %broadcast_in_dim3A_114 : vector<16xi1>, vector<16xf32>
      %swap3A = arith.constant 0 : i32
      %swap3A_116 = arith.index_cast %swap3A : i32 to index
      %swap3A_117 = arith.constant 0 : index
      %swap3A_118 = tpu.vector_load %arg14[%swap3A_116, %swap3A_117] {strides = array<i32>} : memref<2x96xf32, #tpu.memory_space<vmem>>, vector<16xf32>,
      tpu.vector_store %arg14[%swap3A_116, %swap3A_117], %select_n3A_115 {strides = array<i32>} : memref<2x96xf32, #tpu.memory_space<vmem>>, vector<16xf32>,
      %get3A_119 = arith.constant 0 : i32
      %get3A_120 = arith.index_cast %get3A_119 : i32 to index
      %get3A_121 = arith.constant 16 : index
      %get3A_122 = tpu.vector_load %arg12[%get3A_120, %get3A_121] {strides = array<i32>} : memref<2x96xi32, #tpu.memory_space<vmem>>, vector<16xi32>,
      %get3A_123 = arith.constant 0 : i32
      %get3A_124 = arith.index_cast %get3A_123 : i32 to index
      %get3A_125 = arith.constant 16 : index
      %get3A_126 = tpu.vector_load %arg13[%get3A_124, %get3A_125] {strides = array<i32>} : memref<2x96xi32, #tpu.memory_space<vmem>>, vector<16xi32>,
      %gather3A_127 = tpu.vector_load_idx %arg10[%get3A_122] : memref<10240xf32, #tpu.memory_space<vmem>>[vector<16xi32>], vector<16xf32>,
      %gather3A_128 = tpu.vector_load_idx %arg11[%get3A_126] : memref<10240xf32, #tpu.memory_space<vmem>>[vector<16xi32>], vector<16xf32>,
      %add3A_129 = arith.addf %gather3A_127, %gather3A_128 : vector<16xf32>
      %ge3A_130 = arith.constant 0.000000e+00 : f32
      %ge3A_131 = vector.broadcast %ge3A_130 : f32 to vector<16xf32>
      %ge3A_132 = arith.cmpf oge, %add3A_129, %ge3A_131 : vector<16xf32>
      %mul3A_133 = arith.constant 2.000000e-01 : f32
      %mul3A_134 = vector.broadcast %mul3A_133 : f32 to vector<16xf32>
      %mul3A_135 = arith.mulf %mul3A_134, %add3A_129 : vector<16xf32>
      %select_n3A_136 = arith.select %ge3A_132, %add3A_129, %mul3A_135 : vector<16xi1>, vector<16xf32>
      %sub3A_137 = arith.subf %select_n3A_136, %get3A_35 : vector<16xf32>
      %exp3A_138 = math.exp %sub3A_137 : vector<16xf32>
      %mul3A_139 = arith.constant 96 : i32
      %mul3A_140 = arith.muli %add3A_85, %mul3A_139 : i32
      %add3A_141 = arith.addi %mul3A_37, %mul3A_140 : i32
      %add3A_142 = arith.constant 16 : i32
      %add3A_143 = arith.addi %add3A_141, %add3A_142 : i32
      %add3A_144 = vector.broadcast %add3A_143 : i32 to vector<16xi32>
      %add3A_145 = arith.addi %add3A_144, %iota3A : vector<16xi32>
      %lt3A_146 = arith.constant 330000 : i32
      %lt3A_147 = vector.broadcast %lt3A_146 : i32 to vector<16xi32>
      %lt3A_148 = arith.cmpi slt, %add3A_145, %lt3A_147 : vector<16xi32>
      %jit3A_149 = arith.constant 0.000000e+00 : f32
      %broadcast_in_dim3A_150 = vector.broadcast %jit3A_149 : f32 to vector<16xf32>
      %select_n3A_151 = arith.select %lt3A_148, %exp3A_138, %broadcast_in_dim3A_150 : vector<16xi1>, vector<16xf32>
      %swap3A_152 = arith.constant 0 : i32
      %swap3A_153 = arith.index_cast %swap3A_152 : i32 to index
      %swap3A_154 = arith.constant 16 : index
      %swap3A_155 = tpu.vector_load %arg14[%swap3A_153, %swap3A_154] {strides = array<i32>} : memref<2x96xf32, #tpu.memory_space<vmem>>, vector<16xf32>,
      tpu.vector_store %arg14[%swap3A_153, %swap3A_154], %select_n3A_151 {strides = array<i32>} : memref<2x96xf32, #tpu.memory_space<vmem>>, vector<16xf32>,
      %get3A_156 = arith.constant 0 : i32
      %get3A_157 = arith.index_cast %get3A_156 : i32 to index
      %get3A_158 = arith.constant 32 : index
      %get3A_159 = tpu.vector_load %arg12[%get3A_157, %get3A_158] {strides = array<i32>} : memref<2x96xi32, #tpu.memory_space<vmem>>, vector<16xi32>,
      %get3A_160 = arith.constant 0 : i32
      %get3A_161 = arith.index_cast %get3A_160 : i32 to index
      %get3A_162 = arith.constant 32 : index
      %get3A_163 = tpu.vector_load %arg13[%get3A_161, %get3A_162] {strides = array<i32>} : memref<2x96xi32, #tpu.memory_space<vmem>>, vector<16xi32>,
      %gather3A_164 = tpu.vector_load_idx %arg10[%get3A_159] : memref<10240xf32, #tpu.memory_space<vmem>>[vector<16xi32>], vector<16xf32>,
      %gather3A_165 = tpu.vector_load_idx %arg11[%get3A_163] : memref<10240xf32, #tpu.memory_space<vmem>>[vector<16xi32>], vector<16xf32>,
      %add3A_166 = arith.addf %gather3A_164, %gather3A_165 : vector<16xf32>
      %ge3A_167 = arith.constant 0.000000e+00 : f32
      %ge3A_168 = vector.broadcast %ge3A_167 : f32 to vector<16xf32>
      %ge3A_169 = arith.cmpf oge, %add3A_166, %ge3A_168 : vector<16xf32>
      %mul3A_170 = arith.constant 2.000000e-01 : f32
      %mul3A_171 = vector.broadcast %mul3A_170 : f32 to vector<16xf32>
      %mul3A_172 = arith.mulf %mul3A_171, %add3A_166 : vector<16xf32>
      %select_n3A_173 = arith.select %ge3A_169, %add3A_166, %mul3A_172 : vector<16xi1>, vector<16xf32>
      %sub3A_174 = arith.subf %select_n3A_173, %get3A_35 : vector<16xf32>
      %exp3A_175 = math.exp %sub3A_174 : vector<16xf32>
      %mul3A_176 = arith.constant 96 : i32
      %mul3A_177 = arith.muli %add3A_85, %mul3A_176 : i32
      %add3A_178 = arith.addi %mul3A_37, %mul3A_177 : i32
      %add3A_179 = arith.constant 32 : i32
      %add3A_180 = arith.addi %add3A_178, %add3A_179 : i32
      %add3A_181 = vector.broadcast %add3A_180 : i32 to vector<16xi32>
      %add3A_182 = arith.addi %add3A_181, %iota3A : vector<16xi32>
      %lt3A_183 = arith.constant 330000 : i32
      %lt3A_184 = vector.broadcast %lt3A_183 : i32 to vector<16xi32>
      %lt3A_185 = arith.cmpi slt, %add3A_182, %lt3A_184 : vector<16xi32>
      %jit3A_186 = arith.constant 0.000000e+00 : f32
      %broadcast_in_dim3A_187 = vector.broadcast %jit3A_186 : f32 to vector<16xf32>
      %select_n3A_188 = arith.select %lt3A_185, %exp3A_175, %broadcast_in_dim3A_187 : vector<16xi1>, vector<16xf32>
      %swap3A_189 = arith.constant 0 : i32
      %swap3A_190 = arith.index_cast %swap3A_189 : i32 to index
      %swap3A_191 = arith.constant 32 : index
      %swap3A_192 = tpu.vector_load %arg14[%swap3A_190, %swap3A_191] {strides = array<i32>} : memref<2x96xf32, #tpu.memory_space<vmem>>, vector<16xf32>,
      tpu.vector_store %arg14[%swap3A_190, %swap3A_191], %select_n3A_188 {strides = array<i32>} : memref<2x96xf32, #tpu.memory_space<vmem>>, vector<16xf32>,
      %get3A_193 = arith.constant 0 : i32
      %get3A_194 = arith.index_cast %get3A_193 : i32 to index
      %get3A_195 = arith.constant 48 : index
      %get3A_196 = tpu.vector_load %arg12[%get3A_194, %get3A_195] {strides = array<i32>} : memref<2x96xi32, #tpu.memory_space<vmem>>, vector<16xi32>,
      %get3A_197 = arith.constant 0 : i32
      %get3A_198 = arith.index_cast %get3A_197 : i32 to index
      %get3A_199 = arith.constant 48 : index
      %get3A_200 = tpu.vector_load %arg13[%get3A_198, %get3A_199] {strides = array<i32>} : memref<2x96xi32, #tpu.memory_space<vmem>>, vector<16xi32>,
      %gather3A_201 = tpu.vector_load_idx %arg10[%get3A_196] : memref<10240xf32, #tpu.memory_space<vmem>>[vector<16xi32>], vector<16xf32>,
      %gather3A_202 = tpu.vector_load_idx %arg11[%get3A_200] : memref<10240xf32, #tpu.memory_space<vmem>>[vector<16xi32>], vector<16xf32>,
      %add3A_203 = arith.addf %gather3A_201, %gather3A_202 : vector<16xf32>
      %ge3A_204 = arith.constant 0.000000e+00 : f32
      %ge3A_205 = vector.broadcast %ge3A_204 : f32 to vector<16xf32>
      %ge3A_206 = arith.cmpf oge, %add3A_203, %ge3A_205 : vector<16xf32>
      %mul3A_207 = arith.constant 2.000000e-01 : f32
      %mul3A_208 = vector.broadcast %mul3A_207 : f32 to vector<16xf32>
      %mul3A_209 = arith.mulf %mul3A_208, %add3A_203 : vector<16xf32>
      %select_n3A_210 = arith.select %ge3A_206, %add3A_203, %mul3A_209 : vector<16xi1>, vector<16xf32>
      %sub3A_211 = arith.subf %select_n3A_210, %get3A_35 : vector<16xf32>
      %exp3A_212 = math.exp %sub3A_211 : vector<16xf32>
      %mul3A_213 = arith.constant 96 : i32
      %mul3A_214 = arith.muli %add3A_85, %mul3A_213 : i32
      %add3A_215 = arith.addi %mul3A_37, %mul3A_214 : i32
      %add3A_216 = arith.constant 48 : i32
      %add3A_217 = arith.addi %add3A_215, %add3A_216 : i32
      %add3A_218 = vector.broadcast %add3A_217 : i32 to vector<16xi32>
      %add3A_219 = arith.addi %add3A_218, %iota3A : vector<16xi32>
      %lt3A_220 = arith.constant 330000 : i32
      %lt3A_221 = vector.broadcast %lt3A_220 : i32 to vector<16xi32>
      %lt3A_222 = arith.cmpi slt, %add3A_219, %lt3A_221 : vector<16xi32>
      %jit3A_223 = arith.constant 0.000000e+00 : f32
      %broadcast_in_dim3A_224 = vector.broadcast %jit3A_223 : f32 to vector<16xf32>
      %select_n3A_225 = arith.select %lt3A_222, %exp3A_212, %broadcast_in_dim3A_224 : vector<16xi1>, vector<16xf32>
      %swap3A_226 = arith.constant 0 : i32
      %swap3A_227 = arith.index_cast %swap3A_226 : i32 to index
      %swap3A_228 = arith.constant 48 : index
      %swap3A_229 = tpu.vector_load %arg14[%swap3A_227, %swap3A_228] {strides = array<i32>} : memref<2x96xf32, #tpu.memory_space<vmem>>, vector<16xf32>,
      tpu.vector_store %arg14[%swap3A_227, %swap3A_228], %select_n3A_225 {strides = array<i32>} : memref<2x96xf32, #tpu.memory_space<vmem>>, vector<16xf32>,
      %get3A_230 = arith.constant 0 : i32
      %get3A_231 = arith.index_cast %get3A_230 : i32 to index
      %get3A_232 = arith.constant 64 : index
      %get3A_233 = tpu.vector_load %arg12[%get3A_231, %get3A_232] {strides = array<i32>} : memref<2x96xi32, #tpu.memory_space<vmem>>, vector<16xi32>,
      %get3A_234 = arith.constant 0 : i32
      %get3A_235 = arith.index_cast %get3A_234 : i32 to index
      %get3A_236 = arith.constant 64 : index
      %get3A_237 = tpu.vector_load %arg13[%get3A_235, %get3A_236] {strides = array<i32>} : memref<2x96xi32, #tpu.memory_space<vmem>>, vector<16xi32>,
      %gather3A_238 = tpu.vector_load_idx %arg10[%get3A_233] : memref<10240xf32, #tpu.memory_space<vmem>>[vector<16xi32>], vector<16xf32>,
      %gather3A_239 = tpu.vector_load_idx %arg11[%get3A_237] : memref<10240xf32, #tpu.memory_space<vmem>>[vector<16xi32>], vector<16xf32>,
      %add3A_240 = arith.addf %gather3A_238, %gather3A_239 : vector<16xf32>
      %ge3A_241 = arith.constant 0.000000e+00 : f32
      %ge3A_242 = vector.broadcast %ge3A_241 : f32 to vector<16xf32>
      %ge3A_243 = arith.cmpf oge, %add3A_240, %ge3A_242 : vector<16xf32>
      %mul3A_244 = arith.constant 2.000000e-01 : f32
      %mul3A_245 = vector.broadcast %mul3A_244 : f32 to vector<16xf32>
      %mul3A_246 = arith.mulf %mul3A_245, %add3A_240 : vector<16xf32>
      %select_n3A_247 = arith.select %ge3A_243, %add3A_240, %mul3A_246 : vector<16xi1>, vector<16xf32>
      %sub3A_248 = arith.subf %select_n3A_247, %get3A_35 : vector<16xf32>
      %exp3A_249 = math.exp %sub3A_248 : vector<16xf32>
      %mul3A_250 = arith.constant 96 : i32
      %mul3A_251 = arith.muli %add3A_85, %mul3A_250 : i32
      %add3A_252 = arith.addi %mul3A_37, %mul3A_251 : i32
      %add3A_253 = arith.constant 64 : i32
      %add3A_254 = arith.addi %add3A_252, %add3A_253 : i32
      %add3A_255 = vector.broadcast %add3A_254 : i32 to vector<16xi32>
      %add3A_256 = arith.addi %add3A_255, %iota3A : vector<16xi32>
      %lt3A_257 = arith.constant 330000 : i32
      %lt3A_258 = vector.broadcast %lt3A_257 : i32 to vector<16xi32>
      %lt3A_259 = arith.cmpi slt, %add3A_256, %lt3A_258 : vector<16xi32>
      %jit3A_260 = arith.constant 0.000000e+00 : f32
      %broadcast_in_dim3A_261 = vector.broadcast %jit3A_260 : f32 to vector<16xf32>
      %select_n3A_262 = arith.select %lt3A_259, %exp3A_249, %broadcast_in_dim3A_261 : vector<16xi1>, vector<16xf32>
      %swap3A_263 = arith.constant 0 : i32
      %swap3A_264 = arith.index_cast %swap3A_263 : i32 to index
      %swap3A_265 = arith.constant 64 : index
      %swap3A_266 = tpu.vector_load %arg14[%swap3A_264, %swap3A_265] {strides = array<i32>} : memref<2x96xf32, #tpu.memory_space<vmem>>, vector<16xf32>,
      tpu.vector_store %arg14[%swap3A_264, %swap3A_265], %select_n3A_262 {strides = array<i32>} : memref<2x96xf32, #tpu.memory_space<vmem>>, vector<16xf32>,
      %get3A_267 = arith.constant 0 : i32
      %get3A_268 = arith.index_cast %get3A_267 : i32 to index
      %get3A_269 = arith.constant 80 : index
      %get3A_270 = tpu.vector_load %arg12[%get3A_268, %get3A_269] {strides = array<i32>} : memref<2x96xi32, #tpu.memory_space<vmem>>, vector<16xi32>,
      %get3A_271 = arith.constant 0 : i32
      %get3A_272 = arith.index_cast %get3A_271 : i32 to index
      %get3A_273 = arith.constant 80 : index
      %get3A_274 = tpu.vector_load %arg13[%get3A_272, %get3A_273] {strides = array<i32>} : memref<2x96xi32, #tpu.memory_space<vmem>>, vector<16xi32>,
      %gather3A_275 = tpu.vector_load_idx %arg10[%get3A_270] : memref<10240xf32, #tpu.memory_space<vmem>>[vector<16xi32>], vector<16xf32>,
      %gather3A_276 = tpu.vector_load_idx %arg11[%get3A_274] : memref<10240xf32, #tpu.memory_space<vmem>>[vector<16xi32>], vector<16xf32>,
      %add3A_277 = arith.addf %gather3A_275, %gather3A_276 : vector<16xf32>
      %ge3A_278 = arith.constant 0.000000e+00 : f32
      %ge3A_279 = vector.broadcast %ge3A_278 : f32 to vector<16xf32>
      %ge3A_280 = arith.cmpf oge, %add3A_277, %ge3A_279 : vector<16xf32>
      %mul3A_281 = arith.constant 2.000000e-01 : f32
      %mul3A_282 = vector.broadcast %mul3A_281 : f32 to vector<16xf32>
      %mul3A_283 = arith.mulf %mul3A_282, %add3A_277 : vector<16xf32>
      %select_n3A_284 = arith.select %ge3A_280, %add3A_277, %mul3A_283 : vector<16xi1>, vector<16xf32>
      %sub3A_285 = arith.subf %select_n3A_284, %get3A_35 : vector<16xf32>
      %exp3A_286 = math.exp %sub3A_285 : vector<16xf32>
      %mul3A_287 = arith.constant 96 : i32
      %mul3A_288 = arith.muli %add3A_85, %mul3A_287 : i32
      %add3A_289 = arith.addi %mul3A_37, %mul3A_288 : i32
      %add3A_290 = arith.constant 80 : i32
      %add3A_291 = arith.addi %add3A_289, %add3A_290 : i32
      %add3A_292 = vector.broadcast %add3A_291 : i32 to vector<16xi32>
      %add3A_293 = arith.addi %add3A_292, %iota3A : vector<16xi32>
      %lt3A_294 = arith.constant 330000 : i32
      %lt3A_295 = vector.broadcast %lt3A_294 : i32 to vector<16xi32>
      %lt3A_296 = arith.cmpi slt, %add3A_293, %lt3A_295 : vector<16xi32>
      %jit3A_297 = arith.constant 0.000000e+00 : f32
      %broadcast_in_dim3A_298 = vector.broadcast %jit3A_297 : f32 to vector<16xf32>
      %select_n3A_299 = arith.select %lt3A_296, %exp3A_286, %broadcast_in_dim3A_298 : vector<16xi1>, vector<16xf32>
      %swap3A_300 = arith.constant 0 : i32
      %swap3A_301 = arith.index_cast %swap3A_300 : i32 to index
      %swap3A_302 = arith.constant 80 : index
      %swap3A_303 = tpu.vector_load %arg14[%swap3A_301, %swap3A_302] {strides = array<i32>} : memref<2x96xf32, #tpu.memory_space<vmem>>, vector<16xf32>,
      tpu.vector_store %arg14[%swap3A_301, %swap3A_302], %select_n3A_299 {strides = array<i32>} : memref<2x96xf32, #tpu.memory_space<vmem>>, vector<16xf32>,
      %dma_start3A_304 = arith.constant 0 : i32
      %dma_start3A_305 = arith.constant 0 : i32
      %dma_start3A_306 = arith.constant 0 : i32
      %dma_start3A_307 = tpu.memref_slice %arg14[%dma_start3A_304, %dma_start3A_306] : memref<2x96xf32, #tpu.memory_space<vmem>> -> memref<1x96xf32, #tpu.memory_space<vmem>>
      %dma_start3A_308 = tpu.memref_squeeze %dma_start3A_307 : memref<1x96xf32, #tpu.memory_space<vmem>> -> memref<96xf32, #tpu.memory_space<vmem>>
      %dma_start3A_309 = arith.constant 0 : i32
      %dma_start3A_310 = tpu.memref_slice %arg13[%dma_start3A_305, %dma_start3A_309] : memref<2x96xi32, #tpu.memory_space<vmem>> -> memref<1x96xi32, #tpu.memory_space<vmem>>
      %dma_start3A_311 = tpu.memref_squeeze %dma_start3A_310 : memref<1x96xi32, #tpu.memory_space<vmem>> -> memref<96xi32, #tpu.memory_space<vmem>>
      %dma_start3A_312 = arith.constant 0 : i32
      %dma_start3A_313 = tpu.memref_slice %arg19[%dma_start3A_312] : memref<10240xf32, #tpu.memory_space<vmem_shared>> -> memref<10240xf32, #tpu.memory_space<vmem_shared>>
      tpu.enqueue_indirect_dma source(%dma_start3A_308 : memref<96xf32, #tpu.memory_space<vmem>>) target(%dma_start3A_313 : memref<10240xf32, #tpu.memory_space<vmem_shared>>) offsets(%dma_start3A_311 : memref<96xi32, #tpu.memory_space<vmem>>) semaphore(%arg23 : memref<!tpu.dma_semaphore, #tpu.memory_space<semaphore_mem>>) {add = true}
      %dma_wait3A_314 = arith.constant 0 : i32
      %dma_wait3A_315 = arith.constant 0 : i32
      %dma_wait3A_316 = arith.constant 0 : i32
      %dma_wait3A_317 = arith.constant 0 : i32
      %dma_wait3A_318 = tpu.memref_slice %arg15[%dma_wait3A_315, %dma_wait3A_316, %dma_wait3A_317] : memref<2x96x128xf32, #tpu.memory_space<vmem>> -> memref<1x96x128xf32, #tpu.memory_space<vmem>>
      %dma_wait3A_319 = tpu.memref_squeeze %dma_wait3A_318 : memref<1x96x128xf32, #tpu.memory_space<vmem>> -> memref<96x128xf32, #tpu.memory_space<vmem>>
      %dma_wait3A_320 = arith.constant 0 : i32
      %dma_wait3A_321 = tpu.memref_slice %arg12[%dma_wait3A_314, %dma_wait3A_320] : memref<2x96xi32, #tpu.memory_space<vmem>> -> memref<1x96xi32, #tpu.memory_space<vmem>>
      %dma_wait3A_322 = tpu.memref_squeeze %dma_wait3A_321 : memref<1x96xi32, #tpu.memory_space<vmem>> -> memref<96xi32, #tpu.memory_space<vmem>>
      %dma_wait3A_323 = arith.constant 0 : i32
      %dma_wait3A_324 = arith.constant 0 : i32
      %dma_wait3A_325 = tpu.memref_slice %arg2[%dma_wait3A_323, %dma_wait3A_324] : memref<10240x128xf32, #tpu.memory_space<hbm>> -> memref<10240x128xf32, #tpu.memory_space<hbm>>
      tpu.wait_indirect_dma semaphore(%arg21 : memref<!tpu.dma_semaphore, #tpu.memory_space<semaphore_mem>>) src(%dma_wait3A_325 : memref<10240x128xf32, #tpu.memory_space<hbm>>) dst(%dma_wait3A_319 : memref<96x128xf32, #tpu.memory_space<vmem>>)
      %gt3A_326 = arith.constant 0 : i32
      %gt3A_327 = arith.cmpi sgt, %scan3A_81, %gt3A_326 : i32
      %convert_element_type3A_328 = arith.extui %gt3A_327 : i1 to i32
      %cond3A_329 = arith.constant 0 : i32
      %cond3A_330 = arith.cmpi ne, %convert_element_type3A_328, %cond3A_329 : i32
      scf.if %cond3A_330 {
        %dma_wait3A_710 = arith.constant 1 : i32
        %dma_wait3A_711 = arith.constant 1 : i32
        %dma_wait3A_712 = arith.constant 0 : i32
        %dma_wait3A_713 = arith.constant 0 : i32
        %dma_wait3A_714 = tpu.memref_slice %arg15[%dma_wait3A_710, %dma_wait3A_712, %dma_wait3A_713] : memref<2x96x128xf32, #tpu.memory_space<vmem>> -> memref<1x96x128xf32, #tpu.memory_space<vmem>>
        %dma_wait3A_715 = tpu.memref_squeeze %dma_wait3A_714 : memref<1x96x128xf32, #tpu.memory_space<vmem>> -> memref<96x128xf32, #tpu.memory_space<vmem>>
        %dma_wait3A_716 = arith.constant 0 : i32
        %dma_wait3A_717 = tpu.memref_slice %arg13[%dma_wait3A_711, %dma_wait3A_716] : memref<2x96xi32, #tpu.memory_space<vmem>> -> memref<1x96xi32, #tpu.memory_space<vmem>>
        %dma_wait3A_718 = tpu.memref_squeeze %dma_wait3A_717 : memref<1x96xi32, #tpu.memory_space<vmem>> -> memref<96xi32, #tpu.memory_space<vmem>>
        %dma_wait3A_719 = arith.constant 0 : i32
        %dma_wait3A_720 = arith.constant 0 : i32
        %dma_wait3A_721 = tpu.memref_slice %arg18[%dma_wait3A_719, %dma_wait3A_720] : memref<10240x128xf32, #tpu.memory_space<vmem_shared>> -> memref<10240x128xf32, #tpu.memory_space<vmem_shared>>
        tpu.wait_indirect_dma semaphore(%arg22 : memref<!tpu.dma_semaphore, #tpu.memory_space<semaphore_mem>>) src(%dma_wait3A_715 : memref<96x128xf32, #tpu.memory_space<vmem>>) dst(%dma_wait3A_721 : memref<10240x128xf32, #tpu.memory_space<vmem_shared>>)
      } else {
      }
      %dma_start3A_331 = arith.constant 1 : i32
      %dma_start3A_332 = arith.constant 0 : i32
      %dma_start3A_333 = tpu.memref_slice %arg12[%dma_start3A_331, %dma_start3A_332] : memref<2x96xi32, #tpu.memory_space<vmem>> -> memref<1x96xi32, #tpu.memory_space<vmem>>
      %dma_start3A_334 = tpu.memref_squeeze %dma_start3A_333 : memref<1x96xi32, #tpu.memory_space<vmem>> -> memref<96xi32, #tpu.memory_space<vmem>>
      %dma_start3A_335 = arith.constant 0 : i32
      %dma_start3A_336 = tpu.memref_slice %arg6[%add3A, %add3A_87, %dma_start3A_335] : memref<32x108x96xi32, #tpu.memory_space<hbm>> -> memref<1x1x96xi32, #tpu.memory_space<hbm>>
      %dma_start3A_337 = tpu.memref_squeeze %dma_start3A_336 : memref<1x1x96xi32, #tpu.memory_space<hbm>> -> memref<96xi32, #tpu.memory_space<hbm>>
      %dma_start3A_338 = arith.constant 0 : i32
      %dma_start3A_339 = tpu.memref_slice %arg12[%dma_start3A_331, %dma_start3A_338] : memref<2x96xi32, #tpu.memory_space<vmem>> -> memref<1x96xi32, #tpu.memory_space<vmem>>
      %dma_start3A_340 = tpu.memref_squeeze %dma_start3A_339 : memref<1x96xi32, #tpu.memory_space<vmem>> -> memref<96xi32, #tpu.memory_space<vmem>>
      %dma_start3A_341 = arith.constant 0 : i32
      %dma_start3A_342 = tpu.memref_slice %arg6[%add3A, %add3A_87, %dma_start3A_341] : memref<32x108x96xi32, #tpu.memory_space<hbm>> -> memref<1x1x96xi32, #tpu.memory_space<hbm>>
      %dma_start3A_343 = tpu.memref_squeeze %dma_start3A_342 : memref<1x1x96xi32, #tpu.memory_space<hbm>> -> memref<96xi32, #tpu.memory_space<hbm>>
      tpu.enqueue_dma source(%dma_start3A_343 : memref<96xi32, #tpu.memory_space<hbm>>) target(%dma_start3A_340 : memref<96xi32, #tpu.memory_space<vmem>>) target_semaphore(%arg20 : memref<!tpu.dma_semaphore, #tpu.memory_space<semaphore_mem>>)
      %dma_start3A_344 = arith.constant 1 : i32
      %dma_start3A_345 = arith.constant 0 : i32
      %dma_start3A_346 = tpu.memref_slice %arg13[%dma_start3A_344, %dma_start3A_345] : memref<2x96xi32, #tpu.memory_space<vmem>> -> memref<1x96xi32, #tpu.memory_space<vmem>>
      %dma_start3A_347 = tpu.memref_squeeze %dma_start3A_346 : memref<1x96xi32, #tpu.memory_space<vmem>> -> memref<96xi32, #tpu.memory_space<vmem>>
      %dma_start3A_348 = arith.constant 0 : i32
      %dma_start3A_349 = tpu.memref_slice %arg7[%add3A, %add3A_87, %dma_start3A_348] : memref<32x108x96xi32, #tpu.memory_space<hbm>> -> memref<1x1x96xi32, #tpu.memory_space<hbm>>
      %dma_start3A_350 = tpu.memref_squeeze %dma_start3A_349 : memref<1x1x96xi32, #tpu.memory_space<hbm>> -> memref<96xi32, #tpu.memory_space<hbm>>
      %dma_start3A_351 = arith.constant 0 : i32
      %dma_start3A_352 = tpu.memref_slice %arg13[%dma_start3A_344, %dma_start3A_351] : memref<2x96xi32, #tpu.memory_space<vmem>> -> memref<1x96xi32, #tpu.memory_space<vmem>>
      %dma_start3A_353 = tpu.memref_squeeze %dma_start3A_352 : memref<1x96xi32, #tpu.memory_space<vmem>> -> memref<96xi32, #tpu.memory_space<vmem>>
      %dma_start3A_354 = arith.constant 0 : i32
      %dma_start3A_355 = tpu.memref_slice %arg7[%add3A, %add3A_87, %dma_start3A_354] : memref<32x108x96xi32, #tpu.memory_space<hbm>> -> memref<1x1x96xi32, #tpu.memory_space<hbm>>
      %dma_start3A_356 = tpu.memref_squeeze %dma_start3A_355 : memref<1x1x96xi32, #tpu.memory_space<hbm>> -> memref<96xi32, #tpu.memory_space<hbm>>
      tpu.enqueue_dma source(%dma_start3A_356 : memref<96xi32, #tpu.memory_space<hbm>>) target(%dma_start3A_353 : memref<96xi32, #tpu.memory_space<vmem>>) target_semaphore(%arg20 : memref<!tpu.dma_semaphore, #tpu.memory_space<semaphore_mem>>)
      %dma_wait3A_357 = arith.constant 1 : i32
      %dma_wait3A_358 = arith.constant 0 : i32
      %dma_wait3A_359 = tpu.memref_slice %arg12[%dma_wait3A_357, %dma_wait3A_358] : memref<2x96xi32, #tpu.memory_space<vmem>> -> memref<1x96xi32, #tpu.memory_space<vmem>>
      %dma_wait3A_360 = tpu.memref_squeeze %dma_wait3A_359 : memref<1x96xi32, #tpu.memory_space<vmem>> -> memref<96xi32, #tpu.memory_space<vmem>>
      %dma_wait3A_361 = arith.constant 0 : i32
      %dma_wait3A_362 = tpu.memref_slice %arg6[%add3A, %add3A_87, %dma_wait3A_361] : memref<32x108x96xi32, #tpu.memory_space<hbm>> -> memref<1x1x96xi32, #tpu.memory_space<hbm>>
      %dma_wait3A_363 = tpu.memref_squeeze %dma_wait3A_362 : memref<1x1x96xi32, #tpu.memory_space<hbm>> -> memref<96xi32, #tpu.memory_space<hbm>>
      %dma_wait3A_364 = arith.constant 0 : i32
      %dma_wait3A_365 = tpu.memref_slice %arg12[%dma_wait3A_357, %dma_wait3A_364] : memref<2x96xi32, #tpu.memory_space<vmem>> -> memref<1x96xi32, #tpu.memory_space<vmem>>
      %dma_wait3A_366 = tpu.memref_squeeze %dma_wait3A_365 : memref<1x96xi32, #tpu.memory_space<vmem>> -> memref<96xi32, #tpu.memory_space<vmem>>
      %dma_wait3A_367 = arith.constant 0 : i32
      %dma_wait3A_368 = tpu.memref_slice %arg6[%add3A, %add3A_87, %dma_wait3A_367] : memref<32x108x96xi32, #tpu.memory_space<hbm>> -> memref<1x1x96xi32, #tpu.memory_space<hbm>>
      %dma_wait3A_369 = tpu.memref_squeeze %dma_wait3A_368 : memref<1x1x96xi32, #tpu.memory_space<hbm>> -> memref<96xi32, #tpu.memory_space<hbm>>
      tpu.wait_dma2 semaphore(%arg20 : memref<!tpu.dma_semaphore, #tpu.memory_space<semaphore_mem>>) src(%dma_wait3A_369 : memref<96xi32, #tpu.memory_space<hbm>>) dst(%dma_wait3A_366 : memref<96xi32, #tpu.memory_space<vmem>>)
      %dma_wait3A_370 = arith.constant 1 : i32
      %dma_wait3A_371 = arith.constant 0 : i32
      %dma_wait3A_372 = tpu.memref_slice %arg13[%dma_wait3A_370, %dma_wait3A_371] : memref<2x96xi32, #tpu.memory_space<vmem>> -> memref<1x96xi32, #tpu.memory_space<vmem>>
      %dma_wait3A_373 = tpu.memref_squeeze %dma_wait3A_372 : memref<1x96xi32, #tpu.memory_space<vmem>> -> memref<96xi32, #tpu.memory_space<vmem>>
      %dma_wait3A_374 = arith.constant 0 : i32
      %dma_wait3A_375 = tpu.memref_slice %arg7[%add3A, %add3A_87, %dma_wait3A_374] : memref<32x108x96xi32, #tpu.memory_space<hbm>> -> memref<1x1x96xi32, #tpu.memory_space<hbm>>
      %dma_wait3A_376 = tpu.memref_squeeze %dma_wait3A_375 : memref<1x1x96xi32, #tpu.memory_space<hbm>> -> memref<96xi32, #tpu.memory_space<hbm>>
      %dma_wait3A_377 = arith.constant 0 : i32
      %dma_wait3A_378 = tpu.memref_slice %arg13[%dma_wait3A_370, %dma_wait3A_377] : memref<2x96xi32, #tpu.memory_space<vmem>> -> memref<1x96xi32, #tpu.memory_space<vmem>>
      %dma_wait3A_379 = tpu.memref_squeeze %dma_wait3A_378 : memref<1x96xi32, #tpu.memory_space<vmem>> -> memref<96xi32, #tpu.memory_space<vmem>>
      %dma_wait3A_380 = arith.constant 0 : i32
      %dma_wait3A_381 = tpu.memref_slice %arg7[%add3A, %add3A_87, %dma_wait3A_380] : memref<32x108x96xi32, #tpu.memory_space<hbm>> -> memref<1x1x96xi32, #tpu.memory_space<hbm>>
      %dma_wait3A_382 = tpu.memref_squeeze %dma_wait3A_381 : memref<1x1x96xi32, #tpu.memory_space<hbm>> -> memref<96xi32, #tpu.memory_space<hbm>>
      tpu.wait_dma2 semaphore(%arg20 : memref<!tpu.dma_semaphore, #tpu.memory_space<semaphore_mem>>) src(%dma_wait3A_382 : memref<96xi32, #tpu.memory_space<hbm>>) dst(%dma_wait3A_379 : memref<96xi32, #tpu.memory_space<vmem>>)
      %dma_start3A_383 = arith.constant 1 : i32
      %dma_start3A_384 = arith.constant 1 : i32
      %dma_start3A_385 = arith.constant 0 : i32
      %dma_start3A_386 = arith.constant 0 : i32
      %dma_start3A_387 = tpu.memref_slice %arg15[%dma_start3A_384, %dma_start3A_385, %dma_start3A_386] : memref<2x96x128xf32, #tpu.memory_space<vmem>> -> memref<1x96x128xf32, #tpu.memory_space<vmem>>
      %dma_start3A_388 = tpu.memref_squeeze %dma_start3A_387 : memref<1x96x128xf32, #tpu.memory_space<vmem>> -> memref<96x128xf32, #tpu.memory_space<vmem>>
      %dma_start3A_389 = arith.constant 0 : i32
      %dma_start3A_390 = tpu.memref_slice %arg12[%dma_start3A_383, %dma_start3A_389] : memref<2x96xi32, #tpu.memory_space<vmem>> -> memref<1x96xi32, #tpu.memory_space<vmem>>
      %dma_start3A_391 = tpu.memref_squeeze %dma_start3A_390 : memref<1x96xi32, #tpu.memory_space<vmem>> -> memref<96xi32, #tpu.memory_space<vmem>>
      %dma_start3A_392 = arith.constant 0 : i32
      %dma_start3A_393 = arith.constant 0 : i32
      %dma_start3A_394 = tpu.memref_slice %arg2[%dma_start3A_392, %dma_start3A_393] : memref<10240x128xf32, #tpu.memory_space<hbm>> -> memref<10240x128xf32, #tpu.memory_space<hbm>>
      tpu.enqueue_indirect_dma source(%dma_start3A_394 : memref<10240x128xf32, #tpu.memory_space<hbm>>) target(%dma_start3A_388 : memref<96x128xf32, #tpu.memory_space<vmem>>) offsets(%dma_start3A_391 : memref<96xi32, #tpu.memory_space<vmem>>) semaphore(%arg21 : memref<!tpu.dma_semaphore, #tpu.memory_space<semaphore_mem>>)
      %broadcast_in_dim3A_395 = arith.constant 0 : i32
      %broadcast_in_dim3A_396 = vector.broadcast %broadcast_in_dim3A_395 : i32 to vector<16xi32>
      %parallel_loop3A = arith.constant 0 : i32
      %parallel_loop3A_397 = arith.constant 96 : i32
      %parallel_loop3A_398 = arith.constant 1 : i32
      scf.for %parallel_loop3A_710 = %parallel_loop3A to %parallel_loop3A_397 step %parallel_loop3A_398  : i32 {
        %parallel_loop3A_711 = vector.broadcast %parallel_loop3A_710 : i32 to vector<16xi32>
        %parallel_loop3A_712 = tpu.vector_load_idx %arg14[%broadcast_in_dim3A_396, %parallel_loop3A_711] : memref<2x96xf32, #tpu.memory_space<vmem>>[vector<16xi32>, vector<16xi32>], vector<16xf32>,
        %parallel_loop3A_713 = arith.constant 0 : i32
        %parallel_loop3A_714 = arith.index_cast %parallel_loop3A_713 : i32 to index
        %parallel_loop3A_715 = arith.index_cast %parallel_loop3A_710 : i32 to index
        %parallel_loop3A_716 = arith.constant 0 : index
        %parallel_loop3A_717 = tpu.vector_load %arg15[%parallel_loop3A_714, %parallel_loop3A_715, %parallel_loop3A_716] {strides = array<i32>} : memref<2x96x128xf32, #tpu.memory_space<vmem>>, vector<16xf32>,
        %parallel_loop3A_718 = arith.mulf %parallel_loop3A_717, %parallel_loop3A_712 : vector<16xf32>
        %parallel_loop3A_719 = arith.constant 0 : i32
        %parallel_loop3A_720 = arith.index_cast %parallel_loop3A_719 : i32 to index
        %parallel_loop3A_721 = arith.index_cast %parallel_loop3A_710 : i32 to index
        %parallel_loop3A_722 = arith.constant 0 : index
        %parallel_loop3A_723 = tpu.vector_load %arg15[%parallel_loop3A_720, %parallel_loop3A_721, %parallel_loop3A_722] {strides = array<i32>} : memref<2x96x128xf32, #tpu.memory_space<vmem>>, vector<16xf32>,
        tpu.vector_store %arg15[%parallel_loop3A_720, %parallel_loop3A_721, %parallel_loop3A_722], %parallel_loop3A_718 {strides = array<i32>} : memref<2x96x128xf32, #tpu.memory_space<vmem>>, vector<16xf32>,
        %parallel_loop3A_724 = arith.constant 0 : i32
        %parallel_loop3A_725 = arith.index_cast %parallel_loop3A_724 : i32 to index
        %parallel_loop3A_726 = arith.index_cast %parallel_loop3A_710 : i32 to index
        %parallel_loop3A_727 = arith.constant 16 : index
        %parallel_loop3A_728 = tpu.vector_load %arg15[%parallel_loop3A_725, %parallel_loop3A_726, %parallel_loop3A_727] {strides = array<i32>} : memref<2x96x128xf32, #tpu.memory_space<vmem>>, vector<16xf32>,
        %parallel_loop3A_729 = arith.mulf %parallel_loop3A_728, %parallel_loop3A_712 : vector<16xf32>
        %parallel_loop3A_730 = arith.constant 0 : i32
        %parallel_loop3A_731 = arith.index_cast %parallel_loop3A_730 : i32 to index
        %parallel_loop3A_732 = arith.index_cast %parallel_loop3A_710 : i32 to index
        %parallel_loop3A_733 = arith.constant 16 : index
        %parallel_loop3A_734 = tpu.vector_load %arg15[%parallel_loop3A_731, %parallel_loop3A_732, %parallel_loop3A_733] {strides = array<i32>} : memref<2x96x128xf32, #tpu.memory_space<vmem>>, vector<16xf32>,
        tpu.vector_store %arg15[%parallel_loop3A_731, %parallel_loop3A_732, %parallel_loop3A_733], %parallel_loop3A_729 {strides = array<i32>} : memref<2x96x128xf32, #tpu.memory_space<vmem>>, vector<16xf32>,
        %parallel_loop3A_735 = arith.constant 0 : i32
        %parallel_loop3A_736 = arith.index_cast %parallel_loop3A_735 : i32 to index
        %parallel_loop3A_737 = arith.index_cast %parallel_loop3A_710 : i32 to index
        %parallel_loop3A_738 = arith.constant 32 : index
        %parallel_loop3A_739 = tpu.vector_load %arg15[%parallel_loop3A_736, %parallel_loop3A_737, %parallel_loop3A_738] {strides = array<i32>} : memref<2x96x128xf32, #tpu.memory_space<vmem>>, vector<16xf32>,
        %parallel_loop3A_740 = arith.mulf %parallel_loop3A_739, %parallel_loop3A_712 : vector<16xf32>
        %parallel_loop3A_741 = arith.constant 0 : i32
        %parallel_loop3A_742 = arith.index_cast %parallel_loop3A_741 : i32 to index
        %parallel_loop3A_743 = arith.index_cast %parallel_loop3A_710 : i32 to index
        %parallel_loop3A_744 = arith.constant 32 : index
        %parallel_loop3A_745 = tpu.vector_load %arg15[%parallel_loop3A_742, %parallel_loop3A_743, %parallel_loop3A_744] {strides = array<i32>} : memref<2x96x128xf32, #tpu.memory_space<vmem>>, vector<16xf32>,
        tpu.vector_store %arg15[%parallel_loop3A_742, %parallel_loop3A_743, %parallel_loop3A_744], %parallel_loop3A_740 {strides = array<i32>} : memref<2x96x128xf32, #tpu.memory_space<vmem>>, vector<16xf32>,
        %parallel_loop3A_746 = arith.constant 0 : i32
        %parallel_loop3A_747 = arith.index_cast %parallel_loop3A_746 : i32 to index
        %parallel_loop3A_748 = arith.index_cast %parallel_loop3A_710 : i32 to index
        %parallel_loop3A_749 = arith.constant 48 : index
        %parallel_loop3A_750 = tpu.vector_load %arg15[%parallel_loop3A_747, %parallel_loop3A_748, %parallel_loop3A_749] {strides = array<i32>} : memref<2x96x128xf32, #tpu.memory_space<vmem>>, vector<16xf32>,
        %parallel_loop3A_751 = arith.mulf %parallel_loop3A_750, %parallel_loop3A_712 : vector<16xf32>
        %parallel_loop3A_752 = arith.constant 0 : i32
        %parallel_loop3A_753 = arith.index_cast %parallel_loop3A_752 : i32 to index
        %parallel_loop3A_754 = arith.index_cast %parallel_loop3A_710 : i32 to index
        %parallel_loop3A_755 = arith.constant 48 : index
        %parallel_loop3A_756 = tpu.vector_load %arg15[%parallel_loop3A_753, %parallel_loop3A_754, %parallel_loop3A_755] {strides = array<i32>} : memref<2x96x128xf32, #tpu.memory_space<vmem>>, vector<16xf32>,
        tpu.vector_store %arg15[%parallel_loop3A_753, %parallel_loop3A_754, %parallel_loop3A_755], %parallel_loop3A_751 {strides = array<i32>} : memref<2x96x128xf32, #tpu.memory_space<vmem>>, vector<16xf32>,
        %parallel_loop3A_757 = arith.constant 0 : i32
        %parallel_loop3A_758 = arith.index_cast %parallel_loop3A_757 : i32 to index
        %parallel_loop3A_759 = arith.index_cast %parallel_loop3A_710 : i32 to index
        %parallel_loop3A_760 = arith.constant 64 : index
        %parallel_loop3A_761 = tpu.vector_load %arg15[%parallel_loop3A_758, %parallel_loop3A_759, %parallel_loop3A_760] {strides = array<i32>} : memref<2x96x128xf32, #tpu.memory_space<vmem>>, vector<16xf32>,
        %parallel_loop3A_762 = arith.mulf %parallel_loop3A_761, %parallel_loop3A_712 : vector<16xf32>
        %parallel_loop3A_763 = arith.constant 0 : i32
        %parallel_loop3A_764 = arith.index_cast %parallel_loop3A_763 : i32 to index
        %parallel_loop3A_765 = arith.index_cast %parallel_loop3A_710 : i32 to index
        %parallel_loop3A_766 = arith.constant 64 : index
        %parallel_loop3A_767 = tpu.vector_load %arg15[%parallel_loop3A_764, %parallel_loop3A_765, %parallel_loop3A_766] {strides = array<i32>} : memref<2x96x128xf32, #tpu.memory_space<vmem>>, vector<16xf32>,
        tpu.vector_store %arg15[%parallel_loop3A_764, %parallel_loop3A_765, %parallel_loop3A_766], %parallel_loop3A_762 {strides = array<i32>} : memref<2x96x128xf32, #tpu.memory_space<vmem>>, vector<16xf32>,
        %parallel_loop3A_768 = arith.constant 0 : i32
        %parallel_loop3A_769 = arith.index_cast %parallel_loop3A_768 : i32 to index
        %parallel_loop3A_770 = arith.index_cast %parallel_loop3A_710 : i32 to index
        %parallel_loop3A_771 = arith.constant 80 : index
        %parallel_loop3A_772 = tpu.vector_load %arg15[%parallel_loop3A_769, %parallel_loop3A_770, %parallel_loop3A_771] {strides = array<i32>} : memref<2x96x128xf32, #tpu.memory_space<vmem>>, vector<16xf32>,
        %parallel_loop3A_773 = arith.mulf %parallel_loop3A_772, %parallel_loop3A_712 : vector<16xf32>
        %parallel_loop3A_774 = arith.constant 0 : i32
        %parallel_loop3A_775 = arith.index_cast %parallel_loop3A_774 : i32 to index
        %parallel_loop3A_776 = arith.index_cast %parallel_loop3A_710 : i32 to index
        %parallel_loop3A_777 = arith.constant 80 : index
        %parallel_loop3A_778 = tpu.vector_load %arg15[%parallel_loop3A_775, %parallel_loop3A_776, %parallel_loop3A_777] {strides = array<i32>} : memref<2x96x128xf32, #tpu.memory_space<vmem>>, vector<16xf32>,
        tpu.vector_store %arg15[%parallel_loop3A_775, %parallel_loop3A_776, %parallel_loop3A_777], %parallel_loop3A_773 {strides = array<i32>} : memref<2x96x128xf32, #tpu.memory_space<vmem>>, vector<16xf32>,
        %parallel_loop3A_779 = arith.constant 0 : i32
        %parallel_loop3A_780 = arith.index_cast %parallel_loop3A_779 : i32 to index
        %parallel_loop3A_781 = arith.index_cast %parallel_loop3A_710 : i32 to index
        %parallel_loop3A_782 = arith.constant 96 : index
        %parallel_loop3A_783 = tpu.vector_load %arg15[%parallel_loop3A_780, %parallel_loop3A_781, %parallel_loop3A_782] {strides = array<i32>} : memref<2x96x128xf32, #tpu.memory_space<vmem>>, vector<16xf32>,
        %parallel_loop3A_784 = arith.mulf %parallel_loop3A_783, %parallel_loop3A_712 : vector<16xf32>
        %parallel_loop3A_785 = arith.constant 0 : i32
        %parallel_loop3A_786 = arith.index_cast %parallel_loop3A_785 : i32 to index
        %parallel_loop3A_787 = arith.index_cast %parallel_loop3A_710 : i32 to index
        %parallel_loop3A_788 = arith.constant 96 : index
        %parallel_loop3A_789 = tpu.vector_load %arg15[%parallel_loop3A_786, %parallel_loop3A_787, %parallel_loop3A_788] {strides = array<i32>} : memref<2x96x128xf32, #tpu.memory_space<vmem>>, vector<16xf32>,
        tpu.vector_store %arg15[%parallel_loop3A_786, %parallel_loop3A_787, %parallel_loop3A_788], %parallel_loop3A_784 {strides = array<i32>} : memref<2x96x128xf32, #tpu.memory_space<vmem>>, vector<16xf32>,
        %parallel_loop3A_790 = arith.constant 0 : i32
        %parallel_loop3A_791 = arith.index_cast %parallel_loop3A_790 : i32 to index
        %parallel_loop3A_792 = arith.index_cast %parallel_loop3A_710 : i32 to index
        %parallel_loop3A_793 = arith.constant 112 : index
        %parallel_loop3A_794 = tpu.vector_load %arg15[%parallel_loop3A_791, %parallel_loop3A_792, %parallel_loop3A_793] {strides = array<i32>} : memref<2x96x128xf32, #tpu.memory_space<vmem>>, vector<16xf32>,
        %parallel_loop3A_795 = arith.mulf %parallel_loop3A_794, %parallel_loop3A_712 : vector<16xf32>
        %parallel_loop3A_796 = arith.constant 0 : i32
        %parallel_loop3A_797 = arith.index_cast %parallel_loop3A_796 : i32 to index
        %parallel_loop3A_798 = arith.index_cast %parallel_loop3A_710 : i32 to index
        %parallel_loop3A_799 = arith.constant 112 : index
        %parallel_loop3A_800 = tpu.vector_load %arg15[%parallel_loop3A_797, %parallel_loop3A_798, %parallel_loop3A_799] {strides = array<i32>} : memref<2x96x128xf32, #tpu.memory_space<vmem>>, vector<16xf32>,
        tpu.vector_store %arg15[%parallel_loop3A_797, %parallel_loop3A_798, %parallel_loop3A_799], %parallel_loop3A_795 {strides = array<i32>} : memref<2x96x128xf32, #tpu.memory_space<vmem>>, vector<16xf32>,
      } {sc.loop_unroll_factor = 4 : i64, sc.parallel_access}
      %dma_start3A_399 = arith.constant 0 : i32
      %dma_start3A_400 = arith.constant 0 : i32
      %dma_start3A_401 = arith.constant 0 : i32
      %dma_start3A_402 = arith.constant 0 : i32
      %dma_start3A_403 = tpu.memref_slice %arg15[%dma_start3A_399, %dma_start3A_401, %dma_start3A_402] : memref<2x96x128xf32, #tpu.memory_space<vmem>> -> memref<1x96x128xf32, #tpu.memory_space<vmem>>
      %dma_start3A_404 = tpu.memref_squeeze %dma_start3A_403 : memref<1x96x128xf32, #tpu.memory_space<vmem>> -> memref<96x128xf32, #tpu.memory_space<vmem>>
      %dma_start3A_405 = arith.constant 0 : i32
      %dma_start3A_406 = tpu.memref_slice %arg13[%dma_start3A_400, %dma_start3A_405] : memref<2x96xi32, #tpu.memory_space<vmem>> -> memref<1x96xi32, #tpu.memory_space<vmem>>
      %dma_start3A_407 = tpu.memref_squeeze %dma_start3A_406 : memref<1x96xi32, #tpu.memory_space<vmem>> -> memref<96xi32, #tpu.memory_space<vmem>>
      %dma_start3A_408 = arith.constant 0 : i32
      %dma_start3A_409 = arith.constant 0 : i32
      %dma_start3A_410 = tpu.memref_slice %arg18[%dma_start3A_408, %dma_start3A_409] : memref<10240x128xf32, #tpu.memory_space<vmem_shared>> -> memref<10240x128xf32, #tpu.memory_space<vmem_shared>>
      tpu.enqueue_indirect_dma source(%dma_start3A_404 : memref<96x128xf32, #tpu.memory_space<vmem>>) target(%dma_start3A_410 : memref<10240x128xf32, #tpu.memory_space<vmem_shared>>) offsets(%dma_start3A_407 : memref<96xi32, #tpu.memory_space<vmem>>) semaphore(%arg22 : memref<!tpu.dma_semaphore, #tpu.memory_space<semaphore_mem>>) {add = true}
      %mul3A_411 = arith.constant 2 : i32
      %mul3A_412 = arith.muli %scan3A_81, %mul3A_411 : i32
      %add3A_413 = arith.constant 1 : i32
      %add3A_414 = arith.addi %mul3A_412, %add3A_413 : i32
      %add3A_415 = arith.constant 1 : i32
      %add3A_416 = arith.addi %add3A_414, %add3A_415 : i32
      %dma_wait3A_417 = arith.constant 0 : i32
      %dma_wait3A_418 = arith.constant 0 : i32
      %dma_wait3A_419 = arith.constant 0 : i32
      %dma_wait3A_420 = tpu.memref_slice %arg14[%dma_wait3A_417, %dma_wait3A_419] : memref<2x96xf32, #tpu.memory_space<vmem>> -> memref<1x96xf32, #tpu.memory_space<vmem>>
      %dma_wait3A_421 = tpu.memref_squeeze %dma_wait3A_420 : memref<1x96xf32, #tpu.memory_space<vmem>> -> memref<96xf32, #tpu.memory_space<vmem>>
      %dma_wait3A_422 = arith.constant 0 : i32
      %dma_wait3A_423 = tpu.memref_slice %arg13[%dma_wait3A_418, %dma_wait3A_422] : memref<2x96xi32, #tpu.memory_space<vmem>> -> memref<1x96xi32, #tpu.memory_space<vmem>>
      %dma_wait3A_424 = tpu.memref_squeeze %dma_wait3A_423 : memref<1x96xi32, #tpu.memory_space<vmem>> -> memref<96xi32, #tpu.memory_space<vmem>>
      %dma_wait3A_425 = arith.constant 0 : i32
      %dma_wait3A_426 = tpu.memref_slice %arg19[%dma_wait3A_425] : memref<10240xf32, #tpu.memory_space<vmem_shared>> -> memref<10240xf32, #tpu.memory_space<vmem_shared>>
      tpu.wait_indirect_dma semaphore(%arg23 : memref<!tpu.dma_semaphore, #tpu.memory_space<semaphore_mem>>) src(%dma_wait3A_421 : memref<96xf32, #tpu.memory_space<vmem>>) dst(%dma_wait3A_426 : memref<10240xf32, #tpu.memory_space<vmem_shared>>)
      %get3A_427 = arith.constant 1 : i32
      %get3A_428 = arith.index_cast %get3A_427 : i32 to index
      %get3A_429 = arith.constant 0 : index
      %get3A_430 = tpu.vector_load %arg12[%get3A_428, %get3A_429] {strides = array<i32>} : memref<2x96xi32, #tpu.memory_space<vmem>>, vector<16xi32>,
      %get3A_431 = arith.constant 1 : i32
      %get3A_432 = arith.index_cast %get3A_431 : i32 to index
      %get3A_433 = arith.constant 0 : index
      %get3A_434 = tpu.vector_load %arg13[%get3A_432, %get3A_433] {strides = array<i32>} : memref<2x96xi32, #tpu.memory_space<vmem>>, vector<16xi32>,
      %gather3A_435 = tpu.vector_load_idx %arg10[%get3A_430] : memref<10240xf32, #tpu.memory_space<vmem>>[vector<16xi32>], vector<16xf32>,
      %gather3A_436 = tpu.vector_load_idx %arg11[%get3A_434] : memref<10240xf32, #tpu.memory_space<vmem>>[vector<16xi32>], vector<16xf32>,
      %add3A_437 = arith.addf %gather3A_435, %gather3A_436 : vector<16xf32>
      %ge3A_438 = arith.constant 0.000000e+00 : f32
      %ge3A_439 = vector.broadcast %ge3A_438 : f32 to vector<16xf32>
      %ge3A_440 = arith.cmpf oge, %add3A_437, %ge3A_439 : vector<16xf32>
      %mul3A_441 = arith.constant 2.000000e-01 : f32
      %mul3A_442 = vector.broadcast %mul3A_441 : f32 to vector<16xf32>
      %mul3A_443 = arith.mulf %mul3A_442, %add3A_437 : vector<16xf32>
      %select_n3A_444 = arith.select %ge3A_440, %add3A_437, %mul3A_443 : vector<16xi1>, vector<16xf32>
      %sub3A_445 = arith.subf %select_n3A_444, %get3A_35 : vector<16xf32>
      %exp3A_446 = math.exp %sub3A_445 : vector<16xf32>
      %mul3A_447 = arith.constant 96 : i32
      %mul3A_448 = arith.muli %add3A_414, %mul3A_447 : i32
      %add3A_449 = arith.addi %mul3A_37, %mul3A_448 : i32
      %add3A_450 = arith.constant 0 : i32
      %add3A_451 = arith.addi %add3A_449, %add3A_450 : i32
      %add3A_452 = vector.broadcast %add3A_451 : i32 to vector<16xi32>
      %add3A_453 = arith.addi %add3A_452, %iota3A : vector<16xi32>
      %lt3A_454 = arith.constant 330000 : i32
      %lt3A_455 = vector.broadcast %lt3A_454 : i32 to vector<16xi32>
      %lt3A_456 = arith.cmpi slt, %add3A_453, %lt3A_455 : vector<16xi32>
      %jit3A_457 = arith.constant 0.000000e+00 : f32
      %broadcast_in_dim3A_458 = vector.broadcast %jit3A_457 : f32 to vector<16xf32>
      %select_n3A_459 = arith.select %lt3A_456, %exp3A_446, %broadcast_in_dim3A_458 : vector<16xi1>, vector<16xf32>
      %swap3A_460 = arith.constant 1 : i32
      %swap3A_461 = arith.index_cast %swap3A_460 : i32 to index
      %swap3A_462 = arith.constant 0 : index
      %swap3A_463 = tpu.vector_load %arg14[%swap3A_461, %swap3A_462] {strides = array<i32>} : memref<2x96xf32, #tpu.memory_space<vmem>>, vector<16xf32>,
      tpu.vector_store %arg14[%swap3A_461, %swap3A_462], %select_n3A_459 {strides = array<i32>} : memref<2x96xf32, #tpu.memory_space<vmem>>, vector<16xf32>,
      %get3A_464 = arith.constant 1 : i32
      %get3A_465 = arith.index_cast %get3A_464 : i32 to index
      %get3A_466 = arith.constant 16 : index
      %get3A_467 = tpu.vector_load %arg12[%get3A_465, %get3A_466] {strides = array<i32>} : memref<2x96xi32, #tpu.memory_space<vmem>>, vector<16xi32>,
      %get3A_468 = arith.constant 1 : i32
      %get3A_469 = arith.index_cast %get3A_468 : i32 to index
      %get3A_470 = arith.constant 16 : index
      %get3A_471 = tpu.vector_load %arg13[%get3A_469, %get3A_470] {strides = array<i32>} : memref<2x96xi32, #tpu.memory_space<vmem>>, vector<16xi32>,
      %gather3A_472 = tpu.vector_load_idx %arg10[%get3A_467] : memref<10240xf32, #tpu.memory_space<vmem>>[vector<16xi32>], vector<16xf32>,
      %gather3A_473 = tpu.vector_load_idx %arg11[%get3A_471] : memref<10240xf32, #tpu.memory_space<vmem>>[vector<16xi32>], vector<16xf32>,
      %add3A_474 = arith.addf %gather3A_472, %gather3A_473 : vector<16xf32>
      %ge3A_475 = arith.constant 0.000000e+00 : f32
      %ge3A_476 = vector.broadcast %ge3A_475 : f32 to vector<16xf32>
      %ge3A_477 = arith.cmpf oge, %add3A_474, %ge3A_476 : vector<16xf32>
      %mul3A_478 = arith.constant 2.000000e-01 : f32
      %mul3A_479 = vector.broadcast %mul3A_478 : f32 to vector<16xf32>
      %mul3A_480 = arith.mulf %mul3A_479, %add3A_474 : vector<16xf32>
      %select_n3A_481 = arith.select %ge3A_477, %add3A_474, %mul3A_480 : vector<16xi1>, vector<16xf32>
      %sub3A_482 = arith.subf %select_n3A_481, %get3A_35 : vector<16xf32>
      %exp3A_483 = math.exp %sub3A_482 : vector<16xf32>
      %mul3A_484 = arith.constant 96 : i32
      %mul3A_485 = arith.muli %add3A_414, %mul3A_484 : i32
      %add3A_486 = arith.addi %mul3A_37, %mul3A_485 : i32
      %add3A_487 = arith.constant 16 : i32
      %add3A_488 = arith.addi %add3A_486, %add3A_487 : i32
      %add3A_489 = vector.broadcast %add3A_488 : i32 to vector<16xi32>
      %add3A_490 = arith.addi %add3A_489, %iota3A : vector<16xi32>
      %lt3A_491 = arith.constant 330000 : i32
      %lt3A_492 = vector.broadcast %lt3A_491 : i32 to vector<16xi32>
      %lt3A_493 = arith.cmpi slt, %add3A_490, %lt3A_492 : vector<16xi32>
      %jit3A_494 = arith.constant 0.000000e+00 : f32
      %broadcast_in_dim3A_495 = vector.broadcast %jit3A_494 : f32 to vector<16xf32>
      %select_n3A_496 = arith.select %lt3A_493, %exp3A_483, %broadcast_in_dim3A_495 : vector<16xi1>, vector<16xf32>
      %swap3A_497 = arith.constant 1 : i32
      %swap3A_498 = arith.index_cast %swap3A_497 : i32 to index
      %swap3A_499 = arith.constant 16 : index
      %swap3A_500 = tpu.vector_load %arg14[%swap3A_498, %swap3A_499] {strides = array<i32>} : memref<2x96xf32, #tpu.memory_space<vmem>>, vector<16xf32>,
      tpu.vector_store %arg14[%swap3A_498, %swap3A_499], %select_n3A_496 {strides = array<i32>} : memref<2x96xf32, #tpu.memory_space<vmem>>, vector<16xf32>,
      %get3A_501 = arith.constant 1 : i32
      %get3A_502 = arith.index_cast %get3A_501 : i32 to index
      %get3A_503 = arith.constant 32 : index
      %get3A_504 = tpu.vector_load %arg12[%get3A_502, %get3A_503] {strides = array<i32>} : memref<2x96xi32, #tpu.memory_space<vmem>>, vector<16xi32>,
      %get3A_505 = arith.constant 1 : i32
      %get3A_506 = arith.index_cast %get3A_505 : i32 to index
      %get3A_507 = arith.constant 32 : index
      %get3A_508 = tpu.vector_load %arg13[%get3A_506, %get3A_507] {strides = array<i32>} : memref<2x96xi32, #tpu.memory_space<vmem>>, vector<16xi32>,
      %gather3A_509 = tpu.vector_load_idx %arg10[%get3A_504] : memref<10240xf32, #tpu.memory_space<vmem>>[vector<16xi32>], vector<16xf32>,
      %gather3A_510 = tpu.vector_load_idx %arg11[%get3A_508] : memref<10240xf32, #tpu.memory_space<vmem>>[vector<16xi32>], vector<16xf32>,
      %add3A_511 = arith.addf %gather3A_509, %gather3A_510 : vector<16xf32>
      %ge3A_512 = arith.constant 0.000000e+00 : f32
      %ge3A_513 = vector.broadcast %ge3A_512 : f32 to vector<16xf32>
      %ge3A_514 = arith.cmpf oge, %add3A_511, %ge3A_513 : vector<16xf32>
      %mul3A_515 = arith.constant 2.000000e-01 : f32
      %mul3A_516 = vector.broadcast %mul3A_515 : f32 to vector<16xf32>
      %mul3A_517 = arith.mulf %mul3A_516, %add3A_511 : vector<16xf32>
      %select_n3A_518 = arith.select %ge3A_514, %add3A_511, %mul3A_517 : vector<16xi1>, vector<16xf32>
      %sub3A_519 = arith.subf %select_n3A_518, %get3A_35 : vector<16xf32>
      %exp3A_520 = math.exp %sub3A_519 : vector<16xf32>
      %mul3A_521 = arith.constant 96 : i32
      %mul3A_522 = arith.muli %add3A_414, %mul3A_521 : i32
      %add3A_523 = arith.addi %mul3A_37, %mul3A_522 : i32
      %add3A_524 = arith.constant 32 : i32
      %add3A_525 = arith.addi %add3A_523, %add3A_524 : i32
      %add3A_526 = vector.broadcast %add3A_525 : i32 to vector<16xi32>
      %add3A_527 = arith.addi %add3A_526, %iota3A : vector<16xi32>
      %lt3A_528 = arith.constant 330000 : i32
      %lt3A_529 = vector.broadcast %lt3A_528 : i32 to vector<16xi32>
      %lt3A_530 = arith.cmpi slt, %add3A_527, %lt3A_529 : vector<16xi32>
      %jit3A_531 = arith.constant 0.000000e+00 : f32
      %broadcast_in_dim3A_532 = vector.broadcast %jit3A_531 : f32 to vector<16xf32>
      %select_n3A_533 = arith.select %lt3A_530, %exp3A_520, %broadcast_in_dim3A_532 : vector<16xi1>, vector<16xf32>
      %swap3A_534 = arith.constant 1 : i32
      %swap3A_535 = arith.index_cast %swap3A_534 : i32 to index
      %swap3A_536 = arith.constant 32 : index
      %swap3A_537 = tpu.vector_load %arg14[%swap3A_535, %swap3A_536] {strides = array<i32>} : memref<2x96xf32, #tpu.memory_space<vmem>>, vector<16xf32>,
      tpu.vector_store %arg14[%swap3A_535, %swap3A_536], %select_n3A_533 {strides = array<i32>} : memref<2x96xf32, #tpu.memory_space<vmem>>, vector<16xf32>,
      %get3A_538 = arith.constant 1 : i32
      %get3A_539 = arith.index_cast %get3A_538 : i32 to index
      %get3A_540 = arith.constant 48 : index
      %get3A_541 = tpu.vector_load %arg12[%get3A_539, %get3A_540] {strides = array<i32>} : memref<2x96xi32, #tpu.memory_space<vmem>>, vector<16xi32>,
      %get3A_542 = arith.constant 1 : i32
      %get3A_543 = arith.index_cast %get3A_542 : i32 to index
      %get3A_544 = arith.constant 48 : index
      %get3A_545 = tpu.vector_load %arg13[%get3A_543, %get3A_544] {strides = array<i32>} : memref<2x96xi32, #tpu.memory_space<vmem>>, vector<16xi32>,
      %gather3A_546 = tpu.vector_load_idx %arg10[%get3A_541] : memref<10240xf32, #tpu.memory_space<vmem>>[vector<16xi32>], vector<16xf32>,
      %gather3A_547 = tpu.vector_load_idx %arg11[%get3A_545] : memref<10240xf32, #tpu.memory_space<vmem>>[vector<16xi32>], vector<16xf32>,
      %add3A_548 = arith.addf %gather3A_546, %gather3A_547 : vector<16xf32>
      %ge3A_549 = arith.constant 0.000000e+00 : f32
      %ge3A_550 = vector.broadcast %ge3A_549 : f32 to vector<16xf32>
      %ge3A_551 = arith.cmpf oge, %add3A_548, %ge3A_550 : vector<16xf32>
      %mul3A_552 = arith.constant 2.000000e-01 : f32
      %mul3A_553 = vector.broadcast %mul3A_552 : f32 to vector<16xf32>
      %mul3A_554 = arith.mulf %mul3A_553, %add3A_548 : vector<16xf32>
      %select_n3A_555 = arith.select %ge3A_551, %add3A_548, %mul3A_554 : vector<16xi1>, vector<16xf32>
      %sub3A_556 = arith.subf %select_n3A_555, %get3A_35 : vector<16xf32>
      %exp3A_557 = math.exp %sub3A_556 : vector<16xf32>
      %mul3A_558 = arith.constant 96 : i32
      %mul3A_559 = arith.muli %add3A_414, %mul3A_558 : i32
      %add3A_560 = arith.addi %mul3A_37, %mul3A_559 : i32
      %add3A_561 = arith.constant 48 : i32
      %add3A_562 = arith.addi %add3A_560, %add3A_561 : i32
      %add3A_563 = vector.broadcast %add3A_562 : i32 to vector<16xi32>
      %add3A_564 = arith.addi %add3A_563, %iota3A : vector<16xi32>
      %lt3A_565 = arith.constant 330000 : i32
      %lt3A_566 = vector.broadcast %lt3A_565 : i32 to vector<16xi32>
      %lt3A_567 = arith.cmpi slt, %add3A_564, %lt3A_566 : vector<16xi32>
      %jit3A_568 = arith.constant 0.000000e+00 : f32
      %broadcast_in_dim3A_569 = vector.broadcast %jit3A_568 : f32 to vector<16xf32>
      %select_n3A_570 = arith.select %lt3A_567, %exp3A_557, %broadcast_in_dim3A_569 : vector<16xi1>, vector<16xf32>
      %swap3A_571 = arith.constant 1 : i32
      %swap3A_572 = arith.index_cast %swap3A_571 : i32 to index
      %swap3A_573 = arith.constant 48 : index
      %swap3A_574 = tpu.vector_load %arg14[%swap3A_572, %swap3A_573] {strides = array<i32>} : memref<2x96xf32, #tpu.memory_space<vmem>>, vector<16xf32>,
      tpu.vector_store %arg14[%swap3A_572, %swap3A_573], %select_n3A_570 {strides = array<i32>} : memref<2x96xf32, #tpu.memory_space<vmem>>, vector<16xf32>,
      %get3A_575 = arith.constant 1 : i32
      %get3A_576 = arith.index_cast %get3A_575 : i32 to index
      %get3A_577 = arith.constant 64 : index
      %get3A_578 = tpu.vector_load %arg12[%get3A_576, %get3A_577] {strides = array<i32>} : memref<2x96xi32, #tpu.memory_space<vmem>>, vector<16xi32>,
      %get3A_579 = arith.constant 1 : i32
      %get3A_580 = arith.index_cast %get3A_579 : i32 to index
      %get3A_581 = arith.constant 64 : index
      %get3A_582 = tpu.vector_load %arg13[%get3A_580, %get3A_581] {strides = array<i32>} : memref<2x96xi32, #tpu.memory_space<vmem>>, vector<16xi32>,
      %gather3A_583 = tpu.vector_load_idx %arg10[%get3A_578] : memref<10240xf32, #tpu.memory_space<vmem>>[vector<16xi32>], vector<16xf32>,
      %gather3A_584 = tpu.vector_load_idx %arg11[%get3A_582] : memref<10240xf32, #tpu.memory_space<vmem>>[vector<16xi32>], vector<16xf32>,
      %add3A_585 = arith.addf %gather3A_583, %gather3A_584 : vector<16xf32>
      %ge3A_586 = arith.constant 0.000000e+00 : f32
      %ge3A_587 = vector.broadcast %ge3A_586 : f32 to vector<16xf32>
      %ge3A_588 = arith.cmpf oge, %add3A_585, %ge3A_587 : vector<16xf32>
      %mul3A_589 = arith.constant 2.000000e-01 : f32
      %mul3A_590 = vector.broadcast %mul3A_589 : f32 to vector<16xf32>
      %mul3A_591 = arith.mulf %mul3A_590, %add3A_585 : vector<16xf32>
      %select_n3A_592 = arith.select %ge3A_588, %add3A_585, %mul3A_591 : vector<16xi1>, vector<16xf32>
      %sub3A_593 = arith.subf %select_n3A_592, %get3A_35 : vector<16xf32>
      %exp3A_594 = math.exp %sub3A_593 : vector<16xf32>
      %mul3A_595 = arith.constant 96 : i32
      %mul3A_596 = arith.muli %add3A_414, %mul3A_595 : i32
      %add3A_597 = arith.addi %mul3A_37, %mul3A_596 : i32
      %add3A_598 = arith.constant 64 : i32
      %add3A_599 = arith.addi %add3A_597, %add3A_598 : i32
      %add3A_600 = vector.broadcast %add3A_599 : i32 to vector<16xi32>
      %add3A_601 = arith.addi %add3A_600, %iota3A : vector<16xi32>
      %lt3A_602 = arith.constant 330000 : i32
      %lt3A_603 = vector.broadcast %lt3A_602 : i32 to vector<16xi32>
      %lt3A_604 = arith.cmpi slt, %add3A_601, %lt3A_603 : vector<16xi32>
      %jit3A_605 = arith.constant 0.000000e+00 : f32
      %broadcast_in_dim3A_606 = vector.broadcast %jit3A_605 : f32 to vector<16xf32>
      %select_n3A_607 = arith.select %lt3A_604, %exp3A_594, %broadcast_in_dim3A_606 : vector<16xi1>, vector<16xf32>
      %swap3A_608 = arith.constant 1 : i32
      %swap3A_609 = arith.index_cast %swap3A_608 : i32 to index
      %swap3A_610 = arith.constant 64 : index
      %swap3A_611 = tpu.vector_load %arg14[%swap3A_609, %swap3A_610] {strides = array<i32>} : memref<2x96xf32, #tpu.memory_space<vmem>>, vector<16xf32>,
      tpu.vector_store %arg14[%swap3A_609, %swap3A_610], %select_n3A_607 {strides = array<i32>} : memref<2x96xf32, #tpu.memory_space<vmem>>, vector<16xf32>,
      %get3A_612 = arith.constant 1 : i32
      %get3A_613 = arith.index_cast %get3A_612 : i32 to index
      %get3A_614 = arith.constant 80 : index
      %get3A_615 = tpu.vector_load %arg12[%get3A_613, %get3A_614] {strides = array<i32>} : memref<2x96xi32, #tpu.memory_space<vmem>>, vector<16xi32>,
      %get3A_616 = arith.constant 1 : i32
      %get3A_617 = arith.index_cast %get3A_616 : i32 to index
      %get3A_618 = arith.constant 80 : index
      %get3A_619 = tpu.vector_load %arg13[%get3A_617, %get3A_618] {strides = array<i32>} : memref<2x96xi32, #tpu.memory_space<vmem>>, vector<16xi32>,
      %gather3A_620 = tpu.vector_load_idx %arg10[%get3A_615] : memref<10240xf32, #tpu.memory_space<vmem>>[vector<16xi32>], vector<16xf32>,
      %gather3A_621 = tpu.vector_load_idx %arg11[%get3A_619] : memref<10240xf32, #tpu.memory_space<vmem>>[vector<16xi32>], vector<16xf32>,
      %add3A_622 = arith.addf %gather3A_620, %gather3A_621 : vector<16xf32>
      %ge3A_623 = arith.constant 0.000000e+00 : f32
      %ge3A_624 = vector.broadcast %ge3A_623 : f32 to vector<16xf32>
      %ge3A_625 = arith.cmpf oge, %add3A_622, %ge3A_624 : vector<16xf32>
      %mul3A_626 = arith.constant 2.000000e-01 : f32
      %mul3A_627 = vector.broadcast %mul3A_626 : f32 to vector<16xf32>
      %mul3A_628 = arith.mulf %mul3A_627, %add3A_622 : vector<16xf32>
      %select_n3A_629 = arith.select %ge3A_625, %add3A_622, %mul3A_628 : vector<16xi1>, vector<16xf32>
      %sub3A_630 = arith.subf %select_n3A_629, %get3A_35 : vector<16xf32>
      %exp3A_631 = math.exp %sub3A_630 : vector<16xf32>
      %mul3A_632 = arith.constant 96 : i32
      %mul3A_633 = arith.muli %add3A_414, %mul3A_632 : i32
      %add3A_634 = arith.addi %mul3A_37, %mul3A_633 : i32
      %add3A_635 = arith.constant 80 : i32
      %add3A_636 = arith.addi %add3A_634, %add3A_635 : i32
      %add3A_637 = vector.broadcast %add3A_636 : i32 to vector<16xi32>
      %add3A_638 = arith.addi %add3A_637, %iota3A : vector<16xi32>
      %lt3A_639 = arith.constant 330000 : i32
      %lt3A_640 = vector.broadcast %lt3A_639 : i32 to vector<16xi32>
      %lt3A_641 = arith.cmpi slt, %add3A_638, %lt3A_640 : vector<16xi32>
      %jit3A_642 = arith.constant 0.000000e+00 : f32
      %broadcast_in_dim3A_643 = vector.broadcast %jit3A_642 : f32 to vector<16xf32>
      %select_n3A_644 = arith.select %lt3A_641, %exp3A_631, %broadcast_in_dim3A_643 : vector<16xi1>, vector<16xf32>
      %swap3A_645 = arith.constant 1 : i32
      %swap3A_646 = arith.index_cast %swap3A_645 : i32 to index
      %swap3A_647 = arith.constant 80 : index
      %swap3A_648 = tpu.vector_load %arg14[%swap3A_646, %swap3A_647] {strides = array<i32>} : memref<2x96xf32, #tpu.memory_space<vmem>>, vector<16xf32>,
      tpu.vector_store %arg14[%swap3A_646, %swap3A_647], %select_n3A_644 {strides = array<i32>} : memref<2x96xf32, #tpu.memory_space<vmem>>, vector<16xf32>,
      %dma_start3A_649 = arith.constant 1 : i32
      %dma_start3A_650 = arith.constant 1 : i32
      %dma_start3A_651 = arith.constant 0 : i32
      %dma_start3A_652 = tpu.memref_slice %arg14[%dma_start3A_649, %dma_start3A_651] : memref<2x96xf32, #tpu.memory_space<vmem>> -> memref<1x96xf32, #tpu.memory_space<vmem>>
      %dma_start3A_653 = tpu.memref_squeeze %dma_start3A_652 : memref<1x96xf32, #tpu.memory_space<vmem>> -> memref<96xf32, #tpu.memory_space<vmem>>
      %dma_start3A_654 = arith.constant 0 : i32
      %dma_start3A_655 = tpu.memref_slice %arg13[%dma_start3A_650, %dma_start3A_654] : memref<2x96xi32, #tpu.memory_space<vmem>> -> memref<1x96xi32, #tpu.memory_space<vmem>>
      %dma_start3A_656 = tpu.memref_squeeze %dma_start3A_655 : memref<1x96xi32, #tpu.memory_space<vmem>> -> memref<96xi32, #tpu.memory_space<vmem>>
      %dma_start3A_657 = arith.constant 0 : i32
      %dma_start3A_658 = tpu.memref_slice %arg19[%dma_start3A_657] : memref<10240xf32, #tpu.memory_space<vmem_shared>> -> memref<10240xf32, #tpu.memory_space<vmem_shared>>
      tpu.enqueue_indirect_dma source(%dma_start3A_653 : memref<96xf32, #tpu.memory_space<vmem>>) target(%dma_start3A_658 : memref<10240xf32, #tpu.memory_space<vmem_shared>>) offsets(%dma_start3A_656 : memref<96xi32, #tpu.memory_space<vmem>>) semaphore(%arg23 : memref<!tpu.dma_semaphore, #tpu.memory_space<semaphore_mem>>) {add = true}
      %dma_wait3A_659 = arith.constant 1 : i32
      %dma_wait3A_660 = arith.constant 1 : i32
      %dma_wait3A_661 = arith.constant 0 : i32
      %dma_wait3A_662 = arith.constant 0 : i32
      %dma_wait3A_663 = tpu.memref_slice %arg15[%dma_wait3A_660, %dma_wait3A_661, %dma_wait3A_662] : memref<2x96x128xf32, #tpu.memory_space<vmem>> -> memref<1x96x128xf32, #tpu.memory_space<vmem>>
      %dma_wait3A_664 = tpu.memref_squeeze %dma_wait3A_663 : memref<1x96x128xf32, #tpu.memory_space<vmem>> -> memref<96x128xf32, #tpu.memory_space<vmem>>
      %dma_wait3A_665 = arith.constant 0 : i32
      %dma_wait3A_666 = tpu.memref_slice %arg12[%dma_wait3A_659, %dma_wait3A_665] : memref<2x96xi32, #tpu.memory_space<vmem>> -> memref<1x96xi32, #tpu.memory_space<vmem>>
      %dma_wait3A_667 = tpu.memref_squeeze %dma_wait3A_666 : memref<1x96xi32, #tpu.memory_space<vmem>> -> memref<96xi32, #tpu.memory_space<vmem>>
      %dma_wait3A_668 = arith.constant 0 : i32
      %dma_wait3A_669 = arith.constant 0 : i32
      %dma_wait3A_670 = tpu.memref_slice %arg2[%dma_wait3A_668, %dma_wait3A_669] : memref<10240x128xf32, #tpu.memory_space<hbm>> -> memref<10240x128xf32, #tpu.memory_space<hbm>>
      tpu.wait_indirect_dma semaphore(%arg21 : memref<!tpu.dma_semaphore, #tpu.memory_space<semaphore_mem>>) src(%dma_wait3A_670 : memref<10240x128xf32, #tpu.memory_space<hbm>>) dst(%dma_wait3A_664 : memref<96x128xf32, #tpu.memory_space<vmem>>)
      %dma_wait3A_671 = arith.constant 0 : i32
      %dma_wait3A_672 = arith.constant 0 : i32
      %dma_wait3A_673 = arith.constant 0 : i32
      %dma_wait3A_674 = arith.constant 0 : i32
      %dma_wait3A_675 = tpu.memref_slice %arg15[%dma_wait3A_671, %dma_wait3A_673, %dma_wait3A_674] : memref<2x96x128xf32, #tpu.memory_space<vmem>> -> memref<1x96x128xf32, #tpu.memory_space<vmem>>
      %dma_wait3A_676 = tpu.memref_squeeze %dma_wait3A_675 : memref<1x96x128xf32, #tpu.memory_space<vmem>> -> memref<96x128xf32, #tpu.memory_space<vmem>>
      %dma_wait3A_677 = arith.constant 0 : i32
      %dma_wait3A_678 = tpu.memref_slice %arg13[%dma_wait3A_672, %dma_wait3A_677] : memref<2x96xi32, #tpu.memory_space<vmem>> -> memref<1x96xi32, #tpu.memory_space<vmem>>
      %dma_wait3A_679 = tpu.memref_squeeze %dma_wait3A_678 : memref<1x96xi32, #tpu.memory_space<vmem>> -> memref<96xi32, #tpu.memory_space<vmem>>
      %dma_wait3A_680 = arith.constant 0 : i32
      %dma_wait3A_681 = arith.constant 0 : i32
      %dma_wait3A_682 = tpu.memref_slice %arg18[%dma_wait3A_680, %dma_wait3A_681] : memref<10240x128xf32, #tpu.memory_space<vmem_shared>> -> memref<10240x128xf32, #tpu.memory_space<vmem_shared>>
      tpu.wait_indirect_dma semaphore(%arg22 : memref<!tpu.dma_semaphore, #tpu.memory_space<semaphore_mem>>) src(%dma_wait3A_676 : memref<96x128xf32, #tpu.memory_space<vmem>>) dst(%dma_wait3A_682 : memref<10240x128xf32, #tpu.memory_space<vmem_shared>>)
      %lt3A_683 = arith.constant 53 : i32
      %lt3A_684 = arith.cmpi slt, %scan3A_81, %lt3A_683 : i32
      %convert_element_type3A_685 = arith.extui %lt3A_684 : i1 to i32
      %cond3A_686 = arith.constant 0 : i32
      %cond3A_687 = arith.cmpi ne, %convert_element_type3A_685, %cond3A_686 : i32
      scf.if %cond3A_687 {
        %dma_start3A_710 = arith.constant 0 : i32
        %dma_start3A_711 = arith.constant 0 : i32
        %dma_start3A_712 = tpu.memref_slice %arg12[%dma_start3A_710, %dma_start3A_711] : memref<2x96xi32, #tpu.memory_space<vmem>> -> memref<1x96xi32, #tpu.memory_space<vmem>>
        %dma_start3A_713 = tpu.memref_squeeze %dma_start3A_712 : memref<1x96xi32, #tpu.memory_space<vmem>> -> memref<96xi32, #tpu.memory_space<vmem>>
        %dma_start3A_714 = arith.constant 0 : i32
        %dma_start3A_715 = tpu.memref_slice %arg6[%add3A, %add3A_416, %dma_start3A_714] : memref<32x108x96xi32, #tpu.memory_space<hbm>> -> memref<1x1x96xi32, #tpu.memory_space<hbm>>
        %dma_start3A_716 = tpu.memref_squeeze %dma_start3A_715 : memref<1x1x96xi32, #tpu.memory_space<hbm>> -> memref<96xi32, #tpu.memory_space<hbm>>
        %dma_start3A_717 = arith.constant 0 : i32
        %dma_start3A_718 = tpu.memref_slice %arg12[%dma_start3A_710, %dma_start3A_717] : memref<2x96xi32, #tpu.memory_space<vmem>> -> memref<1x96xi32, #tpu.memory_space<vmem>>
        %dma_start3A_719 = tpu.memref_squeeze %dma_start3A_718 : memref<1x96xi32, #tpu.memory_space<vmem>> -> memref<96xi32, #tpu.memory_space<vmem>>
        %dma_start3A_720 = arith.constant 0 : i32
        %dma_start3A_721 = tpu.memref_slice %arg6[%add3A, %add3A_416, %dma_start3A_720] : memref<32x108x96xi32, #tpu.memory_space<hbm>> -> memref<1x1x96xi32, #tpu.memory_space<hbm>>
        %dma_start3A_722 = tpu.memref_squeeze %dma_start3A_721 : memref<1x1x96xi32, #tpu.memory_space<hbm>> -> memref<96xi32, #tpu.memory_space<hbm>>
        tpu.enqueue_dma source(%dma_start3A_722 : memref<96xi32, #tpu.memory_space<hbm>>) target(%dma_start3A_719 : memref<96xi32, #tpu.memory_space<vmem>>) target_semaphore(%arg20 : memref<!tpu.dma_semaphore, #tpu.memory_space<semaphore_mem>>)
        %dma_start3A_723 = arith.constant 0 : i32
        %dma_start3A_724 = arith.constant 0 : i32
        %dma_start3A_725 = tpu.memref_slice %arg13[%dma_start3A_723, %dma_start3A_724] : memref<2x96xi32, #tpu.memory_space<vmem>> -> memref<1x96xi32, #tpu.memory_space<vmem>>
        %dma_start3A_726 = tpu.memref_squeeze %dma_start3A_725 : memref<1x96xi32, #tpu.memory_space<vmem>> -> memref<96xi32, #tpu.memory_space<vmem>>
        %dma_start3A_727 = arith.constant 0 : i32
        %dma_start3A_728 = tpu.memref_slice %arg7[%add3A, %add3A_416, %dma_start3A_727] : memref<32x108x96xi32, #tpu.memory_space<hbm>> -> memref<1x1x96xi32, #tpu.memory_space<hbm>>
        %dma_start3A_729 = tpu.memref_squeeze %dma_start3A_728 : memref<1x1x96xi32, #tpu.memory_space<hbm>> -> memref<96xi32, #tpu.memory_space<hbm>>
        %dma_start3A_730 = arith.constant 0 : i32
        %dma_start3A_731 = tpu.memref_slice %arg13[%dma_start3A_723, %dma_start3A_730] : memref<2x96xi32, #tpu.memory_space<vmem>> -> memref<1x96xi32, #tpu.memory_space<vmem>>
        %dma_start3A_732 = tpu.memref_squeeze %dma_start3A_731 : memref<1x96xi32, #tpu.memory_space<vmem>> -> memref<96xi32, #tpu.memory_space<vmem>>
        %dma_start3A_733 = arith.constant 0 : i32
        %dma_start3A_734 = tpu.memref_slice %arg7[%add3A, %add3A_416, %dma_start3A_733] : memref<32x108x96xi32, #tpu.memory_space<hbm>> -> memref<1x1x96xi32, #tpu.memory_space<hbm>>
        %dma_start3A_735 = tpu.memref_squeeze %dma_start3A_734 : memref<1x1x96xi32, #tpu.memory_space<hbm>> -> memref<96xi32, #tpu.memory_space<hbm>>
        tpu.enqueue_dma source(%dma_start3A_735 : memref<96xi32, #tpu.memory_space<hbm>>) target(%dma_start3A_732 : memref<96xi32, #tpu.memory_space<vmem>>) target_semaphore(%arg20 : memref<!tpu.dma_semaphore, #tpu.memory_space<semaphore_mem>>)
      } else {
      }
      %lt3A_688 = arith.constant 53 : i32
      %lt3A_689 = arith.cmpi slt, %scan3A_81, %lt3A_688 : i32
      %convert_element_type3A_690 = arith.extui %lt3A_689 : i1 to i32
      %cond3A_691 = arith.constant 0 : i32
      %cond3A_692 = arith.cmpi ne, %convert_element_type3A_690, %cond3A_691 : i32
      scf.if %cond3A_692 {
        %dma_wait3A_710 = arith.constant 0 : i32
        %dma_wait3A_711 = arith.constant 0 : i32
        %dma_wait3A_712 = tpu.memref_slice %arg12[%dma_wait3A_710, %dma_wait3A_711] : memref<2x96xi32, #tpu.memory_space<vmem>> -> memref<1x96xi32, #tpu.memory_space<vmem>>
        %dma_wait3A_713 = tpu.memref_squeeze %dma_wait3A_712 : memref<1x96xi32, #tpu.memory_space<vmem>> -> memref<96xi32, #tpu.memory_space<vmem>>
        %dma_wait3A_714 = arith.constant 0 : i32
        %dma_wait3A_715 = tpu.memref_slice %arg6[%add3A, %add3A_416, %dma_wait3A_714] : memref<32x108x96xi32, #tpu.memory_space<hbm>> -> memref<1x1x96xi32, #tpu.memory_space<hbm>>
        %dma_wait3A_716 = tpu.memref_squeeze %dma_wait3A_715 : memref<1x1x96xi32, #tpu.memory_space<hbm>> -> memref<96xi32, #tpu.memory_space<hbm>>
        %dma_wait3A_717 = arith.constant 0 : i32
        %dma_wait3A_718 = tpu.memref_slice %arg12[%dma_wait3A_710, %dma_wait3A_717] : memref<2x96xi32, #tpu.memory_space<vmem>> -> memref<1x96xi32, #tpu.memory_space<vmem>>
        %dma_wait3A_719 = tpu.memref_squeeze %dma_wait3A_718 : memref<1x96xi32, #tpu.memory_space<vmem>> -> memref<96xi32, #tpu.memory_space<vmem>>
        %dma_wait3A_720 = arith.constant 0 : i32
        %dma_wait3A_721 = tpu.memref_slice %arg6[%add3A, %add3A_416, %dma_wait3A_720] : memref<32x108x96xi32, #tpu.memory_space<hbm>> -> memref<1x1x96xi32, #tpu.memory_space<hbm>>
        %dma_wait3A_722 = tpu.memref_squeeze %dma_wait3A_721 : memref<1x1x96xi32, #tpu.memory_space<hbm>> -> memref<96xi32, #tpu.memory_space<hbm>>
        tpu.wait_dma2 semaphore(%arg20 : memref<!tpu.dma_semaphore, #tpu.memory_space<semaphore_mem>>) src(%dma_wait3A_722 : memref<96xi32, #tpu.memory_space<hbm>>) dst(%dma_wait3A_719 : memref<96xi32, #tpu.memory_space<vmem>>)
        %dma_wait3A_723 = arith.constant 0 : i32
        %dma_wait3A_724 = arith.constant 0 : i32
        %dma_wait3A_725 = tpu.memref_slice %arg13[%dma_wait3A_723, %dma_wait3A_724] : memref<2x96xi32, #tpu.memory_space<vmem>> -> memref<1x96xi32, #tpu.memory_space<vmem>>
        %dma_wait3A_726 = tpu.memref_squeeze %dma_wait3A_725 : memref<1x96xi32, #tpu.memory_space<vmem>> -> memref<96xi32, #tpu.memory_space<vmem>>
        %dma_wait3A_727 = arith.constant 0 : i32
        %dma_wait3A_728 = tpu.memref_slice %arg7[%add3A, %add3A_416, %dma_wait3A_727] : memref<32x108x96xi32, #tpu.memory_space<hbm>> -> memref<1x1x96xi32, #tpu.memory_space<hbm>>
        %dma_wait3A_729 = tpu.memref_squeeze %dma_wait3A_728 : memref<1x1x96xi32, #tpu.memory_space<hbm>> -> memref<96xi32, #tpu.memory_space<hbm>>
        %dma_wait3A_730 = arith.constant 0 : i32
        %dma_wait3A_731 = tpu.memref_slice %arg13[%dma_wait3A_723, %dma_wait3A_730] : memref<2x96xi32, #tpu.memory_space<vmem>> -> memref<1x96xi32, #tpu.memory_space<vmem>>
        %dma_wait3A_732 = tpu.memref_squeeze %dma_wait3A_731 : memref<1x96xi32, #tpu.memory_space<vmem>> -> memref<96xi32, #tpu.memory_space<vmem>>
        %dma_wait3A_733 = arith.constant 0 : i32
        %dma_wait3A_734 = tpu.memref_slice %arg7[%add3A, %add3A_416, %dma_wait3A_733] : memref<32x108x96xi32, #tpu.memory_space<hbm>> -> memref<1x1x96xi32, #tpu.memory_space<hbm>>
        %dma_wait3A_735 = tpu.memref_squeeze %dma_wait3A_734 : memref<1x1x96xi32, #tpu.memory_space<hbm>> -> memref<96xi32, #tpu.memory_space<hbm>>
        tpu.wait_dma2 semaphore(%arg20 : memref<!tpu.dma_semaphore, #tpu.memory_space<semaphore_mem>>) src(%dma_wait3A_735 : memref<96xi32, #tpu.memory_space<hbm>>) dst(%dma_wait3A_732 : memref<96xi32, #tpu.memory_space<vmem>>)
        %dma_start3A_736 = arith.constant 0 : i32
        %dma_start3A_737 = arith.constant 0 : i32
        %dma_start3A_738 = arith.constant 0 : i32
        %dma_start3A_739 = arith.constant 0 : i32
        %dma_start3A_740 = tpu.memref_slice %arg15[%dma_start3A_737, %dma_start3A_738, %dma_start3A_739] : memref<2x96x128xf32, #tpu.memory_space<vmem>> -> memref<1x96x128xf32, #tpu.memory_space<vmem>>
        %dma_start3A_741 = tpu.memref_squeeze %dma_start3A_740 : memref<1x96x128xf32, #tpu.memory_space<vmem>> -> memref<96x128xf32, #tpu.memory_space<vmem>>
        %dma_start3A_742 = arith.constant 0 : i32
        %dma_start3A_743 = tpu.memref_slice %arg12[%dma_start3A_736, %dma_start3A_742] : memref<2x96xi32, #tpu.memory_space<vmem>> -> memref<1x96xi32, #tpu.memory_space<vmem>>
        %dma_start3A_744 = tpu.memref_squeeze %dma_start3A_743 : memref<1x96xi32, #tpu.memory_space<vmem>> -> memref<96xi32, #tpu.memory_space<vmem>>
        %dma_start3A_745 = arith.constant 0 : i32
        %dma_start3A_746 = arith.constant 0 : i32
        %dma_start3A_747 = tpu.memref_slice %arg2[%dma_start3A_745, %dma_start3A_746] : memref<10240x128xf32, #tpu.memory_space<hbm>> -> memref<10240x128xf32, #tpu.memory_space<hbm>>
        tpu.enqueue_indirect_dma source(%dma_start3A_747 : memref<10240x128xf32, #tpu.memory_space<hbm>>) target(%dma_start3A_741 : memref<96x128xf32, #tpu.memory_space<vmem>>) offsets(%dma_start3A_744 : memref<96xi32, #tpu.memory_space<vmem>>) semaphore(%arg21 : memref<!tpu.dma_semaphore, #tpu.memory_space<semaphore_mem>>)
      } else {
      }
      %broadcast_in_dim3A_693 = arith.constant 1 : i32
      %broadcast_in_dim3A_694 = vector.broadcast %broadcast_in_dim3A_693 : i32 to vector<16xi32>
      %parallel_loop3A_695 = arith.constant 0 : i32
      %parallel_loop3A_696 = arith.constant 96 : i32
      %parallel_loop3A_697 = arith.constant 1 : i32
      scf.for %parallel_loop3A_710 = %parallel_loop3A_695 to %parallel_loop3A_696 step %parallel_loop3A_697  : i32 {
        %parallel_loop3A_711 = vector.broadcast %parallel_loop3A_710 : i32 to vector<16xi32>
        %parallel_loop3A_712 = tpu.vector_load_idx %arg14[%broadcast_in_dim3A_694, %parallel_loop3A_711] : memref<2x96xf32, #tpu.memory_space<vmem>>[vector<16xi32>, vector<16xi32>], vector<16xf32>,
        %parallel_loop3A_713 = arith.constant 1 : i32
        %parallel_loop3A_714 = arith.index_cast %parallel_loop3A_713 : i32 to index
        %parallel_loop3A_715 = arith.index_cast %parallel_loop3A_710 : i32 to index
        %parallel_loop3A_716 = arith.constant 0 : index
        %parallel_loop3A_717 = tpu.vector_load %arg15[%parallel_loop3A_714, %parallel_loop3A_715, %parallel_loop3A_716] {strides = array<i32>} : memref<2x96x128xf32, #tpu.memory_space<vmem>>, vector<16xf32>,
        %parallel_loop3A_718 = arith.mulf %parallel_loop3A_717, %parallel_loop3A_712 : vector<16xf32>
        %parallel_loop3A_719 = arith.constant 1 : i32
        %parallel_loop3A_720 = arith.index_cast %parallel_loop3A_719 : i32 to index
        %parallel_loop3A_721 = arith.index_cast %parallel_loop3A_710 : i32 to index
        %parallel_loop3A_722 = arith.constant 0 : index
        %parallel_loop3A_723 = tpu.vector_load %arg15[%parallel_loop3A_720, %parallel_loop3A_721, %parallel_loop3A_722] {strides = array<i32>} : memref<2x96x128xf32, #tpu.memory_space<vmem>>, vector<16xf32>,
        tpu.vector_store %arg15[%parallel_loop3A_720, %parallel_loop3A_721, %parallel_loop3A_722], %parallel_loop3A_718 {strides = array<i32>} : memref<2x96x128xf32, #tpu.memory_space<vmem>>, vector<16xf32>,
        %parallel_loop3A_724 = arith.constant 1 : i32
        %parallel_loop3A_725 = arith.index_cast %parallel_loop3A_724 : i32 to index
        %parallel_loop3A_726 = arith.index_cast %parallel_loop3A_710 : i32 to index
        %parallel_loop3A_727 = arith.constant 16 : index
        %parallel_loop3A_728 = tpu.vector_load %arg15[%parallel_loop3A_725, %parallel_loop3A_726, %parallel_loop3A_727] {strides = array<i32>} : memref<2x96x128xf32, #tpu.memory_space<vmem>>, vector<16xf32>,
        %parallel_loop3A_729 = arith.mulf %parallel_loop3A_728, %parallel_loop3A_712 : vector<16xf32>
        %parallel_loop3A_730 = arith.constant 1 : i32
        %parallel_loop3A_731 = arith.index_cast %parallel_loop3A_730 : i32 to index
        %parallel_loop3A_732 = arith.index_cast %parallel_loop3A_710 : i32 to index
        %parallel_loop3A_733 = arith.constant 16 : index
        %parallel_loop3A_734 = tpu.vector_load %arg15[%parallel_loop3A_731, %parallel_loop3A_732, %parallel_loop3A_733] {strides = array<i32>} : memref<2x96x128xf32, #tpu.memory_space<vmem>>, vector<16xf32>,
        tpu.vector_store %arg15[%parallel_loop3A_731, %parallel_loop3A_732, %parallel_loop3A_733], %parallel_loop3A_729 {strides = array<i32>} : memref<2x96x128xf32, #tpu.memory_space<vmem>>, vector<16xf32>,
        %parallel_loop3A_735 = arith.constant 1 : i32
        %parallel_loop3A_736 = arith.index_cast %parallel_loop3A_735 : i32 to index
        %parallel_loop3A_737 = arith.index_cast %parallel_loop3A_710 : i32 to index
        %parallel_loop3A_738 = arith.constant 32 : index
        %parallel_loop3A_739 = tpu.vector_load %arg15[%parallel_loop3A_736, %parallel_loop3A_737, %parallel_loop3A_738] {strides = array<i32>} : memref<2x96x128xf32, #tpu.memory_space<vmem>>, vector<16xf32>,
        %parallel_loop3A_740 = arith.mulf %parallel_loop3A_739, %parallel_loop3A_712 : vector<16xf32>
        %parallel_loop3A_741 = arith.constant 1 : i32
        %parallel_loop3A_742 = arith.index_cast %parallel_loop3A_741 : i32 to index
        %parallel_loop3A_743 = arith.index_cast %parallel_loop3A_710 : i32 to index
        %parallel_loop3A_744 = arith.constant 32 : index
        %parallel_loop3A_745 = tpu.vector_load %arg15[%parallel_loop3A_742, %parallel_loop3A_743, %parallel_loop3A_744] {strides = array<i32>} : memref<2x96x128xf32, #tpu.memory_space<vmem>>, vector<16xf32>,
        tpu.vector_store %arg15[%parallel_loop3A_742, %parallel_loop3A_743, %parallel_loop3A_744], %parallel_loop3A_740 {strides = array<i32>} : memref<2x96x128xf32, #tpu.memory_space<vmem>>, vector<16xf32>,
        %parallel_loop3A_746 = arith.constant 1 : i32
        %parallel_loop3A_747 = arith.index_cast %parallel_loop3A_746 : i32 to index
        %parallel_loop3A_748 = arith.index_cast %parallel_loop3A_710 : i32 to index
        %parallel_loop3A_749 = arith.constant 48 : index
        %parallel_loop3A_750 = tpu.vector_load %arg15[%parallel_loop3A_747, %parallel_loop3A_748, %parallel_loop3A_749] {strides = array<i32>} : memref<2x96x128xf32, #tpu.memory_space<vmem>>, vector<16xf32>,
        %parallel_loop3A_751 = arith.mulf %parallel_loop3A_750, %parallel_loop3A_712 : vector<16xf32>
        %parallel_loop3A_752 = arith.constant 1 : i32
        %parallel_loop3A_753 = arith.index_cast %parallel_loop3A_752 : i32 to index
        %parallel_loop3A_754 = arith.index_cast %parallel_loop3A_710 : i32 to index
        %parallel_loop3A_755 = arith.constant 48 : index
        %parallel_loop3A_756 = tpu.vector_load %arg15[%parallel_loop3A_753, %parallel_loop3A_754, %parallel_loop3A_755] {strides = array<i32>} : memref<2x96x128xf32, #tpu.memory_space<vmem>>, vector<16xf32>,
        tpu.vector_store %arg15[%parallel_loop3A_753, %parallel_loop3A_754, %parallel_loop3A_755], %parallel_loop3A_751 {strides = array<i32>} : memref<2x96x128xf32, #tpu.memory_space<vmem>>, vector<16xf32>,
        %parallel_loop3A_757 = arith.constant 1 : i32
        %parallel_loop3A_758 = arith.index_cast %parallel_loop3A_757 : i32 to index
        %parallel_loop3A_759 = arith.index_cast %parallel_loop3A_710 : i32 to index
        %parallel_loop3A_760 = arith.constant 64 : index
        %parallel_loop3A_761 = tpu.vector_load %arg15[%parallel_loop3A_758, %parallel_loop3A_759, %parallel_loop3A_760] {strides = array<i32>} : memref<2x96x128xf32, #tpu.memory_space<vmem>>, vector<16xf32>,
        %parallel_loop3A_762 = arith.mulf %parallel_loop3A_761, %parallel_loop3A_712 : vector<16xf32>
        %parallel_loop3A_763 = arith.constant 1 : i32
        %parallel_loop3A_764 = arith.index_cast %parallel_loop3A_763 : i32 to index
        %parallel_loop3A_765 = arith.index_cast %parallel_loop3A_710 : i32 to index
        %parallel_loop3A_766 = arith.constant 64 : index
        %parallel_loop3A_767 = tpu.vector_load %arg15[%parallel_loop3A_764, %parallel_loop3A_765, %parallel_loop3A_766] {strides = array<i32>} : memref<2x96x128xf32, #tpu.memory_space<vmem>>, vector<16xf32>,
        tpu.vector_store %arg15[%parallel_loop3A_764, %parallel_loop3A_765, %parallel_loop3A_766], %parallel_loop3A_762 {strides = array<i32>} : memref<2x96x128xf32, #tpu.memory_space<vmem>>, vector<16xf32>,
        %parallel_loop3A_768 = arith.constant 1 : i32
        %parallel_loop3A_769 = arith.index_cast %parallel_loop3A_768 : i32 to index
        %parallel_loop3A_770 = arith.index_cast %parallel_loop3A_710 : i32 to index
        %parallel_loop3A_771 = arith.constant 80 : index
        %parallel_loop3A_772 = tpu.vector_load %arg15[%parallel_loop3A_769, %parallel_loop3A_770, %parallel_loop3A_771] {strides = array<i32>} : memref<2x96x128xf32, #tpu.memory_space<vmem>>, vector<16xf32>,
        %parallel_loop3A_773 = arith.mulf %parallel_loop3A_772, %parallel_loop3A_712 : vector<16xf32>
        %parallel_loop3A_774 = arith.constant 1 : i32
        %parallel_loop3A_775 = arith.index_cast %parallel_loop3A_774 : i32 to index
        %parallel_loop3A_776 = arith.index_cast %parallel_loop3A_710 : i32 to index
        %parallel_loop3A_777 = arith.constant 80 : index
        %parallel_loop3A_778 = tpu.vector_load %arg15[%parallel_loop3A_775, %parallel_loop3A_776, %parallel_loop3A_777] {strides = array<i32>} : memref<2x96x128xf32, #tpu.memory_space<vmem>>, vector<16xf32>,
        tpu.vector_store %arg15[%parallel_loop3A_775, %parallel_loop3A_776, %parallel_loop3A_777], %parallel_loop3A_773 {strides = array<i32>} : memref<2x96x128xf32, #tpu.memory_space<vmem>>, vector<16xf32>,
        %parallel_loop3A_779 = arith.constant 1 : i32
        %parallel_loop3A_780 = arith.index_cast %parallel_loop3A_779 : i32 to index
        %parallel_loop3A_781 = arith.index_cast %parallel_loop3A_710 : i32 to index
        %parallel_loop3A_782 = arith.constant 96 : index
        %parallel_loop3A_783 = tpu.vector_load %arg15[%parallel_loop3A_780, %parallel_loop3A_781, %parallel_loop3A_782] {strides = array<i32>} : memref<2x96x128xf32, #tpu.memory_space<vmem>>, vector<16xf32>,
        %parallel_loop3A_784 = arith.mulf %parallel_loop3A_783, %parallel_loop3A_712 : vector<16xf32>
        %parallel_loop3A_785 = arith.constant 1 : i32
        %parallel_loop3A_786 = arith.index_cast %parallel_loop3A_785 : i32 to index
        %parallel_loop3A_787 = arith.index_cast %parallel_loop3A_710 : i32 to index
        %parallel_loop3A_788 = arith.constant 96 : index
        %parallel_loop3A_789 = tpu.vector_load %arg15[%parallel_loop3A_786, %parallel_loop3A_787, %parallel_loop3A_788] {strides = array<i32>} : memref<2x96x128xf32, #tpu.memory_space<vmem>>, vector<16xf32>,
        tpu.vector_store %arg15[%parallel_loop3A_786, %parallel_loop3A_787, %parallel_loop3A_788], %parallel_loop3A_784 {strides = array<i32>} : memref<2x96x128xf32, #tpu.memory_space<vmem>>, vector<16xf32>,
        %parallel_loop3A_790 = arith.constant 1 : i32
        %parallel_loop3A_791 = arith.index_cast %parallel_loop3A_790 : i32 to index
        %parallel_loop3A_792 = arith.index_cast %parallel_loop3A_710 : i32 to index
        %parallel_loop3A_793 = arith.constant 112 : index
        %parallel_loop3A_794 = tpu.vector_load %arg15[%parallel_loop3A_791, %parallel_loop3A_792, %parallel_loop3A_793] {strides = array<i32>} : memref<2x96x128xf32, #tpu.memory_space<vmem>>, vector<16xf32>,
        %parallel_loop3A_795 = arith.mulf %parallel_loop3A_794, %parallel_loop3A_712 : vector<16xf32>
        %parallel_loop3A_796 = arith.constant 1 : i32
        %parallel_loop3A_797 = arith.index_cast %parallel_loop3A_796 : i32 to index
        %parallel_loop3A_798 = arith.index_cast %parallel_loop3A_710 : i32 to index
        %parallel_loop3A_799 = arith.constant 112 : index
        %parallel_loop3A_800 = tpu.vector_load %arg15[%parallel_loop3A_797, %parallel_loop3A_798, %parallel_loop3A_799] {strides = array<i32>} : memref<2x96x128xf32, #tpu.memory_space<vmem>>, vector<16xf32>,
        tpu.vector_store %arg15[%parallel_loop3A_797, %parallel_loop3A_798, %parallel_loop3A_799], %parallel_loop3A_795 {strides = array<i32>} : memref<2x96x128xf32, #tpu.memory_space<vmem>>, vector<16xf32>,
      } {sc.loop_unroll_factor = 4 : i64, sc.parallel_access}
      %dma_start3A_698 = arith.constant 1 : i32
      %dma_start3A_699 = arith.constant 1 : i32
      %dma_start3A_700 = arith.constant 0 : i32
      %dma_start3A_701 = arith.constant 0 : i32
      %dma_start3A_702 = tpu.memref_slice %arg15[%dma_start3A_698, %dma_start3A_700, %dma_start3A_701] : memref<2x96x128xf32, #tpu.memory_space<vmem>> -> memref<1x96x128xf32, #tpu.memory_space<vmem>>
      %dma_start3A_703 = tpu.memref_squeeze %dma_start3A_702 : memref<1x96x128xf32, #tpu.memory_space<vmem>> -> memref<96x128xf32, #tpu.memory_space<vmem>>
      %dma_start3A_704 = arith.constant 0 : i32
      %dma_start3A_705 = tpu.memref_slice %arg13[%dma_start3A_699, %dma_start3A_704] : memref<2x96xi32, #tpu.memory_space<vmem>> -> memref<1x96xi32, #tpu.memory_space<vmem>>
      %dma_start3A_706 = tpu.memref_squeeze %dma_start3A_705 : memref<1x96xi32, #tpu.memory_space<vmem>> -> memref<96xi32, #tpu.memory_space<vmem>>
      %dma_start3A_707 = arith.constant 0 : i32
      %dma_start3A_708 = arith.constant 0 : i32
      %dma_start3A_709 = tpu.memref_slice %arg18[%dma_start3A_707, %dma_start3A_708] : memref<10240x128xf32, #tpu.memory_space<vmem_shared>> -> memref<10240x128xf32, #tpu.memory_space<vmem_shared>>
      tpu.enqueue_indirect_dma source(%dma_start3A_703 : memref<96x128xf32, #tpu.memory_space<vmem>>) target(%dma_start3A_709 : memref<10240x128xf32, #tpu.memory_space<vmem_shared>>) offsets(%dma_start3A_706 : memref<96xi32, #tpu.memory_space<vmem>>) semaphore(%arg22 : memref<!tpu.dma_semaphore, #tpu.memory_space<semaphore_mem>>) {add = true}
    }
    %scan3A_58 = arith.constant 54 : i32
    %dma_wait3A = arith.constant 1 : i32
    %dma_wait3A_59 = arith.constant 1 : i32
    %dma_wait3A_60 = arith.constant 0 : i32
    %dma_wait3A_61 = tpu.memref_slice %arg14[%dma_wait3A, %dma_wait3A_60] : memref<2x96xf32, #tpu.memory_space<vmem>> -> memref<1x96xf32, #tpu.memory_space<vmem>>
    %dma_wait3A_62 = tpu.memref_squeeze %dma_wait3A_61 : memref<1x96xf32, #tpu.memory_space<vmem>> -> memref<96xf32, #tpu.memory_space<vmem>>
    %dma_wait3A_63 = arith.constant 0 : i32
    %dma_wait3A_64 = tpu.memref_slice %arg13[%dma_wait3A_59, %dma_wait3A_63] : memref<2x96xi32, #tpu.memory_space<vmem>> -> memref<1x96xi32, #tpu.memory_space<vmem>>
    %dma_wait3A_65 = tpu.memref_squeeze %dma_wait3A_64 : memref<1x96xi32, #tpu.memory_space<vmem>> -> memref<96xi32, #tpu.memory_space<vmem>>
    %dma_wait3A_66 = arith.constant 0 : i32
    %dma_wait3A_67 = tpu.memref_slice %arg19[%dma_wait3A_66] : memref<10240xf32, #tpu.memory_space<vmem_shared>> -> memref<10240xf32, #tpu.memory_space<vmem_shared>>
    tpu.wait_indirect_dma semaphore(%arg23 : memref<!tpu.dma_semaphore, #tpu.memory_space<semaphore_mem>>) src(%dma_wait3A_62 : memref<96xf32, #tpu.memory_space<vmem>>) dst(%dma_wait3A_67 : memref<10240xf32, #tpu.memory_space<vmem_shared>>)
    %dma_wait3A_68 = arith.constant 1 : i32
    %dma_wait3A_69 = arith.constant 1 : i32
    %dma_wait3A_70 = arith.constant 0 : i32
    %dma_wait3A_71 = arith.constant 0 : i32
    %dma_wait3A_72 = tpu.memref_slice %arg15[%dma_wait3A_68, %dma_wait3A_70, %dma_wait3A_71] : memref<2x96x128xf32, #tpu.memory_space<vmem>> -> memref<1x96x128xf32, #tpu.memory_space<vmem>>
    %dma_wait3A_73 = tpu.memref_squeeze %dma_wait3A_72 : memref<1x96x128xf32, #tpu.memory_space<vmem>> -> memref<96x128xf32, #tpu.memory_space<vmem>>
    %dma_wait3A_74 = arith.constant 0 : i32
    %dma_wait3A_75 = tpu.memref_slice %arg13[%dma_wait3A_69, %dma_wait3A_74] : memref<2x96xi32, #tpu.memory_space<vmem>> -> memref<1x96xi32, #tpu.memory_space<vmem>>
    %dma_wait3A_76 = tpu.memref_squeeze %dma_wait3A_75 : memref<1x96xi32, #tpu.memory_space<vmem>> -> memref<96xi32, #tpu.memory_space<vmem>>
    %dma_wait3A_77 = arith.constant 0 : i32
    %dma_wait3A_78 = arith.constant 0 : i32
    %dma_wait3A_79 = tpu.memref_slice %arg18[%dma_wait3A_77, %dma_wait3A_78] : memref<10240x128xf32, #tpu.memory_space<vmem_shared>> -> memref<10240x128xf32, #tpu.memory_space<vmem_shared>>
    tpu.wait_indirect_dma semaphore(%arg22 : memref<!tpu.dma_semaphore, #tpu.memory_space<semaphore_mem>>) src(%dma_wait3A_73 : memref<96x128xf32, #tpu.memory_space<vmem>>) dst(%dma_wait3A_79 : memref<10240x128xf32, #tpu.memory_space<vmem_shared>>)
    %barrier3A_80 = arith.constant 0 : index
    tpu.barrier barrier_id(%barrier3A_80)
    "tpu.region"() ({
      %run_scoped3A_81 = tpu.sem_alloc : memref<!tpu.dma_semaphore, #tpu.memory_space<semaphore_mem>>
      %dma_start3A_82 = arith.constant 0 : i32
      %dma_start3A_83 = tpu.memref_slice %arg8[%arg0, %mul3A_2, %dma_start3A_82] : memref<2x10240x128xf32, #tpu.memory_space<hbm>> -> memref<1x640x128xf32, #tpu.memory_space<hbm>>
      %dma_start3A_84 = tpu.memref_squeeze %dma_start3A_83 : memref<1x640x128xf32, #tpu.memory_space<hbm>> -> memref<640x128xf32, #tpu.memory_space<hbm>>
      %dma_start3A_85 = arith.constant 0 : i32
      %dma_start3A_86 = tpu.memref_slice %arg18[%mul3A_2, %dma_start3A_85] : memref<10240x128xf32, #tpu.memory_space<vmem_shared>> -> memref<640x128xf32, #tpu.memory_space<vmem_shared>>
      tpu.enqueue_dma source(%dma_start3A_86 : memref<640x128xf32, #tpu.memory_space<vmem_shared>>) target(%dma_start3A_84 : memref<640x128xf32, #tpu.memory_space<hbm>>) target_semaphore(%run_scoped3A_81 : memref<!tpu.dma_semaphore, #tpu.memory_space<semaphore_mem>>)
      %dma_wait3A_87 = arith.constant 0 : i32
      %dma_wait3A_88 = tpu.memref_slice %arg8[%arg0, %mul3A_2, %dma_wait3A_87] : memref<2x10240x128xf32, #tpu.memory_space<hbm>> -> memref<1x640x128xf32, #tpu.memory_space<hbm>>
      %dma_wait3A_89 = tpu.memref_squeeze %dma_wait3A_88 : memref<1x640x128xf32, #tpu.memory_space<hbm>> -> memref<640x128xf32, #tpu.memory_space<hbm>>
      %dma_wait3A_90 = arith.constant 0 : i32
      %dma_wait3A_91 = tpu.memref_slice %arg18[%mul3A_2, %dma_wait3A_90] : memref<10240x128xf32, #tpu.memory_space<vmem_shared>> -> memref<640x128xf32, #tpu.memory_space<vmem_shared>>
      tpu.wait_dma2 semaphore(%run_scoped3A_81 : memref<!tpu.dma_semaphore, #tpu.memory_space<semaphore_mem>>) src(%dma_wait3A_91 : memref<640x128xf32, #tpu.memory_space<vmem_shared>>) dst(%dma_wait3A_89 : memref<640x128xf32, #tpu.memory_space<hbm>>)
      tpu.yield
    }) : () -> ()
    "tpu.region"() ({
      %run_scoped3A_81 = tpu.sem_alloc : memref<!tpu.dma_semaphore, #tpu.memory_space<semaphore_mem>>
      %dma_start3A_82 = tpu.memref_slice %arg9[%arg0, %mul3A_2] : memref<2x10240xf32, #tpu.memory_space<hbm>> -> memref<1x640xf32, #tpu.memory_space<hbm>>
      %dma_start3A_83 = tpu.memref_squeeze %dma_start3A_82 : memref<1x640xf32, #tpu.memory_space<hbm>> -> memref<640xf32, #tpu.memory_space<hbm>>
      %dma_start3A_84 = tpu.memref_slice %arg19[%mul3A_2] : memref<10240xf32, #tpu.memory_space<vmem_shared>> -> memref<640xf32, #tpu.memory_space<vmem_shared>>
      tpu.enqueue_dma source(%dma_start3A_84 : memref<640xf32, #tpu.memory_space<vmem_shared>>) target(%dma_start3A_83 : memref<640xf32, #tpu.memory_space<hbm>>) target_semaphore(%run_scoped3A_81 : memref<!tpu.dma_semaphore, #tpu.memory_space<semaphore_mem>>)
      %dma_wait3A_85 = tpu.memref_slice %arg9[%arg0, %mul3A_2] : memref<2x10240xf32, #tpu.memory_space<hbm>> -> memref<1x640xf32, #tpu.memory_space<hbm>>
      %dma_wait3A_86 = tpu.memref_squeeze %dma_wait3A_85 : memref<1x640xf32, #tpu.memory_space<hbm>> -> memref<640xf32, #tpu.memory_space<hbm>>
      %dma_wait3A_87 = tpu.memref_slice %arg19[%mul3A_2] : memref<10240xf32, #tpu.memory_space<vmem_shared>> -> memref<640xf32, #tpu.memory_space<vmem_shared>>
      tpu.wait_dma2 semaphore(%run_scoped3A_81 : memref<!tpu.dma_semaphore, #tpu.memory_space<semaphore_mem>>) src(%dma_wait3A_87 : memref<640xf32, #tpu.memory_space<vmem_shared>>) dst(%dma_wait3A_86 : memref<640xf32, #tpu.memory_space<hbm>>)
      tpu.yield
    }) : () -> ()
    return
  }
}

module attributes {stable_mosaic.version = 14 : i64} {
  func.func @_tc_a_body(%arg0: i32, %arg1: memref<128x128xf32, #tpu.memory_space<vmem>>, %arg2: memref<128x128xf32, #tpu.memory_space<vmem>>, %arg3: memref<1x128xf32, #tpu.memory_space<vmem>>, %arg4: memref<1x128xf32, #tpu.memory_space<vmem>>, %arg5: memref<128x128xf32, #tpu.memory_space<vmem>>, %arg6: memref<128x1xf32, #tpu.memory_space<vmem>>, %arg7: memref<128x1xf32, #tpu.memory_space<vmem>>, %arg8: memref<1x16xf32, #tpu.memory_space<vmem>>, %arg9: memref<2xf32, #tpu.memory_space<smem>>) attributes {dimension_semantics = [#tpu.dimension_semantics<arbitrary>], iteration_bounds = array<i64: 80>, scalar_prefetch = 0 : i64, scratch_operands = 1 : i64, tpu.core_type = #tpu.core_type<tc>, window_params = [{transform_indices = @transform_0, window_bounds = array<i64: 128, 128>}, {pipeline_mode = #tpu.pipeline_mode<synchronous>, transform_indices = @transform_1, window_bounds = array<i64: 128, 128>}, {pipeline_mode = #tpu.pipeline_mode<synchronous>, transform_indices = @transform_2, window_bounds = array<i64: 1, 128>}, {pipeline_mode = #tpu.pipeline_mode<synchronous>, transform_indices = @transform_3, window_bounds = array<i64: 1, 128>}, {transform_indices = @transform_4, window_bounds = array<i64: 128, 128>}, {transform_indices = @transform_5, window_bounds = array<i64: 128, 1>}, {transform_indices = @transform_6, window_bounds = array<i64: 128, 1>}, {pipeline_mode = #tpu.pipeline_mode<synchronous>, transform_indices = @transform_7, window_bounds = array<i64: 1, 16>}]} {
    %get3A = arith.constant 0 : index
    %get3A_0 = arith.constant 0 : index
    %get3A_1 = vector.load %arg1[%get3A, %get3A_0] : memref<128x128xf32, #tpu.memory_space<vmem>>, vector<128x128xf32>
    %get3A_2 = arith.constant 0 : index
    %get3A_3 = arith.constant 0 : index
    %get3A_4 = vector.load %arg2[%get3A_2, %get3A_3] : memref<128x128xf32, #tpu.memory_space<vmem>>, vector<128x128xf32>
    %dot_general3A = arith.constant dense<0.000000e+00> : vector<128x128xf32>
    %dot_general3A_5 = tpu.matmul %get3A_1, %get3A_4, %dot_general3A {dimension_numbers = #tpu.dot_dimension_numbers<[1], [0], [0], [1], [0, 0, 1, 1], [], []>, transpose_lhs_hint = false} : vector<128x128xf32>, vector<128x128xf32>, vector<128x128xf32> -> vector<128x128xf32>
    %swap3A = arith.constant 0 : index
    %swap3A_6 = arith.constant 0 : index
    %swap3A_7 = vector.load %arg5[%swap3A, %swap3A_6] : memref<128x128xf32, #tpu.memory_space<vmem>>, vector<128x128xf32>
    tpu.vector_store %arg5[%swap3A, %swap3A_6], %dot_general3A_5 {strides = array<i32>} : memref<128x128xf32, #tpu.memory_space<vmem>>, vector<128x128xf32>,
    %get3A_8 = arith.constant 0 : index
    %get3A_9 = arith.constant 0 : index
    %get3A_10 = vector.load %arg3[%get3A_8, %get3A_9] : memref<1x128xf32, #tpu.memory_space<vmem>>, vector<1x128xf32>
    %mul3A = vector.broadcast %get3A_10 : vector<1x128xf32> to vector<128x128xf32>
    %mul3A_11 = arith.mulf %dot_general3A_5, %mul3A : vector<128x128xf32>
    %reduce_sum3A = arith.constant dense<0.000000e+00> : vector<128xf32>
    %reduce_sum3A_12 = vector.multi_reduction <add>, %mul3A_11, %reduce_sum3A [1] : vector<128x128xf32> to vector<128xf32>
    %broadcast_in_dim3A = vector.shape_cast %reduce_sum3A_12 : vector<128xf32> to vector<128x1xf32>
    %get3A_13 = arith.constant 0 : index
    %get3A_14 = arith.constant 0 : index
    %get3A_15 = vector.load %arg4[%get3A_13, %get3A_14] : memref<1x128xf32, #tpu.memory_space<vmem>>, vector<1x128xf32>
    %mul3A_16 = vector.broadcast %get3A_15 : vector<1x128xf32> to vector<128x128xf32>
    %mul3A_17 = arith.mulf %dot_general3A_5, %mul3A_16 : vector<128x128xf32>
    %reduce_sum3A_18 = arith.constant dense<0.000000e+00> : vector<128xf32>
    %reduce_sum3A_19 = vector.multi_reduction <add>, %mul3A_17, %reduce_sum3A_18 [1] : vector<128x128xf32> to vector<128xf32>
    %broadcast_in_dim3A_20 = vector.shape_cast %reduce_sum3A_19 : vector<128xf32> to vector<128x1xf32>
    %swap3A_21 = arith.constant 0 : index
    %swap3A_22 = arith.constant 0 : index
    %swap3A_23 = vector.load %arg6[%swap3A_21, %swap3A_22] : memref<128x1xf32, #tpu.memory_space<vmem>>, vector<128x1xf32>
    tpu.vector_store %arg6[%swap3A_21, %swap3A_22], %broadcast_in_dim3A {strides = array<i32>} : memref<128x1xf32, #tpu.memory_space<vmem>>, vector<128x1xf32>,
    %swap3A_24 = arith.constant 0 : index
    %swap3A_25 = arith.constant 0 : index
    %swap3A_26 = vector.load %arg7[%swap3A_24, %swap3A_25] : memref<128x1xf32, #tpu.memory_space<vmem>>, vector<128x1xf32>
    tpu.vector_store %arg7[%swap3A_24, %swap3A_25], %broadcast_in_dim3A_20 {strides = array<i32>} : memref<128x1xf32, #tpu.memory_space<vmem>>, vector<128x1xf32>,
    %reduce_max3A = vector.shape_cast %broadcast_in_dim3A : vector<128x1xf32> to vector<1x128x1xf32>
    %reduce_max3A_27 = arith.constant dense<0xFF800000> : vector<1xf32>
    %reduce_max3A_28 = vector.multi_reduction <maximumf>, %reduce_max3A, %reduce_max3A_27 [1, 2] : vector<1x128x1xf32> to vector<1xf32>
    %reduce_max3A_29 = vector.shape_cast %reduce_max3A_28 : vector<1xf32> to vector<1x1x1xf32>
    %reduce_max3A_30 = vector.extract %reduce_max3A_29[0, 0, 0] : f32 from vector<1x1x1xf32>
    %reduce_max3A_31 = vector.shape_cast %broadcast_in_dim3A_20 : vector<128x1xf32> to vector<1x128x1xf32>
    %reduce_max3A_32 = arith.constant dense<0xFF800000> : vector<1xf32>
    %reduce_max3A_33 = vector.multi_reduction <maximumf>, %reduce_max3A_31, %reduce_max3A_32 [1, 2] : vector<1x128x1xf32> to vector<1xf32>
    %reduce_max3A_34 = vector.shape_cast %reduce_max3A_33 : vector<1xf32> to vector<1x1x1xf32>
    %reduce_max3A_35 = vector.extract %reduce_max3A_34[0, 0, 0] : f32 from vector<1x1x1xf32>
    %eq3A = arith.constant 0 : i32
    %eq3A_36 = arith.cmpi eq, %arg0, %eq3A : i32
    %convert_element_type3A = arith.extui %eq3A_36 : i1 to i32
    %cond3A = arith.constant 0 : i32
    %cond3A_37 = arith.cmpi ne, %convert_element_type3A, %cond3A : i32
    scf.if %cond3A_37 {
      %swap3A_47 = arith.constant 0 : index
      %swap3A_48 = memref.load %arg9[%swap3A_47] : memref<2xf32, #tpu.memory_space<smem>>
      memref.store %reduce_max3A_30, %arg9[%swap3A_47] : memref<2xf32, #tpu.memory_space<smem>>
      %swap3A_49 = arith.constant 1 : index
      %swap3A_50 = memref.load %arg9[%swap3A_49] : memref<2xf32, #tpu.memory_space<smem>>
      memref.store %reduce_max3A_35, %arg9[%swap3A_49] : memref<2xf32, #tpu.memory_space<smem>>
    } else {
    }
    %gt3A = arith.constant 0 : i32
    %gt3A_38 = arith.cmpi sgt, %arg0, %gt3A : i32
    %convert_element_type3A_39 = arith.extui %gt3A_38 : i1 to i32
    %cond3A_40 = arith.constant 0 : i32
    %cond3A_41 = arith.cmpi ne, %convert_element_type3A_39, %cond3A_40 : i32
    scf.if %cond3A_41 {
      %get3A_47 = arith.constant 0 : index
      %get3A_48 = memref.load %arg9[%get3A_47] : memref<2xf32, #tpu.memory_space<smem>>
      %max3A = arith.maximumf %get3A_48, %reduce_max3A_30 : f32
      %swap3A_49 = arith.constant 0 : index
      %swap3A_50 = memref.load %arg9[%swap3A_49] : memref<2xf32, #tpu.memory_space<smem>>
      memref.store %max3A, %arg9[%swap3A_49] : memref<2xf32, #tpu.memory_space<smem>>
      %get3A_51 = arith.constant 1 : index
      %get3A_52 = memref.load %arg9[%get3A_51] : memref<2xf32, #tpu.memory_space<smem>>
      %max3A_53 = arith.maximumf %get3A_52, %reduce_max3A_35 : f32
      %swap3A_54 = arith.constant 1 : index
      %swap3A_55 = memref.load %arg9[%swap3A_54] : memref<2xf32, #tpu.memory_space<smem>>
      memref.store %max3A_53, %arg9[%swap3A_54] : memref<2xf32, #tpu.memory_space<smem>>
    } else {
    }
    %eq3A_42 = arith.constant 79 : i32
    %eq3A_43 = arith.cmpi eq, %arg0, %eq3A_42 : i32
    %convert_element_type3A_44 = arith.extui %eq3A_43 : i1 to i32
    %cond3A_45 = arith.constant 0 : i32
    %cond3A_46 = arith.cmpi ne, %convert_element_type3A_44, %cond3A_45 : i32
    scf.if %cond3A_46 {
      %get3A_47 = arith.constant 0 : index
      %get3A_48 = memref.load %arg9[%get3A_47] : memref<2xf32, #tpu.memory_space<smem>>
      %get3A_49 = arith.constant 1 : index
      %get3A_50 = memref.load %arg9[%get3A_49] : memref<2xf32, #tpu.memory_space<smem>>
      %add3A = arith.addf %get3A_48, %get3A_50 : f32
      %ge3A = arith.constant 0.000000e+00 : f32
      %ge3A_51 = arith.cmpf oge, %add3A, %ge3A : f32
      %mul3A_52 = arith.constant 2.000000e-01 : f32
      %mul3A_53 = arith.mulf %mul3A_52, %add3A : f32
      %select_n3A = arith.select %ge3A_51, %add3A, %mul3A_53 : f32
      %broadcast_in_dim3A_54 = vector.broadcast %select_n3A : f32 to vector<1x16xf32>
      %swap3A_55 = arith.constant 0 : index
      %swap3A_56 = arith.constant 0 : index
      %swap3A_57 = vector.load %arg8[%swap3A_55, %swap3A_56] : memref<1x16xf32, #tpu.memory_space<vmem>>, vector<1x16xf32>
      tpu.vector_store %arg8[%swap3A_55, %swap3A_56], %broadcast_in_dim3A_54 {strides = array<i32>} : memref<1x16xf32, #tpu.memory_space<vmem>>, vector<1x16xf32>,
    } else {
    }
    return
  }
  func.func @transform_0(%arg0: i32) -> (i32, i32) {
    %c0_i32 = arith.constant 0 : i32
    %c0_i32_0 = arith.constant 0 : i32
    return %arg0, %c0_i32 : i32, i32
  }
  func.func @transform_1(%arg0: i32) -> (i32, i32) {
    %c0_i32 = arith.constant 0 : i32
    %c0_i32_0 = arith.constant 0 : i32
    %c0_i32_1 = arith.constant 0 : i32
    return %c0_i32, %c0_i32_0 : i32, i32
  }
  func.func @transform_2(%arg0: i32) -> (i32, i32) {
    %c0_i32 = arith.constant 0 : i32
    %c0_i32_0 = arith.constant 0 : i32
    %c0_i32_1 = arith.constant 0 : i32
    return %c0_i32, %c0_i32_0 : i32, i32
  }
  func.func @transform_3(%arg0: i32) -> (i32, i32) {
    %c0_i32 = arith.constant 0 : i32
    %c0_i32_0 = arith.constant 0 : i32
    %c0_i32_1 = arith.constant 0 : i32
    return %c0_i32, %c0_i32_0 : i32, i32
  }
  func.func @transform_4(%arg0: i32) -> (i32, i32) {
    %c0_i32 = arith.constant 0 : i32
    %c0_i32_0 = arith.constant 0 : i32
    return %arg0, %c0_i32 : i32, i32
  }
  func.func @transform_5(%arg0: i32) -> (i32, i32) {
    %c0_i32 = arith.constant 0 : i32
    %c0_i32_0 = arith.constant 0 : i32
    return %arg0, %c0_i32 : i32, i32
  }
  func.func @transform_6(%arg0: i32) -> (i32, i32) {
    %c0_i32 = arith.constant 0 : i32
    %c0_i32_0 = arith.constant 0 : i32
    return %arg0, %c0_i32 : i32, i32
  }
  func.func @transform_7(%arg0: i32) -> (i32, i32) {
    %c0_i32 = arith.constant 0 : i32
    %c0_i32_0 = arith.constant 0 : i32
    %c0_i32_1 = arith.constant 0 : i32
    return %c0_i32, %c0_i32_0 : i32, i32
  }
}

module attributes {stable_mosaic.version = 14 : i64} {
  func.func @_tc_c_body(%arg0: i32, %arg1: memref<2x128x128xf32, #tpu.memory_space<vmem>>, %arg2: memref<2x1x1x128xf32, #tpu.memory_space<vmem>>, %arg3: memref<1x1x128xi32, #tpu.memory_space<vmem>>, %arg4: memref<1x128xf32, #tpu.memory_space<vmem>>, %arg5: memref<128x128xf32, #tpu.memory_space<vmem>>, %arg6: memref<1x128xf32, #tpu.memory_space<vmem>>, %arg7: memref<64x128xf32, #tpu.memory_space<vmem>>, %arg8: memref<64x128xf32, #tpu.memory_space<vmem>>, %arg9: memref<64x1xf32, #tpu.memory_space<vmem>>) attributes {dimension_semantics = [#tpu.dimension_semantics<arbitrary>], iteration_bounds = array<i64: 80>, scalar_prefetch = 0 : i64, scratch_operands = 2 : i64, tpu.core_type = #tpu.core_type<tc>, window_params = [{transform_indices = @transform_0, window_bounds = array<i64: 2, 128, 128>}, {transform_indices = @transform_1, window_bounds = array<i64: 2, 1, 1, 128>}, {transform_indices = @transform_2, window_bounds = array<i64: 1, 1, 128>}, {pipeline_mode = #tpu.pipeline_mode<synchronous>, transform_indices = @transform_3, window_bounds = array<i64: 1, 128>}, {pipeline_mode = #tpu.pipeline_mode<synchronous>, transform_indices = @transform_4, window_bounds = array<i64: 128, 128>}, {pipeline_mode = #tpu.pipeline_mode<synchronous>, transform_indices = @transform_5, window_bounds = array<i64: 1, 128>}, {pipeline_mode = #tpu.pipeline_mode<synchronous>, transform_indices = @transform_6, window_bounds = array<i64: 64, 128>}]} {
    %eq3A = arith.constant 0 : i32
    %eq3A_0 = arith.cmpi eq, %arg0, %eq3A : i32
    %convert_element_type3A = arith.extui %eq3A_0 : i1 to i32
    %cond3A = arith.constant 0 : i32
    %cond3A_1 = arith.cmpi ne, %convert_element_type3A, %cond3A : i32
    scf.if %cond3A_1 {
      %broadcast_in_dim3A_65 = arith.constant 0.000000e+00 : f32
      %broadcast_in_dim3A_66 = vector.broadcast %broadcast_in_dim3A_65 : f32 to vector<64x128xf32>
      %swap3A_67 = arith.constant 0 : index
      %swap3A_68 = arith.constant 0 : index
      %swap3A_69 = vector.load %arg8[%swap3A_67, %swap3A_68] : memref<64x128xf32, #tpu.memory_space<vmem>>, vector<64x128xf32>
      tpu.vector_store %arg8[%swap3A_67, %swap3A_68], %broadcast_in_dim3A_66 {strides = array<i32>} : memref<64x128xf32, #tpu.memory_space<vmem>>, vector<64x128xf32>,
      %broadcast_in_dim3A_70 = arith.constant 0.000000e+00 : f32
      %broadcast_in_dim3A_71 = vector.broadcast %broadcast_in_dim3A_70 : f32 to vector<64x1xf32>
      %swap3A_72 = arith.constant 0 : index
      %swap3A_73 = arith.constant 0 : index
      %swap3A_74 = vector.load %arg9[%swap3A_72, %swap3A_73] : memref<64x1xf32, #tpu.memory_space<vmem>>, vector<64x1xf32>
      tpu.vector_store %arg9[%swap3A_72, %swap3A_73], %broadcast_in_dim3A_71 {strides = array<i32>} : memref<64x1xf32, #tpu.memory_space<vmem>>, vector<64x1xf32>,
    } else {
    }
    %get3A = arith.constant 0 : index
    %get3A_2 = arith.constant 0 : index
    %get3A_3 = arith.constant 0 : index
    %get3A_4 = vector.load %arg1[%get3A, %get3A_2, %get3A_3] : memref<2x128x128xf32, #tpu.memory_space<vmem>>, vector<1x128x128xf32>
    %get3A_5 = vector.shape_cast %get3A_4 : vector<1x128x128xf32> to vector<128x128xf32>
    %get3A_6 = arith.constant 1 : index
    %get3A_7 = arith.constant 0 : index
    %get3A_8 = arith.constant 0 : index
    %get3A_9 = vector.load %arg1[%get3A_6, %get3A_7, %get3A_8] : memref<2x128x128xf32, #tpu.memory_space<vmem>>, vector<1x128x128xf32>
    %get3A_10 = vector.shape_cast %get3A_9 : vector<1x128x128xf32> to vector<128x128xf32>
    %add3A = arith.addf %get3A_5, %get3A_10 : vector<128x128xf32>
    %get3A_11 = arith.constant 0 : index
    %get3A_12 = arith.constant 0 : index
    %get3A_13 = arith.constant 0 : index
    %get3A_14 = arith.constant 0 : index
    %get3A_15 = vector.load %arg2[%get3A_11, %get3A_12, %get3A_13, %get3A_14] : memref<2x1x1x128xf32, #tpu.memory_space<vmem>>, vector<1x1x1x128xf32>
    %get3A_16 = vector.shape_cast %get3A_15 : vector<1x1x1x128xf32> to vector<128xf32>
    %get3A_17 = arith.constant 1 : index
    %get3A_18 = arith.constant 0 : index
    %get3A_19 = arith.constant 0 : index
    %get3A_20 = arith.constant 0 : index
    %get3A_21 = vector.load %arg2[%get3A_17, %get3A_18, %get3A_19, %get3A_20] : memref<2x1x1x128xf32, #tpu.memory_space<vmem>>, vector<1x1x1x128xf32>
    %get3A_22 = vector.shape_cast %get3A_21 : vector<1x1x1x128xf32> to vector<128xf32>
    %add3A_23 = arith.addf %get3A_16, %get3A_22 : vector<128xf32>
    %broadcast_in_dim3A = vector.shape_cast %add3A_23 : vector<128xf32> to vector<128x1xf32>
    %add3A_24 = arith.constant 1.000000e-16 : f32
    %add3A_25 = vector.broadcast %add3A_24 : f32 to vector<128x1xf32>
    %add3A_26 = arith.addf %broadcast_in_dim3A, %add3A_25 : vector<128x1xf32>
    %div3A = vector.broadcast %add3A_26 : vector<128x1xf32> to vector<128x128xf32>
    %div3A_27 = arith.divf %add3A, %div3A : vector<128x128xf32>
    %get3A_28 = arith.constant 0 : index
    %get3A_29 = arith.constant 0 : index
    %get3A_30 = vector.load %arg4[%get3A_28, %get3A_29] : memref<1x128xf32, #tpu.memory_space<vmem>>, vector<1x128xf32>
    %add3A_31 = vector.broadcast %get3A_30 : vector<1x128xf32> to vector<128x128xf32>
    %add3A_32 = arith.addf %div3A_27, %add3A_31 : vector<128x128xf32>
    %max3A = arith.constant 0.000000e+00 : f32
    %max3A_33 = vector.broadcast %max3A : f32 to vector<128x128xf32>
    %max3A_34 = arith.maximumf %add3A_32, %max3A_33 : vector<128x128xf32>
    %get3A_35 = arith.constant 0 : index
    %get3A_36 = arith.constant 0 : index
    %get3A_37 = arith.constant 0 : index
    %get3A_38 = vector.load %arg3[%get3A_35, %get3A_36, %get3A_37] : memref<1x1x128xi32, #tpu.memory_space<vmem>>, vector<1x1x128xi32>
    %get3A_39 = vector.shape_cast %get3A_38 : vector<1x1x128xi32> to vector<1x128xi32>
    %iota3A = tpu.iota {dimensions = array<i32: 0>} : vector<64x128xi32>
    %eq3A_40 = vector.broadcast %get3A_39 : vector<1x128xi32> to vector<64x128xi32>
    %eq3A_41 = arith.cmpi eq, %iota3A, %eq3A_40 : vector<64x128xi32>
    %convert_element_type3A_42 = arith.extui %eq3A_41 : vector<64x128xi1> to vector<64x128xi32>
    %convert_element_type3A_43 = arith.sitofp %convert_element_type3A_42 : vector<64x128xi32> to vector<64x128xf32>
    %get3A_44 = arith.constant 0 : index
    %get3A_45 = arith.constant 0 : index
    %get3A_46 = vector.load %arg8[%get3A_44, %get3A_45] : memref<64x128xf32, #tpu.memory_space<vmem>>, vector<64x128xf32>
    %dot_general3A = arith.constant dense<0.000000e+00> : vector<64x128xf32>
    %dot_general3A_47 = tpu.matmul %convert_element_type3A_43, %max3A_34, %dot_general3A {dimension_numbers = #tpu.dot_dimension_numbers<[1], [0], [0], [1], [0, 0, 1, 1], [], []>, transpose_lhs_hint = false} : vector<64x128xf32>, vector<128x128xf32>, vector<64x128xf32> -> vector<64x128xf32>
    %add3A_48 = arith.addf %get3A_46, %dot_general3A_47 : vector<64x128xf32>
    %swap3A = arith.constant 0 : index
    %swap3A_49 = arith.constant 0 : index
    %swap3A_50 = vector.load %arg8[%swap3A, %swap3A_49] : memref<64x128xf32, #tpu.memory_space<vmem>>, vector<64x128xf32>
    tpu.vector_store %arg8[%swap3A, %swap3A_49], %add3A_48 {strides = array<i32>} : memref<64x128xf32, #tpu.memory_space<vmem>>, vector<64x128xf32>,
    %get3A_51 = arith.constant 0 : index
    %get3A_52 = arith.constant 0 : index
    %get3A_53 = vector.load %arg9[%get3A_51, %get3A_52] : memref<64x1xf32, #tpu.memory_space<vmem>>, vector<64x1xf32>
    %reduce_sum3A = arith.constant dense<0.000000e+00> : vector<64xf32>
    %reduce_sum3A_54 = vector.multi_reduction <add>, %convert_element_type3A_43, %reduce_sum3A [1] : vector<64x128xf32> to vector<64xf32>
    %broadcast_in_dim3A_55 = vector.shape_cast %reduce_sum3A_54 : vector<64xf32> to vector<64x1xf32>
    %add3A_56 = arith.addf %get3A_53, %broadcast_in_dim3A_55 : vector<64x1xf32>
    %swap3A_57 = arith.constant 0 : index
    %swap3A_58 = arith.constant 0 : index
    %swap3A_59 = vector.load %arg9[%swap3A_57, %swap3A_58] : memref<64x1xf32, #tpu.memory_space<vmem>>, vector<64x1xf32>
    tpu.vector_store %arg9[%swap3A_57, %swap3A_58], %add3A_56 {strides = array<i32>} : memref<64x1xf32, #tpu.memory_space<vmem>>, vector<64x1xf32>,
    %eq3A_60 = arith.constant 79 : i32
    %eq3A_61 = arith.cmpi eq, %arg0, %eq3A_60 : i32
    %convert_element_type3A_62 = arith.extui %eq3A_61 : i1 to i32
    %cond3A_63 = arith.constant 0 : i32
    %cond3A_64 = arith.cmpi ne, %convert_element_type3A_62, %cond3A_63 : i32
    scf.if %cond3A_64 {
      %get3A_65 = arith.constant 0 : index
      %get3A_66 = arith.constant 0 : index
      %get3A_67 = vector.load %arg8[%get3A_65, %get3A_66] : memref<64x128xf32, #tpu.memory_space<vmem>>, vector<64x128xf32>
      %get3A_68 = arith.constant 0 : index
      %get3A_69 = arith.constant 0 : index
      %get3A_70 = vector.load %arg9[%get3A_68, %get3A_69] : memref<64x1xf32, #tpu.memory_space<vmem>>, vector<64x1xf32>
      %max3A_71 = arith.constant 1.000000e+00 : f32
      %max3A_72 = vector.broadcast %max3A_71 : f32 to vector<64x1xf32>
      %max3A_73 = arith.maximumf %get3A_70, %max3A_72 : vector<64x1xf32>
      %div3A_74 = vector.broadcast %max3A_73 : vector<64x1xf32> to vector<64x128xf32>
      %div3A_75 = arith.divf %get3A_67, %div3A_74 : vector<64x128xf32>
      %get3A_76 = arith.constant 0 : index
      %get3A_77 = arith.constant 0 : index
      %get3A_78 = vector.load %arg5[%get3A_76, %get3A_77] : memref<128x128xf32, #tpu.memory_space<vmem>>, vector<128x128xf32>
      %dot_general3A_79 = arith.constant dense<0.000000e+00> : vector<64x128xf32>
      %dot_general3A_80 = tpu.matmul %div3A_75, %get3A_78, %dot_general3A_79 {dimension_numbers = #tpu.dot_dimension_numbers<[1], [0], [0], [1], [0, 0, 1, 1], [], []>, transpose_lhs_hint = false} : vector<64x128xf32>, vector<128x128xf32>, vector<64x128xf32> -> vector<64x128xf32>
      %get3A_81 = arith.constant 0 : index
      %get3A_82 = arith.constant 0 : index
      %get3A_83 = vector.load %arg6[%get3A_81, %get3A_82] : memref<1x128xf32, #tpu.memory_space<vmem>>, vector<1x128xf32>
      %add3A_84 = vector.broadcast %get3A_83 : vector<1x128xf32> to vector<64x128xf32>
      %add3A_85 = arith.addf %dot_general3A_80, %add3A_84 : vector<64x128xf32>
      %swap3A_86 = arith.constant 0 : index
      %swap3A_87 = arith.constant 0 : index
      %swap3A_88 = vector.load %arg7[%swap3A_86, %swap3A_87] : memref<64x128xf32, #tpu.memory_space<vmem>>, vector<64x128xf32>
      tpu.vector_store %arg7[%swap3A_86, %swap3A_87], %add3A_85 {strides = array<i32>} : memref<64x128xf32, #tpu.memory_space<vmem>>, vector<64x128xf32>,
    } else {
    }
    return
  }
  func.func @transform_0(%arg0: i32) -> (i32, i32, i32) {
    %c0_i32 = arith.constant 0 : i32
    %c0_i32_0 = arith.constant 0 : i32
    %c0_i32_1 = arith.constant 0 : i32
    return %c0_i32, %arg0, %c0_i32_0 : i32, i32, i32
  }
  func.func @transform_1(%arg0: i32) -> (i32, i32, i32, i32) {
    %c0_i32 = arith.constant 0 : i32
    %c0_i32_0 = arith.constant 0 : i32
    %c0_i32_1 = arith.constant 0 : i32
    %c0_i32_2 = arith.constant 0 : i32
    return %c0_i32, %arg0, %c0_i32_0, %c0_i32_1 : i32, i32, i32, i32
  }
  func.func @transform_2(%arg0: i32) -> (i32, i32, i32) {
    %c0_i32 = arith.constant 0 : i32
    %c0_i32_0 = arith.constant 0 : i32
    %c0_i32_1 = arith.constant 0 : i32
    return %arg0, %c0_i32, %c0_i32_0 : i32, i32, i32
  }
  func.func @transform_3(%arg0: i32) -> (i32, i32) {
    %c0_i32 = arith.constant 0 : i32
    %c0_i32_0 = arith.constant 0 : i32
    %c0_i32_1 = arith.constant 0 : i32
    return %c0_i32, %c0_i32_0 : i32, i32
  }
  func.func @transform_4(%arg0: i32) -> (i32, i32) {
    %c0_i32 = arith.constant 0 : i32
    %c0_i32_0 = arith.constant 0 : i32
    %c0_i32_1 = arith.constant 0 : i32
    return %c0_i32, %c0_i32_0 : i32, i32
  }
  func.func @transform_5(%arg0: i32) -> (i32, i32) {
    %c0_i32 = arith.constant 0 : i32
    %c0_i32_0 = arith.constant 0 : i32
    %c0_i32_1 = arith.constant 0 : i32
    return %c0_i32, %c0_i32_0 : i32, i32
  }
  func.func @transform_6(%arg0: i32) -> (i32, i32) {
    %c0_i32 = arith.constant 0 : i32
    %c0_i32_0 = arith.constant 0 : i32
    %c0_i32_1 = arith.constant 0 : i32
    return %c0_i32, %c0_i32_0 : i32, i32
  }
}

</mosaic_0001>

<sc_bundles>
// kernel: kernel.5.cloned.1.call-start
scs
__scs_entry_jumppad:
0x0: {  	(pc) =	sbr.rel $0x88, $3  }
0x1: {  	(tag) =	ssettag $0x0;
	lr =	simm.s32 $0x1  }
0x2: {  	[smem:$0x3F98] =	sst lr;
	_ =	strace $0xD0000000  }
0x3: {  	_ = 	snop  }
0x4: {  	_ = 	snop  }
0x5: {  	_ = 	snop  }
0x6: {  	_ = 	snop  }
0x7: {  	_ = 	snop  }
__scs_overlays_trampoline_lowered:
0x8: {  	[smem:$0x3FA7] =	sst s0  }
0x9: {  	[smem:$0x3FA8] =	sst s1  }
0xa: {  	[smem:$0x3FA9] =	sst s2  }
0xb: {  	[smem:$0x3FAA] =	sst s3  }
0xc: {  	[smem:$0x3FAB] =	sst s4  }
0xd: {  	[smem:$0x3FAC] =	sst s5  }
0xe: {  	[smem:$0x3FAD] =	sst s6  }
0xf: {  	[smem:$0x3FAE] =	sst s7  }
0x10: {  	[smem:$0x3FAF] =	sst s8  }
0x11: {  	[smem:$0x3FB0] =	sst s9;
	s0 =	simm.s32 @!p0 $0x0  }
0x12: {  	s1 =	sld [smem:$0x3F96];
	s0 =	simm.s32 @p0 $0x1  }
0x13: {  	[smem:$0x3FB1] =	sst s0;
	s0 =	simm.s32 @!p1 $0x0  }
0x14: {  	s2 =	sld [smem:$0x3F95];
	s0 =	simm.s32 @p1 $0x1  }
0x15: {  	[smem:$0x3FB2] =	sst s0;
	s0 =	simm.s32 @!p2 $0x0  }
0x16: {  	s3 =	sld [smem:$0x3FDB];
	s0 =	simm.s32 @p2 $0x1  }
0x17: {  	s4 =	simm.s32 $0x1BF5;
	[smem:$0x3FB4] =	sst s0  }
0x18: {  	s0 =	sld [smem:$0x3F97];
	_ =	swait.ge [sflag:s4], $0x0  }
0x19: {  	s7 =	sld [smem:$0x3F98]  }
0x1a: {  	s8 =	sadd.s32 $0xFFFFE003, lr  }
0x1b: {  	s9 =	sadd.s32 $0xFFFFFEF7, lr;
	s5 =	simm.s32 $0xFFFFFFFF;
	p2 =	slt.u32 s8, $0xFFFFF086  }
0x1c: {  	p1 =	slt.u32 s9, $0xF7A;
	s5 =	simm.s32 @!p2 $0x0  }
0x1d: {  	s5 =	simm.s32 @p1 $0x1;
	p0 =	seq.s32 s7, s2  }
0x1e: {  	s7 =	smul.u32 @!p0 $0xF7A, s2;
	p2 =	seq.s32 @!p0 s5, $0x0  }
0x1f: {  	s9 =	smul.u32 $0xF7A, s1;
	s8 =	simm.s32 @!p0 $0x1BF5;
	p2 =	por !p2, p0  }
0x20: {  	[sflag:s8] =	ssyncset.s32 @!p0 $0xFFFFF086;
	s6 =	sadd.s32 @!p0 s3, s7;
	s7 =	simm.s32 @!p0 $0x108  }
0x21: {  	s3 =	sadd.s32 s3, s9;
	s6 =	sadd.s32 @!p0 $0x88, s6;
	s7 =	simm.s32 @p2 $0x1082  }
0x22: {  	[simem:s7], [sflag:s8] =	dma.local @!p0 [hbm:s6], $0xF7A  }
0x23: {  	s9 =	sor.u32 $0xD0000000, s2;
	s6 =	simm.s32 $0x108;
	_ =	swait.ge @!p0 [sflag:s8], $0x0  }
0x24: {  	s3 =	sadd.s32 $0x88, s3;
	s6 =	simm.s32 @!p1 $0x1082;
	[sflag:s4] =	ssyncset.s32 $0xFFFFF086  }
0x25: {  	[simem:s6], [sflag:s4] =	dma.local [hbm:s3], $0xF7A  }
0x26: {  	[smem:$0x3F98] =	sst s1;
	(tag) =	ssettag s2;
	_ =	strace s9  }
0x27: {  	s1 =	sld [smem:$0x3FA8]  }
0x28: {  	s2 =	sld [smem:$0x3FA9]  }
0x29: {  	s4 =	sld [smem:$0x3FAB]  }
0x2a: {  	p0 =	seq.s32 s5, $0x0;
	s5 =	sld [smem:$0x3FAC]  }
0x2b: {  	s6 =	sld [smem:$0x3FAD]  }
0x2c: {  	s7 =	sld [smem:$0x3FAE]  }
0x2d: {  	s3 =	simm.s32 $0x108;
	s8 =	sld [smem:$0x3FAF]  }
0x2e: {  	s3 =	simm.s32 @!p0 $0x1082;
	s9 =	sld [smem:$0x3FB0]  }
0x2f: {  	lr =	sadd.s32 s0, s3;
	s0 =	sld [smem:$0x3FA7]  }
0x30: {  	s3 =	sld [smem:$0x3FAA]  }
0x31: {  	[smem:$0x3FB3] =	sst s10  }
0x32: {  	s10 =	sld [smem:$0x3FB1];
	_ =	sdelay $0x3  }
0x33: {  	p0 =	seq.s32 s10, $0x1;
	s10 =	sld [smem:$0x3FB3];
	_ =	sdelay $0x3  }
0x34: {  	[smem:$0x3FB3] =	sst s10  }
0x35: {  	s10 =	sld [smem:$0x3FB2];
	_ =	sdelay $0x3  }
0x36: {  	p1 =	seq.s32 s10, $0x1;
	s10 =	sld [smem:$0x3FB3];
	_ =	sdelay $0x3  }
0x37: {  	[smem:$0x3FB3] =	sst s10  }
0x38: {  	s10 =	sld [smem:$0x3FB4]  }
0x39: {  	_ = 	snop;
	(pc) =	sbr.ind lr, $3  }
0x3a: {  	_ = 	snop  }
0x3b: {  	_ = 	snop  }
0x3c: {  	p2 =	seq.s32 s10, $0x1;
	s10 =	sld [smem:$0x3FB3]  }
0x3d: {  	_ =	shalt  }
0x3e: {  	_ =	shalt  }
0x3f: {  	_ =	shalt  }
0x40: {  	_ =	shalt  }
0x41: {  	_ =	shalt  }
0x42: {  	_ =	shalt  }
0x43: {  	_ =	shalt  }
0x44: {  	_ =	shalt  }
0x45: {  	_ =	shalt  }
0x46: {  	_ =	shalt  }
0x47: {  	_ =	shalt  }
0x48: {  	_ =	shalt  }
0x49: {  	_ =	shalt  }
0x4a: {  	_ =	shalt  }
0x4b: {  	_ =	shalt  }
0x4c: {  	_ =	shalt  }
0x4d: {  	_ =	shalt  }
0x4e: {  	_ =	shalt  }
0x4f: {  	_ =	shalt  }
0x50: {  	_ =	shalt  }
0x51: {  	_ =	shalt  }
0x52: {  	_ =	shalt  }
0x53: {  	_ =	shalt  }
0x54: {  	_ =	shalt  }
0x55: {  	_ =	shalt  }
0x56: {  	_ =	shalt  }
0x57: {  	_ =	shalt  }
0x58: {  	_ =	shalt  }
0x59: {  	_ =	shalt  }
0x5a: {  	_ =	shalt  }
0x5b: {  	_ =	shalt  }
0x5c: {  	_ =	shalt  }
0x5d: {  	_ =	shalt  }
0x5e: {  	_ =	shalt  }
0x5f: {  	_ =	shalt  }
0x60: {  	_ =	shalt  }
0x61: {  	_ =	shalt  }
0x62: {  	_ =	shalt  }
0x63: {  	_ =	shalt  }
0x64: {  	_ =	shalt  }
0x65: {  	_ =	shalt  }
0x66: {  	_ =	shalt  }
0x67: {  	_ =	shalt  }
0x68: {  	_ =	shalt  }
0x69: {  	_ =	shalt  }
0x6a: {  	_ =	shalt  }
0x6b: {  	_ =	shalt  }
0x6c: {  	_ =	shalt  }
0x6d: {  	_ =	shalt  }
0x6e: {  	_ =	shalt  }
0x6f: {  	_ =	shalt  }
0x70: {  	_ =	shalt  }
0x71: {  	_ =	shalt  }
0x72: {  	_ =	shalt  }
0x73: {  	_ =	shalt  }
0x74: {  	_ =	shalt  }
0x75: {  	_ =	shalt  }
0x76: {  	_ =	shalt  }
0x77: {  	_ =	shalt  }
0x78: {  	_ =	shalt  }
0x79: {  	_ =	shalt  }
0x7a: {  	_ =	shalt  }
0x7b: {  	_ =	shalt  }
0x7c: {  	_ =	shalt  }
0x7d: {  	_ =	shalt  }
0x7e: {  	_ =	shalt  }
0x7f: {  	_ =	shalt  }
0x80: {  	_ =	shalt  }
0x81: {  	_ =	shalt  }
0x82: {  	_ =	shalt  }
0x83: {  	_ =	shalt  }
0x84: {  	_ =	shalt  }
0x85: {  	_ =	shalt  }
0x86: {  	_ =	shalt  }
0x87: {  	_ =	shalt  }
.Lfunc_end0:
.L_simem_size_0:
called_computation_lowered:
.L_overlay_start_0:
0x88: {  	s2 =	sld [smem:$0x3FD9]  }
0x89: {  	s3 =	sld [smem:$0x3FFE];
	_ =	sdelay $0x1  }
0x8a: {  	s1 =	srdreg.scid  }
0x8b: {  	s0 =	sand.u32 $0x1, s1  }
0x8c: {  	s17 =	sshll.u32 s0, $0xA;
	s2 =	sadd.s32 s3, s2  }
0x8d: {  	s2 =	sadd.s32 s2, s17  }
0x8e: {  	[smem:$0x3FBF] =	sst s2  }
0x8f: {  	_ = 	snop  }
0x90: {  	s2 =	sld [smem:$0x3FD0];
	(tm) =	ssettm $0x1  }
0x91: {  	s18 =	sld [smem:$0x3FFB];
	_ =	sdelay $0x3  }
0x92: {  	_ =	strace s18  }
0x93: {  	s3 =	sld [smem:$0x3FFC];
	_ =	sdelay $0x3  }
0x94: {  	_ =	strace s3  }
0x95: {  	s3 =	sld [smem:$0x3FFD];
	_ =	sdelay $0x3  }
0x96: {  	_ =	strace s3  }
0x97: {  	_ =	strace $0x8FFFFFFF  }
0x98: {  	s19 =	sld [smem:$0x3FDB];
	_ =	sdelay $0x1  }
0x99: {  	s4 =	simm.s32 $_scs_section_size  }
0x9a: {  	s5 =	simm.s32 $_size__tile_overlayer_lowered;
	s6 =	simm.s32 $_tile_overlayer_lowered  }
0x9b: {  	s22 =	simm.s32 $0x1BFF;
	s21 =	sshll.u32 s6, $0x1;
	s3 =	sadd.s32 s4, s19  }
0x9c: {  	s7 =	simm.s32 $0x0;
	s20 =	sshll.u32 s5, $0x1;
	s5 =	sadd.s32 s21, s3  }
0x9d: {  	[timem:s7], [sflag:s22] =	dma.local [hbm:s5], s20  }
0x9e: {  	_ =	swait.ge [sflag:s22], s20  }
0x9f: {  	s4 =	ssub.s32 $0x0, s20;
	[sflag:s22] =	ssyncset.done $0x0  }
0xa0: {  	[sflag:s22] =	ssyncadd.s32 s4;
	_ =	sdelay $0x1  }
0xa1: {  	s23 =	simm.s32 $0x1B8B  }
0xa2: {  	_ =	swait.ge [sflag:s23], $0x1  }
0xa3: {  	[sflag:s23] =	ssyncset.done $0x0  }
0xa4: {  	s25 =	simm.s32 $0x1B8E;
	s24 =	sld [smem:$0x3FFE];
	[sflag:s23] =	ssyncadd.s32 $0xFFFFFFFF  }
0xa5: {  	s26 =	simm.s32 $execute0_lowered;
	[smem:$0x3FD2] =	sst s25  }
0xa6: {  	s5 =	sshll.u32 s26, $0x1;
	_ =	strace $0x80000046;
	[dreg:$0x1] =	wrdreg $0xFFFFFFFF  }
0xa7: {  	s28 =	simm.s32 $_size_execute0_lowered;
	s3 =	sadd.s32 s3, s5;
	[dreg:$0x0] =	wrdreg $0x0  }
0xa8: {  	s5 =	sshll.u32 s28, $0x1;
	[dreg:$0x2] =	wrdreg s3  }
0xa9: {  	[dreg:$0x3] =	wrdreg s5  }
0xaa: {  	[dreg:$0x4] =	wrdreg $0xC0  }
0xab: {  	_ =	task [dreg:s7], $0x5FFFF  }
0xac: {  	[dreg:$0x1] =	wrdreg $0xFFFFFFFF  }
0xad: {  	[dreg:$0x0] =	wrdreg $0x60  }
0xae: {  	[dreg:$0x2] =	wrdreg s24  }
0xaf: {  	[dreg:$0x3] =	wrdreg s2  }
0xb0: {  	[dreg:$0x4] =	wrdreg $0xB6000  }
0xb1: {  	[dreg:$0x5] =	wrdreg $0x1F6000  }
0xb2: {  	[dreg:$0x6] =	wrdreg $0x9  }
0xb3: {  	_ =	task.clear_ibuf [dreg:s7], $0x7FFFF;
	_ =	strace $0x90000046  }
0xb4: {  	s29 =	simm.s32 $0x9;
	_ =	strace $0x80000048  }
0xb5: {  	_ =	swait.ge [sflag:s29], $0x1  }
0xb6: {  	[sflag:s29] =	ssyncadd.s32 $0xFFFFFFFF  }
0xb7: {  	_ =	strace $0x90000048  }
0xb8: {  	_ =	sfence  }
0xb9: {  	s30 =	sld [smem:$0x0];
	_ =	sdelay $0x2  }
0xba: {  	s31 =	sshll.u32 s1, $0xD;
	s1 =	sshrl.u32 s1, $0x2  }
0xbb: {  	s3 =	sand.u32 $0x4000, s31;
	s1 =	sadd.s32 s1, s30  }
0xbc: {  	s0 =	sor.u32 s3, s0;
	s1 =	sshll.u32 s1, $0x11  }
0xbd: {  	s0 =	sor.u32 s1, s0  }
0xbe: {  	s0 =	sadd.s32 $0x8F2B, s0  }
0xbf: {  	[sflag:s0] =	ssyncadd.remote.s32 $0x1  }
0xc0: {  	_ =	sfence.sel $0xFFFF  }
0xc1: {  	[dreg:$0x0] =	wrdreg $0xFFFFFFFF;
	(pc) =	sbr.abs _section_cstart, $3  }
0xc2: {  	[dreg:$0x1] =	wrdreg $0xFFFFFFFF  }
0xc3: {  	_ =	task.clear_ibuf [dreg:s7], $0x2FFFF;
	_ =	strace $0x9FFFFFFF  }
0xc4: {  	(tm) =	ssettm $0x7FFFFFFF  }
0xc5: {  	_ =	shalt  }
tec
execute0_lowered:
.L_overlay_start_1:
0x0: {  	(tag) =	ssettag $0x1  }
0x1: {  	s0 =	rddreg [dreg:$0x0]  }
0x2: {  	s2 =	rddreg [dreg:$0x2]  }
0x3: {  	s3 =	rddreg [dreg:$0x3];
	s5 =	simm.s32 $0x0  }
0x4: {  	s1 =	srdreg.scid;
	s12 =	stileid.u32;
	s28 =	simm.s32 $0x5  }
0x5: {  	s30 =	simm.s32 $0x2800;
	s29 =	simm.s32 $0x60;
	s31 =	simm.s32 $0x5200  }
0x6: {  	[smem:$0x7FF] =	sst s5;
	s1 =	sand.u32 $0x1, s1;
	s6 =	sadd.s32 $0xE00, s0  }
0x7: {  	s7 =	smul.u32 $0x14000, s12;
	s8 =	sadd.s32 $0x28E00, s0;
	s22 =	sadd.s32 $0x29400, s0  }
0x8: {  	s23 =	smul.u32 $0x500, s12;
	s9 =	sadd.s32 $0x29A00, s0;
	s10 =	sadd.s32 $0x37A00, s0  }
0x9: {  	s11 =	smul.u32 $0x50000, s12;
	_ =	strace $0x80000047;
	[dreg:$0x5] =	wrdreg s8  }
0xa: {  	s4 =	smul.u32 $0x140000, s1;
	[dreg:$0x6] =	wrdreg s22;
	s25 =	ssub.s32 $0x2, s1  }
0xb: {  	s24 =	sshll.u32 s1, $0x7;
	s1 =	sshll.u32 s1, $0x4;
	s26 =	sshrl.u32 s25, $0x1  }
0xc: {  	s11 =	sshrl.u32 s11, $0x2;
	s1 =	sor.u32 s12, s1;
	s12 =	smul.u32 $0xA00, s12  }
0xd: {  	s4 =	sadd.s32 s7, s4;
	s7 =	sor.u32 s24, s23;
	s21 =	sadd.s32 s11, s2  }
0xe: {  	s20 =	smul.u32 $0x2880, s1;
	s4 =	sshrl.u32 s4, $0x3;
	s7 =	sshrl.u32 s7, $0x3  }
0xf: {  	s13 =	sadd.s32 $0x3000, s21;
	s14 =	sadd.s32 $0x6000, s21;
	[dreg:$0x7] =	wrdreg s21  }
0x10: {  	s15 =	sadd.s32 $0x9000, s21;
	s16 =	sadd.s32 $0xC000, s21;
	[dreg:$0x8] =	wrdreg s13  }
0x11: {  	s17 =	sadd.s32 $0xF000, s21;
	s18 =	sadd.s32 $0x12000, s21;
	[dreg:$0x9] =	wrdreg s14  }
0x12: {  	s8 =	sshrl.u32 s12, $0x2;
	s12 =	simm.s32 $0x1;
	[dreg:$0xa] =	wrdreg s15  }
0x13: {  	s4 =	sadd.s32 s4, s0;
	s0 =	sadd.s32 s7, s0;
	[dreg:$0xb] =	wrdreg s16  }
0x14: {  	s7 =	ssub.s32 s25, s26;
	s14 =	smul.u32 $0x3800, s1;
	[dreg:$0xc] =	wrdreg s17  }
0x15: {  	[dreg:$0xd] =	wrdreg s18;
	s22 =	sadd.s32 s8, s3;
	s1 =	simm.s32 $0x5100  }
0x16: {  	s8 =	simm.s32 $0x5180;
	s13 =	simm.s32 $0x8300;
	s15 =	simm.s32 $0x5280  }
0x17: {  	s16 =	simm.s32 $0x3;
	s25 =	sadd.s32 $0x46400, s4;
	[dreg:$0xe] =	wrdreg s22  }
0x18: {  	s17 =	simm.s32 $0x0;
	s0 =	sadd.s32 $0x45A00, s0;
	[dreg:$0x11] =	wrdreg s25  }
0x19: {  	s26 =	smax.u32 s7, $0x1;
	s19 =	sshrl.u32 s14, $0x3;
	[dreg:$0x12] =	wrdreg s0  }
0x1a: {  	s4 =	simm.s32 $0x2;
	[dreg:$0x13] =	wrdreg s26;
	s23 =	sadd.s32 s9, s19  }
0x1b: {  	s7 =	simm.s32 $0x5080;
	s24 =	sadd.s32 s10, s19;
	[dreg:$0xf] =	wrdreg s23  }
0x1c: {  	v0 =	vimm.f32 $0.0e+00;
	s26 =	simm.s32 $0x5300;
	s0 =	simm.s32 $0x4;
	[dreg:$0x10] =	wrdreg s24  }
.LBB2_1:
0x1d: {  	[dreg:$0x14] =	wrdreg s17;
	s18 =	simm.s32 $0x0;
	s19 =	simm.s32 $0x200  }
.LBB2_2:
0x1e: {  	p0 =	sne.s32 s19, $0xBE00;
	[tilespmem:s18+$0x5370] =	vst v0  }
0x1f: {  	[tilespmem:s18+$0x5300] =	vst v0  }
0x20: {  	[tilespmem:s18+$0x5310] =	vst v0  }
.Ltmp0:
0x21: {  	[tilespmem:s18+$0x5320] =	vst v0;
	(pc) =	sbr.rel @p0 .LBB2_2-.Ltmp0, $4  }
0x22: {  	[tilespmem:s18+$0x5330] =	vst v0  }
0x23: {  	[tilespmem:s18+$0x5340] =	vst v0  }
0x24: {  	[tilespmem:s18+$0x5350] =	vst v0  }
0x25: {  	[tilespmem:s18+$0x5360] =	vst v0;
	s18 =	sshra.s32 s19, $0x2;
	s19 =	sadd.s32 $0x200, s19  }
0x26: {  	[tilespmem:s18+$0x5370] =	vst v0  }
0x27: {  	[tilespmem:s18+$0x5300] =	vst v0  }
0x28: {  	[tilespmem:s18+$0x5310] =	vst v0  }
0x29: {  	[tilespmem:s18+$0x5320] =	vst v0  }
0x2a: {  	[tilespmem:s18+$0x5330] =	vst v0  }
0x2b: {  	[tilespmem:s18+$0x5340] =	vst v0  }
0x2c: {  	[tilespmem:s18+$0x5350] =	vst v0  }
0x2d: {  	[tilespmem:s18+$0x5360] =	vst v0  }
0x2e: {  	[tilespmem:$0xB300] =	vst v0  }
0x2f: {  	[tilespmem:$0xB310] =	vst v0  }
0x30: {  	[tilespmem:$0xB320] =	vst v0  }
0x31: {  	[tilespmem:$0xB330] =	vst v0  }
0x32: {  	[tilespmem:$0xB340] =	vst v0  }
0x33: {  	[tilespmem:$0xB350] =	vst v0  }
0x34: {  	[tilespmem:$0xB360] =	vst v0  }
0x35: {  	[tilespmem:$0xB370] =	vst v0  }
0x36: {  	[tilespmem:$0xB380] =	vst v0  }
0x37: {  	[tilespmem:$0xB390] =	vst v0  }
0x38: {  	[tilespmem:$0xB3A0] =	vst v0  }
0x39: {  	[tilespmem:$0xB3B0] =	vst v0  }
0x3a: {  	[tilespmem:$0xB3C0] =	vst v0  }
0x3b: {  	[tilespmem:$0xB3D0] =	vst v0  }
0x3c: {  	[tilespmem:$0xB3E0] =	vst v0  }
0x3d: {  	[tilespmem:$0xB3F0] =	vst v0  }
0x3e: {  	[tilespmem:$0xB400] =	vst v0  }
0x3f: {  	[tilespmem:$0xB410] =	vst v0  }
0x40: {  	[tilespmem:$0xB420] =	vst v0  }
0x41: {  	[tilespmem:$0xB430] =	vst v0  }
0x42: {  	[tilespmem:$0xB440] =	vst v0  }
0x43: {  	[tilespmem:$0xB450] =	vst v0  }
0x44: {  	[tilespmem:$0xB460] =	vst v0  }
0x45: {  	[tilespmem:$0xB470] =	vst v0  }
0x46: {  	[tilespmem:$0xB480] =	vst v0  }
0x47: {  	[tilespmem:$0xB490] =	vst v0  }
0x48: {  	[tilespmem:$0xB4A0] =	vst v0  }
0x49: {  	[tilespmem:$0xB4B0] =	vst v0  }
0x4a: {  	[tilespmem:$0xB4C0] =	vst v0  }
0x4b: {  	[tilespmem:$0xB4D0] =	vst v0  }
0x4c: {  	[tilespmem:$0xB4E0] =	vst v0  }
0x4d: {  	[tilespmem:$0xB4F0] =	vst v0  }
0x4e: {  	[tilespmem:$0xB500] =	vst v0  }
0x4f: {  	[tilespmem:$0xB510] =	vst v0  }
0x50: {  	[tilespmem:$0xB520] =	vst v0  }
0x51: {  	[tilespmem:$0xB530] =	vst v0  }
0x52: {  	[tilespmem:$0xB540] =	vst v0  }
0x53: {  	[tilespmem:$0xB550] =	vst v0  }
0x54: {  	[tilespmem:$0xB560] =	vst v0  }
0x55: {  	[tilespmem:$0xB570] =	vst v0  }
0x56: {  	[spmem:s21] =	stream.linear.scatter [tilespmem:s26], [sflag:$0x5], $0x3000, $0x38;
	[tilespmem:$0x1F880] =	vst v63  }
0x57: {  	_ =	swait.ge [sflag:s28], $0x3000  }
0x58: {  	[sflag:s28] =	ssyncset.done $0x0  }
0x59: {  	s11 =	rddreg [dreg:$0x8];
	[sflag:s28] =	ssyncadd.s32 $0xFFFFD000  }
0x5a: {  	[spmem:s11] =	stream.linear.scatter [tilespmem:s26], [sflag:$0x5], $0x3000, $0x38;
	[tilespmem:$0x1F880] =	vst v63  }
0x5b: {  	_ =	swait.ge [sflag:s28], $0x3000  }
0x5c: {  	[sflag:s28] =	ssyncset.done $0x0  }
0x5d: {  	s21 =	rddreg [dreg:$0x9];
	[sflag:s28] =	ssyncadd.s32 $0xFFFFD000  }
0x5e: {  	[spmem:s21] =	stream.linear.scatter [tilespmem:s26], [sflag:$0x5], $0x3000, $0x38;
	[tilespmem:$0x1F880] =	vst v63  }
0x5f: {  	_ =	swait.ge [sflag:s28], $0x3000  }
0x60: {  	[sflag:s28] =	ssyncset.done $0x0  }
0x61: {  	s23 =	rddreg [dreg:$0xa];
	[sflag:s28] =	ssyncadd.s32 $0xFFFFD000  }
0x62: {  	[spmem:s23] =	stream.linear.scatter [tilespmem:s26], [sflag:$0x5], $0x3000, $0x38;
	[tilespmem:$0x1F880] =	vst v63  }
0x63: {  	_ =	swait.ge [sflag:s28], $0x3000  }
0x64: {  	[sflag:s28] =	ssyncset.done $0x0  }
0x65: {  	s24 =	rddreg [dreg:$0xb];
	[sflag:s28] =	ssyncadd.s32 $0xFFFFD000  }
0x66: {  	[spmem:s24] =	stream.linear.scatter [tilespmem:s26], [sflag:$0x5], $0x3000, $0x38;
	[tilespmem:$0x1F880] =	vst v63  }
0x67: {  	_ =	swait.ge [sflag:s28], $0x3000  }
0x68: {  	[sflag:s28] =	ssyncset.done $0x0  }
0x69: {  	s25 =	rddreg [dreg:$0xc];
	[sflag:s28] =	ssyncadd.s32 $0xFFFFD000  }
0x6a: {  	[spmem:s25] =	stream.linear.scatter [tilespmem:s26], [sflag:$0x5], $0x3000, $0x38;
	[tilespmem:$0x1F880] =	vst v63  }
0x6b: {  	_ =	swait.ge [sflag:s28], $0x3000  }
0x6c: {  	[sflag:s28] =	ssyncset.done $0x0  }
0x6d: {  	s17 =	rddreg [dreg:$0xd];
	[sflag:s28] =	ssyncadd.s32 $0xFFFFD000  }
0x6e: {  	[spmem:s17] =	stream.linear.scatter [tilespmem:s26], [sflag:$0x5], $0x2000, $0x38;
	[tilespmem:$0x1F880] =	vst v63  }
0x6f: {  	_ =	swait.ge [sflag:s28], $0x2000  }
0x70: {  	[sflag:s28] =	ssyncset.done $0x0  }
0x71: {  	s18 =	simm.s32 $0xB300;
	[sflag:s28] =	ssyncadd.s32 $0xFFFFE000  }
0x72: {  	[spmem:s22] =	stream.linear.scatter [tilespmem:s18], [sflag:$0x5], $0x280, $0x38;
	[tilespmem:$0x1F880] =	vst v63  }
0x73: {  	_ =	swait.ge [sflag:s28], $0x280  }
0x74: {  	[sflag:s28] =	ssyncset.done $0x0  }
0x75: {  	s18 =	simm.s32 $0x0;
	s19 =	rddreg [dreg:$0x5];
	[sflag:s28] =	ssyncadd.s32 $0xFFFFFD80  }
0x76: {  	[tilespmem:s18], [sflag:$0x5] =	stream.linear.gather [hbm4b:s19+s18], $0x2800, $0x38;
	[tilespmem:$0x1F880] =	vst v63  }
0x77: {  	_ =	swait.ge [sflag:s28], $0x2800  }
0x78: {  	[sflag:s28] =	ssyncset.done $0x0  }
0x79: {  	s21 =	rddreg [dreg:$0x6];
	[sflag:s28] =	ssyncadd.s32 $0xFFFFD800  }
0x7a: {  	[tilespmem:s30], [sflag:$0x5] =	stream.linear.gather [hbm4b:s21+s18], $0x2800, $0x38;
	[tilespmem:$0x1F880] =	vst v63  }
0x7b: {  	_ =	swait.ge [sflag:s28], $0x2800  }
0x7c: {  	[sflag:s28] =	ssyncset.done $0x0  }
0x7d: {  	[sflag:s28] =	ssyncadd.s32 $0xFFFFD800  }
0x7e: {  	s17 =	simm.s32 $0xB580;
	s22 =	rddreg [dreg:$0x1]  }
0x7f: {  	[tilespmem:s17], [sflag:$0x5] =	stream.linear.gather [hbm4b:s22+s18], $0x80, $0x38;
	[tilespmem:$0x1F880] =	vst v63  }
0x80: {  	_ =	swait.ge [sflag:s28], $0x80  }
0x81: {  	[sflag:s28] =	ssyncset.done $0x0  }
0x82: {  	[sflag:s28] =	ssyncadd.s32 $0xFFFFFF80  }
0x83: {  	[bflag:$0x0] =	sbarrier.arrive $0xFFFF  }
0x84: {  	s24 =	simm.s32 $0x5000;
	s23 =	rddreg [dreg:$0xf]  }
0x85: {  	v1 =	vld [tilespmem:$0xB580];
	[tilespmem:s24], [sflag:$0x5] =	stream.linear.gather [hbm4b:s23+s18], $0x80, $0x38  }
0x86: {  	_ =	swait.ge [sflag:s28], $0x80  }
0x87: {  	[sflag:s28] =	ssyncset.done $0x0  }
0x88: {  	s25 =	rddreg [dreg:$0x10];
	[sflag:s28] =	ssyncadd.s32 $0xFFFFFF80  }
0x89: {  	[tilespmem:s1], [sflag:$0x5] =	stream.linear.gather [hbm4b:s25+s18], $0x80, $0x38;
	[tilespmem:$0x1F880] =	vst v63  }
0x8a: {  	_ =	swait.ge [sflag:s28], $0x80  }
0x8b: {  	[sflag:s28] =	ssyncset.done $0x0  }
0x8c: {  	s21 =	simm.s32 $0x0;
	[sflag:s28] =	ssyncadd.s32 $0xFFFFFF80  }
0x8d: {  	[tilespmem:s26], [sflag:$0x2] =	stream.indirect.gather [hbm4b:s6+s29], $0x80, s24, s29, $0xb8;
	[tilespmem:$0x1F880] =	vst v63  }
.LBB2_4:
0x8e: {  	p0 =	seq.s32 s21, $0x0  }
0x8f: {  	s11 =	simm.s32 @!p0 $0x4  }
0x90: {  	_ =	swait.ge @!p0 [sflag:s11], $0x60  }
0x91: {  	[sflag:s11] =	ssyncset.done @!p0 $0x0  }
0x92: {  	[sflag:s11] =	ssyncadd.s32 @!p0 $0xFFFFFFA0  }
0x93: {  	v2 =	vld [tilespmem:$0x5000]  }
0x94: {  	v3 =	vld [tilespmem:$0x5100];
	_ =	sdelay $0x6  }
0x95: {  	v2 =	vld.idx.msk [tilespmem:v2+s5+$0x0], $0xffff  }
0x96: {  	v3 =	vld.idx.msk [tilespmem:v3+s30+$0x0], $0xffff;
	_ =	sdelay $0x4  }
0x97: {  	v2 =	vadd.f32 v3, v2;
	_ =	sdelay $0x1  }
0x98: {  	v3 =	vmul.f32 $2.000000030e-01, v2  }
0x99: {  	vm0 =	vge.f32 v2, $0.0e+00  }
0x9a: {  	v2 =	vsel vm0, v2, v3  }
0x9b: {  	v2 =	vsub.f32 v2, v1;
	_ =	sdelay $0x1  }
0x9c: {  	v2 =	vmul.f32 $1.442695020e+00, v2;
	_ =	sdelay $0x1  }
0x9d: {  	(erf) = vpow2.f32 v2;
	_ =	sdelay $0x3  }
0x9e: {  	v2 =	vld [tilespmem:$0x5010]  }
0x9f: {  	v3 =	vld [tilespmem:$0x5110]  }
0xa0: {  	s25 =	smul.u32 $0xC0, s21;
	_ =	sdelay $0x1  }
0xa1: {  	s19 =	sadd.s32 s20, s25  }
0xa2: {  	p1 =	slt.u32 s19, $0x50910;
	v4 =	vpop (erf)  }
0xa3: {  	v4 =	vpsel !p1, $0x0, v4  }
0xa4: {  	[tilespmem:$0x5200] =	vst v4  }
0xa5: {  	v2 =	vld.idx.msk [tilespmem:v2+s5+$0x0], $0xffff  }
0xa6: {  	v3 =	vld.idx.msk [tilespmem:v3+s30+$0x0], $0xffff;
	_ =	sdelay $0x4  }
0xa7: {  	v2 =	vadd.f32 v3, v2;
	_ =	sdelay $0x1  }
0xa8: {  	v3 =	vmul.f32 $2.000000030e-01, v2  }
0xa9: {  	vm11 =	vge.f32 v2, $0.0e+00  }
0xaa: {  	v2 =	vsel vm11, v2, v3  }
0xab: {  	v2 =	vsub.f32 v2, v1;
	_ =	sdelay $0x1  }
0xac: {  	v2 =	vmul.f32 $1.442695020e+00, v2;
	_ =	sdelay $0x1  }
0xad: {  	(erf) = vpow2.f32 v2;
	_ =	sdelay $0x3  }
0xae: {  	v2 =	vld [tilespmem:$0x5020]  }
0xaf: {  	v3 =	vld [tilespmem:$0x5120];
	_ =	sdelay $0x2  }
0xb0: {  	s11 =	sor.u32 $0x10, s19  }
0xb1: {  	p2 =	slt.u32 s11, $0x50910;
	v4 =	vpop (erf)  }
0xb2: {  	v4 =	vpsel !p2, $0x0, v4  }
0xb3: {  	[tilespmem:$0x5210] =	vst v4  }
0xb4: {  	v2 =	vld.idx.msk [tilespmem:v2+s5+$0x0], $0xffff  }
0xb5: {  	v3 =	vld.idx.msk [tilespmem:v3+s30+$0x0], $0xffff;
	_ =	sdelay $0x4  }
0xb6: {  	v2 =	vadd.f32 v3, v2;
	_ =	sdelay $0x1  }
0xb7: {  	v3 =	vmul.f32 $2.000000030e-01, v2  }
0xb8: {  	vm12 =	vge.f32 v2, $0.0e+00  }
0xb9: {  	v2 =	vsel vm12, v2, v3  }
0xba: {  	v2 =	vsub.f32 v2, v1;
	_ =	sdelay $0x1  }
0xbb: {  	v2 =	vmul.f32 $1.442695020e+00, v2;
	_ =	sdelay $0x1  }
0xbc: {  	(erf) = vpow2.f32 v2;
	_ =	sdelay $0x3  }
0xbd: {  	v2 =	vld [tilespmem:$0x5030]  }
0xbe: {  	v3 =	vld [tilespmem:$0x5130];
	_ =	sdelay $0x2  }
0xbf: {  	s17 =	sor.u32 $0x20, s19  }
0xc0: {  	p3 =	slt.u32 s17, $0x50910;
	v4 =	vpop (erf)  }
0xc1: {  	v4 =	vpsel !p3, $0x0, v4  }
0xc2: {  	[tilespmem:$0x5220] =	vst v4  }
0xc3: {  	v2 =	vld.idx.msk [tilespmem:v2+s5+$0x0], $0xffff  }
0xc4: {  	v3 =	vld.idx.msk [tilespmem:v3+s30+$0x0], $0xffff;
	_ =	sdelay $0x4  }
0xc5: {  	v2 =	vadd.f32 v3, v2;
	_ =	sdelay $0x1  }
0xc6: {  	v3 =	vmul.f32 $2.000000030e-01, v2  }
0xc7: {  	vm13 =	vge.f32 v2, $0.0e+00  }
0xc8: {  	v2 =	vsel vm13, v2, v3  }
0xc9: {  	v2 =	vsub.f32 v2, v1;
	_ =	sdelay $0x1  }
0xca: {  	v2 =	vmul.f32 $1.442695020e+00, v2;
	_ =	sdelay $0x1  }
0xcb: {  	(erf) = vpow2.f32 v2;
	_ =	sdelay $0x3  }
0xcc: {  	v2 =	vld [tilespmem:$0x5040]  }
0xcd: {  	v3 =	vld [tilespmem:$0x5140];
	_ =	sdelay $0x2  }
0xce: {  	s22 =	sor.u32 $0x30, s19  }
0xcf: {  	p4 =	slt.u32 s22, $0x50910;
	v4 =	vpop (erf)  }
0xd0: {  	v4 =	vpsel !p4, $0x0, v4  }
0xd1: {  	[tilespmem:$0x5230] =	vst v4  }
0xd2: {  	v2 =	vld.idx.msk [tilespmem:v2+s5+$0x0], $0xffff  }
0xd3: {  	v3 =	vld.idx.msk [tilespmem:v3+s30+$0x0], $0xffff;
	_ =	sdelay $0x4  }
0xd4: {  	v2 =	vadd.f32 v3, v2;
	_ =	sdelay $0x1  }
0xd5: {  	v3 =	vmul.f32 $2.000000030e-01, v2  }
0xd6: {  	vm14 =	vge.f32 v2, $0.0e+00  }
0xd7: {  	v2 =	vsel vm14, v2, v3  }
0xd8: {  	v2 =	vsub.f32 v2, v1;
	_ =	sdelay $0x1  }
0xd9: {  	v2 =	vmul.f32 $1.442695020e+00, v2;
	_ =	sdelay $0x1  }
0xda: {  	(erf) = vpow2.f32 v2;
	_ =	sdelay $0x3  }
0xdb: {  	v2 =	vld [tilespmem:$0x5050]  }
0xdc: {  	v3 =	vld [tilespmem:$0x5150];
	_ =	sdelay $0x2  }
0xdd: {  	s23 =	sadd.s32 $0x40, s19  }
0xde: {  	p5 =	slt.u32 s23, $0x50910;
	v4 =	vpop (erf)  }
0xdf: {  	v4 =	vpsel !p5, $0x0, v4  }
0xe0: {  	[tilespmem:$0x5240] =	vst v4  }
0xe1: {  	v2 =	vld.idx.msk [tilespmem:v2+s5+$0x0], $0xffff  }
0xe2: {  	v3 =	vld.idx.msk [tilespmem:v3+s30+$0x0], $0xffff;
	_ =	sdelay $0x4  }
0xe3: {  	v2 =	vadd.f32 v3, v2;
	_ =	sdelay $0x1  }
0xe4: {  	v3 =	vmul.f32 $2.000000030e-01, v2  }
0xe5: {  	vm15 =	vge.f32 v2, $0.0e+00  }
0xe6: {  	v2 =	vsel vm15, v2, v3  }
0xe7: {  	v2 =	vsub.f32 v2, v1;
	_ =	sdelay $0x1  }
0xe8: {  	v2 =	vmul.f32 $1.442695020e+00, v2;
	_ =	sdelay $0x1  }
0xe9: {  	(erf) = vpow2.f32 v2;
	_ =	sdelay $0x7  }
0xea: {  	s24 =	sadd.s32 $0x50, s19  }
0xeb: {  	p6 =	slt.u32 s24, $0x50910;
	v2 =	vpop (erf)  }
0xec: {  	v2 =	vpsel !p6, $0x0, v2  }
0xed: {  	s23 =	sshllo.u32 s21, $0x1;
	[tilespmem:$0x5250] =	vst v2  }
0xee: {  	[spmem:s3] =	stream.indirect.scatter.add.f32 [tilespmem:s31], [sflag:$0x4], $0x1, s1, s29, $0xb8;
	[tilespmem:$0x1F880] =	vst v63  }
0xef: {  	s22 =	sshll.u32 s21, $0x8;
	s24 =	simm.s32 @!p0 $0x3;
	_ =	swait.ge [sflag:s4], $0x3000  }
0xf0: {  	s25 =	sand.u32 $0x3C00, s22;
	s17 =	sshll.u32 s23, $0x7;
	[sflag:s4] =	ssyncset.done $0x0  }
0xf1: {  	s11 =	sadd.s32 s14, s25;
	s19 =	sand.u32 $0x380, s17;
	[sflag:s4] =	ssyncadd.s32 $0xFFFFD000  }
0xf2: {  	s11 =	sor.u32 s11, s19;
	_ =	swait.ge @!p0 [sflag:s24], $0x3000  }
0xf3: {  	s11 =	sshrl.u32 s11, $0x3;
	[sflag:s24] =	ssyncset.done @!p0 $0x0  }
0xf4: {  	s25 =	sadd.s32 s9, s11;
	[sflag:s24] =	ssyncadd.s32 @!p0 $0xFFFFD000  }
0xf5: {  	[tilespmem:s7], [sflag:$0x1] =	stream.linear.gather [hbm4b:s25+s18], $0x80, $0x38;
	[tilespmem:$0x1F880] =	vst v63  }
0xf6: {  	s17 =	simm.s32 $0x2;
	s11 =	sadd.s32 s10, s11  }
0xf7: {  	v2 =	vmov s18;
	[tilespmem:s8], [sflag:$0x1] =	stream.linear.gather [hbm4b:s11+s18], $0x80, $0x38;
	[tilespmem:$0x1F880] =	vst v63  }
0xf8: {  	v3 =	vmov s17;
	v2 =	vand.u32 $0xFFFFFFFC, v2;
	_ =	swait.ge [sflag:s12], $0x80  }
0xf9: {  	v3 =	vand.u32 $0xFFFFFFFE, v3;
	v2 =	vbroadcast v2, $0x0;
	[sflag:s12] =	ssyncset.done $0x0  }
0xfa: {  	v3 =	vbroadcast v3, $0x0;
	[sflag:s12] =	ssyncadd.s32 $0xFFFFFF80  }
0xfb: {  	_ =	swait.ge [sflag:s12], $0x80  }
0xfc: {  	[sflag:s12] =	ssyncset.done $0x0  }
0xfd: {  	[sflag:s12] =	ssyncadd.s32 $0xFFFFFF80  }
0xfe: {  	[tilespmem:s13], [sflag:$0x2] =	stream.indirect.gather [hbm4b:s6+s29], $0x80, s7, s29, $0xb8;
	[tilespmem:$0x1F880] =	vst v63  }
0xff: {  	v2 =	vld.idx.msk [tilespmem:v2+s31+$0x0], $0xffff  }
0x100: {  	s19 =	simm.s32 $0x1;
	s24 =	simm.s32 $0x5400;
	v3 =	vld.idx.msk [tilespmem:v3+s31+$0x0], $0xffff  }
0x101: {  	v4 =	vmov s19;
	v5 =	vld [tilespmem:s24+$0x70]  }
0x102: {  	v4 =	vand.u32 $0xFFFFFFFD, v4;
	v6 =	vld [tilespmem:s24+$0xFFFFFF00]  }
0x103: {  	v4 =	vbroadcast v4, $0x0;
	v7 =	vld [tilespmem:s24+$0xFFFFFF10]  }
0x104: {  	v8 =	vld [tilespmem:s24+$0xFFFFFF20]  }
0x105: {  	v9 =	vld [tilespmem:s24+$0xFFFFFF30]  }
0x106: {  	v10 =	vld [tilespmem:s24+$0xFFFFFF40]  }
0x107: {  	v11 =	vld [tilespmem:s24+$0xFFFFFF50]  }
0x108: {  	v12 =	vld [tilespmem:s24+$0xFFFFFF60];
	v6 =	vmul.f32 v6, v2  }
0x109: {  	v4 =	vld.idx.msk [tilespmem:v4+s31+$0x0], $0xffff;
	v5 =	vmul.f32 v5, v3  }
0x10a: {  	v14 =	vld [tilespmem:s24+$0x40];
	[tilespmem:s24+$0xFFFFFF00] =	vst v6;
	v6 =	vmul.f32 v7, v2  }
0x10b: {  	v7 =	vld [tilespmem:s24+$0xFFFFFF70];
	[tilespmem:s24+$0x70] =	vst v5;
	v5 =	vmul.f32 v8, v2  }
0x10c: {  	v8 =	vld [tilespmem:s24+$0xFFFFFF80];
	[tilespmem:s24+$0xFFFFFF10] =	vst v6;
	v6 =	vmul.f32 v9, v2  }
0x10d: {  	v9 =	vld [tilespmem:s24+$0xFFFFFF90];
	[tilespmem:s24+$0xFFFFFF20] =	vst v5;
	v5 =	vmul.f32 v10, v2  }
0x10e: {  	v10 =	vld [tilespmem:s24+$0xFFFFFFA0];
	[tilespmem:s24+$0xFFFFFF30] =	vst v6;
	v6 =	vmul.f32 v11, v2  }
0x10f: {  	v11 =	vld [tilespmem:s24+$0xFFFFFFB0];
	[tilespmem:s24+$0xFFFFFF40] =	vst v5;
	v5 =	vmul.f32 v12, v2  }
0x110: {  	v12 =	vld [tilespmem:s24+$0xFFFFFFC0];
	v7 =	vmul.f32 v7, v2;
	[tilespmem:s24+$0xFFFFFF50] =	vst v6  }
0x111: {  	v6 =	vmul.f32 v8, v4;
	v8 =	vld [tilespmem:s24+$0xFFFFFFD0];
	[tilespmem:s24+$0xFFFFFF60] =	vst v5  }
0x112: {  	s25 =	simm.s32 $0x3;
	v5 =	vld [tilespmem:s24+$0xFFFFFFE0];
	v9 =	vmul.f32 v9, v4;
	[tilespmem:s24+$0xFFFFFF70] =	vst v7  }
0x113: {  	v13 =	vmov s25;
	v7 =	vld [tilespmem:s24+$0xFFFFFFF0];
	[tilespmem:s24+$0xFFFFFF80] =	vst v6;
	v6 =	vmul.f32 v10, v4  }
0x114: {  	v10 =	vld [tilespmem:s24+$0x0];
	[tilespmem:s24+$0xFFFFFF90] =	vst v9;
	v9 =	vmul.f32 v11, v4  }
0x115: {  	v11 =	vld [tilespmem:s24+$0x10];
	[tilespmem:s24+$0xFFFFFFA0] =	vst v6;
	v6 =	vmul.f32 v12, v4  }
0x116: {  	[tilespmem:s24+$0xFFFFFFB0] =	vst v9;
	v8 =	vmul.f32 v8, v4;
	v9 =	vld [tilespmem:s24+$0x20]  }
0x117: {  	v12 =	vld [tilespmem:s24+$0x30];
	v5 =	vmul.f32 v5, v4;
	[tilespmem:s24+$0xFFFFFFC0] =	vst v6  }
0x118: {  	v2 =	vld.idx.msk [tilespmem:v13+s31+$0x0], $0xffff;
	v4 =	vmul.f32 v7, v4;
	[tilespmem:s24+$0xFFFFFFD0] =	vst v8  }
0x119: {  	[tilespmem:s24+$0xFFFFFFE0] =	vst v5;
	v6 =	vmul.f32 v10, v3;
	v5 =	vld [tilespmem:s24+$0x50]  }
0x11a: {  	s17 =	simm.s32 $0x4;
	[tilespmem:s24+$0xFFFFFFF0] =	vst v4;
	v7 =	vmul.f32 v11, v3;
	v4 =	vld [tilespmem:s24+$0x60]  }
0x11b: {  	s19 =	simm.s32 $0x7;
	v8 =	vmov s17;
	[tilespmem:s24+$0x0] =	vst v6;
	v10 =	vmul.f32 v9, v3;
	v9 =	vld [tilespmem:s24+$0x80]  }
0x11c: {  	s25 =	simm.s32 $0x5;
	v13 =	vand.u32 $0xFFFFFFFC, v8;
	v8 =	vld [tilespmem:s24+$0x90];
	v6 =	vmov s19;
	v11 =	vmul.f32 v12, v3;
	[tilespmem:s24+$0x10] =	vst v7  }
0x11d: {  	s11 =	simm.s32 $0x6;
	s19 =	simm.s32 $0x8;
	v12 =	vmul.f32 v14, v3;
	v7 =	vbroadcast v13, $0x0;
	v13 =	vmov s25;
	s25 =	simm.s32 $0x5400;
	[tilespmem:s24+$0x20] =	vst v10;
	v10 =	vld [tilespmem:s24+$0xA0]  }
.LBB2_5:
0x11e: {  	p0 =	slt.u32 s19, $0x5C;
	v13 =	vand.u32 $0xFFFFFFFD, v13;
	v14 =	vmov s11;
	[tilespmem:s24+$0x30] =	vst v11;
	v5 =	vmul.f32 v5, v3;
	v11 =	vld [tilespmem:s24+$0xB0]  }
0x11f: {  	v13 =	vbroadcast v13, $0x0;
	v14 =	vand.u32 $0xFFFFFFFE, v14;
	[tilespmem:s24+$0x40] =	vst v12;
	v3 =	vmul.f32 v4, v3;
	v4 =	vld [tilespmem:s24+$0xC0]  }
0x120: {  	v12 =	vbroadcast v14, $0x0;
	[tilespmem:s24+$0x50] =	vst v5;
	v5 =	vmul.f32 v9, v2;
	v9 =	vld [tilespmem:s24+$0xD0]  }
0x121: {  	[tilespmem:s24+$0x60] =	vst v3;
	v3 =	vmul.f32 v8, v2;
	v8 =	vld [tilespmem:s24+$0xE0]  }
0x122: {  	[tilespmem:s24+$0x80] =	vst v5;
	v5 =	vmul.f32 v10, v2;
	v10 =	vld [tilespmem:s24+$0xF0]  }
0x123: {  	v6 =	vld.idx.msk [tilespmem:v6+s31+$0x0], $0xffff;
	[tilespmem:s24+$0x90] =	vst v3;
	v3 =	vmul.f32 v11, v2  }
0x124: {  	v7 =	vld.idx.msk [tilespmem:v7+s31+$0x0], $0xffff;
	[tilespmem:s24+$0xA0] =	vst v5;
	v4 =	vmul.f32 v4, v2  }
0x125: {  	v5 =	vld.idx.msk [tilespmem:v13+s31+$0x0], $0xffff;
	[tilespmem:s24+$0xB0] =	vst v3;
	v9 =	vmul.f32 v9, v2  }
0x126: {  	s24 =	sadd.s32 $0x200, s24;
	v3 =	vld.idx.msk [tilespmem:v12+s31+$0x0], $0xffff;
	[tilespmem:s25+$0xC0] =	vst v4;
	v4 =	vmul.f32 v8, v2  }
0x127: {  	v8 =	vld [tilespmem:s24+$0x70];
	[tilespmem:s25+$0xD0] =	vst v9;
	v10 =	vmul.f32 v10, v2  }
0x128: {  	v9 =	vld [tilespmem:s24+$0xFFFFFF00];
	[tilespmem:s25+$0xE0] =	vst v4  }
0x129: {  	v2 =	vmov v6;
	v4 =	vld [tilespmem:s24+$0xFFFFFF10];
	[tilespmem:s25+$0xF0] =	vst v10;
	s25 =	smov.u32 s24  }
0x12a: {  	v6 =	vld [tilespmem:s24+$0xFFFFFF20]  }
0x12b: {  	v10 =	vld [tilespmem:s24+$0xFFFFFF30]  }
0x12c: {  	v11 =	vld [tilespmem:s24+$0xFFFFFF40];
	v8 =	vmul.f32 v8, v3  }
0x12d: {  	v9 =	vmul.f32 v9, v7;
	v12 =	vld [tilespmem:s24+$0xFFFFFF50]  }
0x12e: {  	v4 =	vmul.f32 v4, v7;
	v13 =	vld [tilespmem:s24+$0xFFFFFF60];
	[tilespmem:s24+$0x70] =	vst v8  }
0x12f: {  	[tilespmem:s24+$0xFFFFFF00] =	vst v9;
	v6 =	vmul.f32 v6, v7;
	v8 =	vld [tilespmem:s24+$0xFFFFFF70]  }
0x130: {  	[tilespmem:s24+$0xFFFFFF10] =	vst v4;
	v4 =	vmul.f32 v10, v7;
	v9 =	vld [tilespmem:s24+$0xFFFFFF80]  }
0x131: {  	[tilespmem:s24+$0xFFFFFF20] =	vst v6;
	v6 =	vmul.f32 v11, v7;
	v10 =	vld [tilespmem:s24+$0xFFFFFF90]  }
0x132: {  	[tilespmem:s24+$0xFFFFFF30] =	vst v4;
	v4 =	vmul.f32 v12, v7;
	v11 =	vld [tilespmem:s24+$0xFFFFFFA0]  }
0x133: {  	[tilespmem:s24+$0xFFFFFF40] =	vst v6;
	v6 =	vmul.f32 v13, v7;
	v12 =	vld [tilespmem:s24+$0xFFFFFFB0]  }
0x134: {  	[tilespmem:s24+$0xFFFFFF50] =	vst v4;
	v4 =	vmul.f32 v8, v7;
	v7 =	vld [tilespmem:s24+$0xFFFFFFC0]  }
0x135: {  	[tilespmem:s24+$0xFFFFFF60] =	vst v6;
	v6 =	vmul.f32 v9, v5;
	v8 =	vld [tilespmem:s24+$0xFFFFFFD0]  }
0x136: {  	[tilespmem:s24+$0xFFFFFF70] =	vst v4;
	v4 =	vmul.f32 v10, v5;
	v9 =	vld [tilespmem:s24+$0xFFFFFFE0]  }
0x137: {  	[tilespmem:s24+$0xFFFFFF80] =	vst v6;
	v6 =	vmul.f32 v11, v5;
	v10 =	vld [tilespmem:s24+$0xFFFFFFF0]  }
0x138: {  	[tilespmem:s24+$0xFFFFFF90] =	vst v4;
	v4 =	vmul.f32 v12, v5;
	v11 =	vld [tilespmem:s24+$0x0]  }
0x139: {  	[tilespmem:s24+$0xFFFFFFA0] =	vst v6;
	v6 =	vmul.f32 v7, v5;
	v7 =	vld [tilespmem:s24+$0x10]  }
0x13a: {  	[tilespmem:s24+$0xFFFFFFB0] =	vst v4;
	v4 =	vmul.f32 v8, v5;
	v8 =	vld [tilespmem:s24+$0x20]  }
0x13b: {  	[tilespmem:s24+$0xFFFFFFC0] =	vst v6;
	v6 =	vmul.f32 v9, v5;
	v12 =	vld [tilespmem:s24+$0x30]  }
0x13c: {  	[tilespmem:s24+$0xFFFFFFD0] =	vst v4;
	v4 =	vmul.f32 v10, v5;
	v10 =	vld [tilespmem:s24+$0x40]  }
.Ltmp1:
0x13d: {  	[tilespmem:s24+$0xFFFFFFE0] =	vst v6;
	v6 =	vmul.f32 v11, v3;
	v5 =	vld [tilespmem:s24+$0x50];
	(pc) =	sbr.rel @p0 .LBB2_5-.Ltmp1, $4  }
0x13e: {  	[tilespmem:s24+$0xFFFFFFF0] =	vst v4;
	v7 =	vmul.f32 v7, v3;
	v4 =	vld [tilespmem:s24+$0x60]  }
0x13f: {  	s11 =	sadd.s32 $0x3, s19;
	v11 =	vmov s19;
	[tilespmem:s24+$0x0] =	vst v6;
	v14 =	vmul.f32 v8, v3;
	v9 =	vld [tilespmem:s24+$0x80]  }
0x140: {  	s17 =	sadd.s32 $0x1, s19;
	v13 =	vand.u32 $0xFFFFFFFC, v11;
	v6 =	vmov s11;
	[tilespmem:s24+$0x10] =	vst v7;
	v11 =	vmul.f32 v12, v3;
	v8 =	vld [tilespmem:s24+$0x90]  }
0x141: {  	s11 =	sadd.s32 $0x2, s19;
	s19 =	sadd.s32 $0x4, s19;
	v7 =	vbroadcast v13, $0x0;
	v13 =	vmov s17;
	[tilespmem:s24+$0x20] =	vst v14;
	v12 =	vmul.f32 v10, v3;
	v10 =	vld [tilespmem:s24+$0xA0]  }
0x142: {  	v14 =	vld [tilespmem:s24+$0xB0]  }
0x143: {  	v16 =	vld [tilespmem:s24+$0xC0]  }
0x144: {  	v15 =	vmov s11;
	v17 =	vld [tilespmem:s24+$0xD0]  }
0x145: {  	v18 =	vld [tilespmem:s24+$0xE0];
	[tilespmem:s24+$0x30] =	vst v11;
	v5 =	vmul.f32 v5, v3;
	v15 =	vand.u32 $0xFFFFFFFE, v15  }
0x146: {  	v13 =	vand.u32 $0xFFFFFFFD, v13;
	v6 =	vld.idx.msk [tilespmem:v6+s31+$0x0], $0xffff;
	[tilespmem:s24+$0x40] =	vst v12;
	v3 =	vmul.f32 v4, v3;
	v15 =	vbroadcast v15, $0x0  }
0x147: {  	s19 =	sadd.s32 $0x200, s24;
	v13 =	vbroadcast v13, $0x0;
	v4 =	vld.idx.msk [tilespmem:v7+s31+$0x0], $0xffff;
	v9 =	vmul.f32 v9, v2;
	[tilespmem:s24+$0x50] =	vst v5  }
0x148: {  	v11 =	vld [tilespmem:s19+$0xFFFFFF00];
	v5 =	vmul.f32 v8, v2;
	[tilespmem:s24+$0x60] =	vst v3  }
0x149: {  	[tilespmem:s24+$0x80] =	vst v9;
	v9 =	vld [tilespmem:s24+$0xF0];
	v3 =	vmul.f32 v10, v2  }
0x14a: {  	v12 =	vld [tilespmem:s19+$0xFFFFFF10];
	[tilespmem:s24+$0x90] =	vst v5;
	v5 =	vmul.f32 v14, v2  }
0x14b: {  	v10 =	vld [tilespmem:s19+$0x70];
	[tilespmem:s24+$0xA0] =	vst v3;
	v3 =	vmul.f32 v16, v2  }
0x14c: {  	[tilespmem:s24+$0xB0] =	vst v5;
	v5 =	vmul.f32 v17, v2;
	v8 =	vld.idx.msk [tilespmem:v15+s31+$0x0], $0xffff  }
0x14d: {  	v7 =	vld.idx.msk [tilespmem:v13+s31+$0x0], $0xffff;
	[tilespmem:s25+$0xC0] =	vst v3;
	v3 =	vmul.f32 v18, v2  }
0x14e: {  	v13 =	vld [tilespmem:s19+$0xFFFFFF20];
	[tilespmem:s25+$0xD0] =	vst v5;
	v2 =	vmul.f32 v9, v2  }
0x14f: {  	v5 =	vld [tilespmem:s19+$0xFFFFFF30];
	[tilespmem:s25+$0xE0] =	vst v3  }
0x150: {  	v3 =	vld [tilespmem:s19+$0xFFFFFF40];
	[tilespmem:s25+$0xF0] =	vst v2;
	v2 =	vmul.f32 v11, v4  }
0x151: {  	v9 =	vmul.f32 v10, v8;
	v10 =	vld [tilespmem:s19+$0xFFFFFF50]  }
0x152: {  	v11 =	vmul.f32 v12, v4;
	v12 =	vld [tilespmem:s19+$0xFFFFFF60];
	[tilespmem:s19+$0xFFFFFF00] =	vst v2  }
0x153: {  	v2 =	vmul.f32 v13, v4;
	[tilespmem:s19+$0x70] =	vst v9;
	v9 =	vld [tilespmem:s19+$0xFFFFFF70]  }
0x154: {  	[tilespmem:s19+$0xFFFFFF10] =	vst v11;
	v11 =	vld [tilespmem:s19+$0xFFFFFF80];
	v5 =	vmul.f32 v5, v4  }
0x155: {  	[tilespmem:s19+$0xFFFFFF20] =	vst v2;
	v2 =	vmul.f32 v3, v4;
	v3 =	vld [tilespmem:s19+$0xFFFFFF90]  }
0x156: {  	[tilespmem:s19+$0xFFFFFF30] =	vst v5;
	v5 =	vmul.f32 v10, v4;
	v10 =	vld [tilespmem:s19+$0xFFFFFFA0]  }
0x157: {  	[tilespmem:s19+$0xFFFFFF40] =	vst v2;
	v2 =	vmul.f32 v12, v4;
	v12 =	vld [tilespmem:s19+$0xFFFFFFB0]  }
0x158: {  	[tilespmem:s19+$0xFFFFFF50] =	vst v5;
	v4 =	vmul.f32 v9, v4;
	v5 =	vld [tilespmem:s19+$0xFFFFFFC0]  }
0x159: {  	[tilespmem:s19+$0xFFFFFF60] =	vst v2;
	v2 =	vmul.f32 v11, v7;
	v9 =	vld [tilespmem:s19+$0xFFFFFFD0]  }
0x15a: {  	v3 =	vmul.f32 v3, v7;
	[tilespmem:s19+$0xFFFFFF70] =	vst v4;
	v4 =	vld [tilespmem:s19+$0xFFFFFFE0]  }
0x15b: {  	[tilespmem:s19+$0xFFFFFF80] =	vst v2;
	v2 =	vmul.f32 v10, v7;
	v10 =	vld [tilespmem:s19+$0xFFFFFFF0]  }
0x15c: {  	v11 =	vld [tilespmem:s19+$0x0];
	[tilespmem:s19+$0xFFFFFF90] =	vst v3;
	v3 =	vmul.f32 v12, v7  }
0x15d: {  	[tilespmem:s19+$0xFFFFFFA0] =	vst v2;
	v2 =	vmul.f32 v5, v7;
	v5 =	vld [tilespmem:s19+$0x10]  }
0x15e: {  	[tilespmem:s19+$0xFFFFFFB0] =	vst v3;
	v3 =	vmul.f32 v9, v7;
	v9 =	vld [tilespmem:s19+$0x20]  }
0x15f: {  	[tilespmem:s19+$0xFFFFFFC0] =	vst v2;
	v2 =	vmul.f32 v4, v7;
	v4 =	vld [tilespmem:s19+$0x30]  }
0x160: {  	[tilespmem:s19+$0xFFFFFFD0] =	vst v3;
	v3 =	vmul.f32 v10, v7;
	v7 =	vld [tilespmem:s19+$0x40]  }
0x161: {  	v10 =	vld [tilespmem:s19+$0x50];
	[tilespmem:s19+$0xFFFFFFE0] =	vst v2;
	v2 =	vmul.f32 v11, v8  }
0x162: {  	[tilespmem:s19+$0xFFFFFFF0] =	vst v3;
	v3 =	vmul.f32 v5, v8;
	v5 =	vld [tilespmem:s19+$0x60]  }
0x163: {  	[tilespmem:s19+$0x0] =	vst v2;
	v2 =	vmul.f32 v9, v8;
	v9 =	vld [tilespmem:s19+$0x80]  }
0x164: {  	[tilespmem:s19+$0x10] =	vst v3;
	v3 =	vmul.f32 v4, v8;
	v4 =	vld [tilespmem:s19+$0x90]  }
0x165: {  	[tilespmem:s19+$0x20] =	vst v2;
	v2 =	vmul.f32 v7, v8;
	v7 =	vld [tilespmem:s19+$0xA0]  }
0x166: {  	[tilespmem:s19+$0x30] =	vst v3;
	v3 =	vmul.f32 v10, v8;
	v10 =	vld [tilespmem:s19+$0xB0]  }
0x167: {  	[tilespmem:s19+$0x40] =	vst v2;
	v2 =	vmul.f32 v5, v8;
	v5 =	vld [tilespmem:s19+$0xC0]  }
0x168: {  	v8 =	vld [tilespmem:s19+$0xD0];
	[tilespmem:s19+$0x50] =	vst v3;
	v3 =	vmul.f32 v9, v6  }
0x169: {  	[tilespmem:s19+$0x60] =	vst v2;
	v2 =	vmul.f32 v4, v6;
	v4 =	vld [tilespmem:s19+$0xE0]  }
0x16a: {  	[tilespmem:s19+$0x80] =	vst v3;
	v3 =	vmul.f32 v7, v6;
	v7 =	vld [tilespmem:s19+$0xF0]  }
0x16b: {  	[tilespmem:s19+$0x90] =	vst v2;
	v2 =	vmul.f32 v10, v6  }
0x16c: {  	[tilespmem:s19+$0xA0] =	vst v3;
	v3 =	vmul.f32 v5, v6  }
0x16d: {  	[tilespmem:s19+$0xB0] =	vst v2;
	v2 =	vmul.f32 v8, v6  }
0x16e: {  	[tilespmem:s19+$0xC0] =	vst v3;
	v3 =	vmul.f32 v4, v6  }
0x16f: {  	[tilespmem:s19+$0xD0] =	vst v2;
	v2 =	vmul.f32 v7, v6  }
0x170: {  	[tilespmem:s19+$0xE0] =	vst v3  }
0x171: {  	[tilespmem:s19+$0xF0] =	vst v2  }
0x172: {  	[spmem:s2] =	stream.indirect.scatter.add.f32 [tilespmem:s26], [sflag:$0x3], $0x80, s1, s29, $0xb8;
	[tilespmem:$0x1F880] =	vst v63  }
0x173: {  	_ =	swait.ge [sflag:s0], $0x60  }
0x174: {  	[sflag:s0] =	ssyncset.done $0x0  }
0x175: {  	[sflag:s0] =	ssyncadd.s32 $0xFFFFFFA0  }
0x176: {  	v2 =	vld [tilespmem:$0x5080]  }
0x177: {  	v3 =	vld [tilespmem:$0x5180];
	_ =	sdelay $0x6  }
0x178: {  	v2 =	vld.idx.msk [tilespmem:v2+s5+$0x0], $0xffff  }
0x179: {  	v3 =	vld.idx.msk [tilespmem:v3+s30+$0x0], $0xffff;
	_ =	sdelay $0x4  }
0x17a: {  	v2 =	vadd.f32 v3, v2;
	_ =	sdelay $0x1  }
0x17b: {  	v3 =	vmul.f32 $2.000000030e-01, v2  }
0x17c: {  	vm0 =	vge.f32 v2, $0.0e+00  }
0x17d: {  	v2 =	vsel vm0, v2, v3  }
0x17e: {  	v2 =	vsub.f32 v2, v1;
	_ =	sdelay $0x1  }
0x17f: {  	v2 =	vmul.f32 $1.442695020e+00, v2;
	_ =	sdelay $0x1  }
0x180: {  	(erf) = vpow2.f32 v2;
	_ =	sdelay $0x3  }
0x181: {  	v2 =	vld [tilespmem:$0x5090]  }
0x182: {  	v3 =	vld [tilespmem:$0x5190]  }
0x183: {  	s19 =	smul.u32 $0x60, s23;
	_ =	sdelay $0x1  }
0x184: {  	s23 =	sadd.s32 s20, s19  }
0x185: {  	p0 =	slt.u32 s23, $0x50910;
	v4 =	vpop (erf)  }
0x186: {  	v4 =	vpsel !p0, $0x0, v4  }
0x187: {  	[tilespmem:$0x5280] =	vst v4  }
0x188: {  	v2 =	vld.idx.msk [tilespmem:v2+s5+$0x0], $0xffff  }
0x189: {  	v3 =	vld.idx.msk [tilespmem:v3+s30+$0x0], $0xffff;
	_ =	sdelay $0x4  }
0x18a: {  	v2 =	vadd.f32 v3, v2;
	_ =	sdelay $0x1  }
0x18b: {  	v3 =	vmul.f32 $2.000000030e-01, v2  }
0x18c: {  	vm11 =	vge.f32 v2, $0.0e+00  }
0x18d: {  	v2 =	vsel vm11, v2, v3  }
0x18e: {  	v2 =	vsub.f32 v2, v1;
	_ =	sdelay $0x1  }
0x18f: {  	v2 =	vmul.f32 $1.442695020e+00, v2;
	_ =	sdelay $0x1  }
0x190: {  	(erf) = vpow2.f32 v2;
	_ =	sdelay $0x3  }
0x191: {  	v2 =	vld [tilespmem:$0x50A0]  }
0x192: {  	v3 =	vld [tilespmem:$0x51A0];
	_ =	sdelay $0x2  }
0x193: {  	s11 =	sor.u32 $0x10, s23  }
0x194: {  	p2 =	slt.u32 s11, $0x50910;
	v4 =	vpop (erf)  }
0x195: {  	v4 =	vpsel !p2, $0x0, v4  }
0x196: {  	[tilespmem:$0x5290] =	vst v4  }
0x197: {  	v2 =	vld.idx.msk [tilespmem:v2+s5+$0x0], $0xffff  }
0x198: {  	v3 =	vld.idx.msk [tilespmem:v3+s30+$0x0], $0xffff;
	_ =	sdelay $0x4  }
0x199: {  	v2 =	vadd.f32 v3, v2;
	_ =	sdelay $0x1  }
0x19a: {  	v3 =	vmul.f32 $2.000000030e-01, v2  }
0x19b: {  	vm12 =	vge.f32 v2, $0.0e+00  }
0x19c: {  	v2 =	vsel vm12, v2, v3  }
0x19d: {  	v2 =	vsub.f32 v2, v1;
	_ =	sdelay $0x1  }
0x19e: {  	v2 =	vmul.f32 $1.442695020e+00, v2;
	_ =	sdelay $0x1  }
0x19f: {  	(erf) = vpow2.f32 v2;
	_ =	sdelay $0x3  }
0x1a0: {  	v2 =	vld [tilespmem:$0x50B0]  }
0x1a1: {  	v3 =	vld [tilespmem:$0x51B0];
	_ =	sdelay $0x2  }
0x1a2: {  	s24 =	sadd.s32 $0x20, s23  }
0x1a3: {  	p3 =	slt.u32 s24, $0x50910;
	v4 =	vpop (erf)  }
0x1a4: {  	v4 =	vpsel !p3, $0x0, v4  }
0x1a5: {  	[tilespmem:$0x52A0] =	vst v4  }
0x1a6: {  	v2 =	vld.idx.msk [tilespmem:v2+s5+$0x0], $0xffff  }
0x1a7: {  	v3 =	vld.idx.msk [tilespmem:v3+s30+$0x0], $0xffff;
	_ =	sdelay $0x4  }
0x1a8: {  	v2 =	vadd.f32 v3, v2;
	_ =	sdelay $0x1  }
0x1a9: {  	v3 =	vmul.f32 $2.000000030e-01, v2  }
0x1aa: {  	vm13 =	vge.f32 v2, $0.0e+00  }
0x1ab: {  	v2 =	vsel vm13, v2, v3  }
0x1ac: {  	v2 =	vsub.f32 v2, v1;
	_ =	sdelay $0x1  }
0x1ad: {  	v2 =	vmul.f32 $1.442695020e+00, v2;
	_ =	sdelay $0x1  }
0x1ae: {  	(erf) = vpow2.f32 v2;
	_ =	sdelay $0x3  }
0x1af: {  	v2 =	vld [tilespmem:$0x50C0]  }
0x1b0: {  	v3 =	vld [tilespmem:$0x51C0];
	_ =	sdelay $0x2  }
0x1b1: {  	s25 =	sadd.s32 $0x30, s23  }
0x1b2: {  	p4 =	slt.u32 s25, $0x50910;
	v4 =	vpop (erf)  }
0x1b3: {  	v4 =	vpsel !p4, $0x0, v4  }
0x1b4: {  	[tilespmem:$0x52B0] =	vst v4  }
0x1b5: {  	v2 =	vld.idx.msk [tilespmem:v2+s5+$0x0], $0xffff  }
0x1b6: {  	v3 =	vld.idx.msk [tilespmem:v3+s30+$0x0], $0xffff;
	_ =	sdelay $0x4  }
0x1b7: {  	v2 =	vadd.f32 v3, v2;
	_ =	sdelay $0x1  }
0x1b8: {  	v3 =	vmul.f32 $2.000000030e-01, v2  }
0x1b9: {  	vm14 =	vge.f32 v2, $0.0e+00  }
0x1ba: {  	v2 =	vsel vm14, v2, v3  }
0x1bb: {  	v2 =	vsub.f32 v2, v1;
	_ =	sdelay $0x1  }
0x1bc: {  	v2 =	vmul.f32 $1.442695020e+00, v2;
	_ =	sdelay $0x1  }
0x1bd: {  	(erf) = vpow2.f32 v2;
	_ =	sdelay $0x3  }
0x1be: {  	v2 =	vld [tilespmem:$0x50D0]  }
0x1bf: {  	v3 =	vld [tilespmem:$0x51D0];
	_ =	sdelay $0x2  }
0x1c0: {  	s17 =	sadd.s32 $0x40, s23  }
0x1c1: {  	p5 =	slt.u32 s17, $0x50910;
	v4 =	vpop (erf)  }
0x1c2: {  	v4 =	vpsel !p5, $0x0, v4  }
0x1c3: {  	[tilespmem:$0x52C0] =	vst v4  }
0x1c4: {  	v2 =	vld.idx.msk [tilespmem:v2+s5+$0x0], $0xffff  }
0x1c5: {  	v3 =	vld.idx.msk [tilespmem:v3+s30+$0x0], $0xffff;
	_ =	sdelay $0x4  }
0x1c6: {  	v2 =	vadd.f32 v3, v2;
	_ =	sdelay $0x1  }
0x1c7: {  	v3 =	vmul.f32 $2.000000030e-01, v2  }
0x1c8: {  	vm15 =	vge.f32 v2, $0.0e+00  }
0x1c9: {  	v2 =	vsel vm15, v2, v3  }
0x1ca: {  	v2 =	vsub.f32 v2, v1;
	_ =	sdelay $0x1  }
0x1cb: {  	v2 =	vmul.f32 $1.442695020e+00, v2;
	_ =	sdelay $0x1  }
0x1cc: {  	(erf) = vpow2.f32 v2;
	_ =	sdelay $0x7  }
0x1cd: {  	s23 =	sadd.s32 $0x50, s23  }
0x1ce: {  	p6 =	slt.u32 s23, $0x50910;
	v2 =	vpop (erf)  }
0x1cf: {  	v2 =	vpsel !p6, $0x0, v2  }
0x1d0: {  	p0 =	seq.s32 s21, $0x35;
	[tilespmem:$0x52D0] =	vst v2  }
0x1d1: {  	[spmem:s3] =	stream.indirect.scatter.add.f32 [tilespmem:s15], [sflag:$0x4], $0x1, s8, s29, $0xb8;
	[tilespmem:$0x1F880] =	vst v63  }
0x1d2: {  	s11 =	sadd.s32 @!p0 $0x100, s22;
	_ =	swait.ge [sflag:s4], $0x3000  }
0x1d3: {  	s17 =	sand.u32 @!p0 $0x7C00, s11;
	[sflag:s4] =	ssyncset.done $0x0  }
0x1d4: {  	s11 =	sand.u32 @!p0 $0x300, s11;
	s17 =	sadd.s32 @!p0 s14, s17;
	[sflag:s4] =	ssyncadd.s32 $0xFFFFD000  }
0x1d5: {  	s24 =	simm.s32 $0x0;
	s11 =	sor.u32 @!p0 s11, s17;
	_ =	swait.ge [sflag:s16], $0x3000  }
0x1d6: {  	s19 =	simm.s32 @!p0 $0x0;
	s11 =	sshrl.u32 @!p0 s11, $0x3;
	[sflag:s16] =	ssyncset.done $0x0  }
0x1d7: {  	s22 =	simm.s32 @!p0 $0x5000;
	s17 =	sadd.s32 @!p0 s9, s11;
	[sflag:s16] =	ssyncadd.s32 $0xFFFFD000  }
0x1d8: {  	[tilespmem:s22], [sflag:$0x1] =	stream.linear.gather @!p0 [hbm4b:s17+s19], $0x80, $0x38;
	[tilespmem:$0x1F880] =	vst v63  }
0x1d9: {  	s25 =	simm.s32 $0x3;
	s11 =	sadd.s32 @!p0 s10, s11;
	s17 =	simm.s32 @!p0 $0x5100  }
0x1da: {  	v2 =	vmov s24;
	[tilespmem:s17], [sflag:$0x1] =	stream.linear.gather @!p0 [hbm4b:s11+s19], $0x80, $0x38;
	[tilespmem:$0x1F880] =	vst v63  }
0x1db: {  	v3 =	vmov s25;
	v2 =	vand.u32 $0x7C, v2;
	s17 =	simm.s32 @!p0 $0x1  }
0x1dc: {  	v3 =	vand.u32 $0x7F, v3;
	v2 =	vor.u32 $0x80, v2;
	_ =	swait.ge @!p0 [sflag:s17], $0x80  }
0x1dd: {  	v3 =	vor.u32 $0x80, v3;
	v2 =	vbroadcast v2, $0x0;
	[sflag:s17] =	ssyncset.done @!p0 $0x0  }
0x1de: {  	v3 =	vbroadcast v3, $0x0;
	[sflag:s17] =	ssyncadd.s32 @!p0 $0xFFFFFF80  }
0x1df: {  	_ =	swait.ge @!p0 [sflag:s17], $0x80  }
0x1e0: {  	[sflag:s17] =	ssyncset.done @!p0 $0x0  }
0x1e1: {  	s11 =	simm.s32 @!p0 $0x60;
	[sflag:s17] =	ssyncadd.s32 @!p0 $0xFFFFFF80;
	s17 =	simm.s32 @!p0 $0x5300  }
0x1e2: {  	[tilespmem:s17], [sflag:$0x2] =	stream.indirect.gather @!p0 [hbm4b:s6+s11], $0x80, s22, s11, $0xb8;
	[tilespmem:$0x1F880] =	vst v63  }
0x1e3: {  	v4 =	vld.idx.msk [tilespmem:v2+s31+$0x0], $0xffff  }
0x1e4: {  	s22 =	simm.s32 $0x84F0;
	v2 =	vld.idx.msk [tilespmem:v3+s31+$0x0], $0xffff  }
0x1e5: {  	s17 =	simm.s32 $0x1;
	v6 =	vld [tilespmem:s22+$0xFFFFFE10]  }
0x1e6: {  	v5 =	vmov s17;
	v7 =	vld [tilespmem:s22+$0xFFFFFE20]  }
0x1e7: {  	v8 =	vld [tilespmem:s22+$0xFFFFFE30];
	v3 =	vand.u32 $0x7D, v5  }
0x1e8: {  	v9 =	vld [tilespmem:s22+$0xFFFFFE40];
	v3 =	vor.u32 $0x80, v3  }
0x1e9: {  	v12 =	vld [tilespmem:s22+$0xFFFFFE70];
	v3 =	vbroadcast v3, $0x0  }
0x1ea: {  	v5 =	vld [tilespmem:s22+$0x0]  }
0x1eb: {  	v10 =	vld [tilespmem:s22+$0xFFFFFE50];
	v6 =	vmul.f32 v6, v4  }
0x1ec: {  	v11 =	vld [tilespmem:s22+$0xFFFFFE60];
	v7 =	vmul.f32 v7, v4  }
0x1ed: {  	[tilespmem:s22+$0xFFFFFE10] =	vst v6;
	v6 =	vld [tilespmem:s22+$0xFFFFFE80]  }
0x1ee: {  	s19 =	simm.s32 $0x2;
	v12 =	vmul.f32 v12, v4;
	[tilespmem:s22+$0xFFFFFE20] =	vst v7;
	v7 =	vmul.f32 v9, v4;
	v9 =	vld [tilespmem:s22+$0xFFFFFEB0]  }
0x1ef: {  	v13 =	vmov s19;
	v5 =	vmul.f32 v5, v2;
	v14 =	vld.idx.msk [tilespmem:v3+s31+$0x0], $0xffff  }
0x1f0: {  	[tilespmem:s22+$0xFFFFFE70] =	vst v12;
	v3 =	vand.u32 $0x7E, v13;
	v13 =	vld [tilespmem:s22+$0xFFFFFE90]  }
0x1f1: {  	[tilespmem:s22+$0x0] =	vst v5;
	v5 =	vmul.f32 v8, v4;
	v8 =	vld [tilespmem:s22+$0xFFFFFEA0];
	v3 =	vor.u32 $0x80, v3  }
0x1f2: {  	[tilespmem:s22+$0xFFFFFE40] =	vst v7;
	v7 =	vmul.f32 v11, v4;
	v11 =	vld [tilespmem:s22+$0xFFFFFED0];
	v3 =	vbroadcast v3, $0x0  }
0x1f3: {  	[tilespmem:s22+$0xFFFFFE30] =	vst v5;
	v5 =	vmul.f32 v10, v4;
	v10 =	vld [tilespmem:s22+$0xFFFFFEC0]  }
0x1f4: {  	[tilespmem:s22+$0xFFFFFE60] =	vst v7;
	v7 =	vld [tilespmem:s22+$0xFFFFFEF0];
	v4 =	vmul.f32 v6, v4  }
0x1f5: {  	[tilespmem:s22+$0xFFFFFE50] =	vst v5;
	v6 =	vld [tilespmem:s22+$0xFFFFFF00];
	v5 =	vmul.f32 v13, v14  }
0x1f6: {  	v13 =	vld [tilespmem:s22+$0xFFFFFEE0];
	[tilespmem:s22+$0xFFFFFE80] =	vst v4;
	v4 =	vmul.f32 v9, v14  }
0x1f7: {  	[tilespmem:s22+$0xFFFFFE90] =	vst v5;
	v5 =	vmul.f32 v8, v14;
	v8 =	vld [tilespmem:s22+$0xFFFFFF10]  }
0x1f8: {  	[tilespmem:s22+$0xFFFFFEB0] =	vst v4;
	v4 =	vmul.f32 v11, v14;
	v3 =	vld.idx.msk [tilespmem:v3+s31+$0x0], $0xffff  }
0x1f9: {  	v9 =	vld [tilespmem:s22+$0xFFFFFF20];
	[tilespmem:s22+$0xFFFFFEA0] =	vst v5;
	v5 =	vmul.f32 v10, v14  }
0x1fa: {  	s23 =	simm.s32 $0x4;
	v7 =	vmul.f32 v7, v14;
	v10 =	vld [tilespmem:s22+$0xFFFFFF30];
	[tilespmem:s22+$0xFFFFFED0] =	vst v4  }
0x1fb: {  	v12 =	vmov s23;
	v11 =	vld [tilespmem:s22+$0xFFFFFF40];
	[tilespmem:s22+$0xFFFFFEC0] =	vst v5;
	v5 =	vmul.f32 v13, v14  }
0x1fc: {  	v12 =	vand.u32 $0x7C, v12;
	v4 =	vld [tilespmem:s22+$0xFFFFFF50];
	[tilespmem:s22+$0xFFFFFEF0] =	vst v7;
	v13 =	vmul.f32 v6, v14  }
0x1fd: {  	s25 =	simm.s32 $0x6;
	s24 =	simm.s32 $0x5;
	v7 =	vor.u32 $0x80, v12;
	[tilespmem:s22+$0xFFFFFEE0] =	vst v5;
	v8 =	vmul.f32 v8, v3;
	v5 =	vld [tilespmem:s22+$0xFFFFFF60]  }
0x1fe: {  	v12 =	vmov s25;
	v14 =	vmov s24;
	v6 =	vld [tilespmem:s22+$0xFFFFFF70];
	v9 =	vmul.f32 v9, v3;
	[tilespmem:s22+$0xFFFFFF00] =	vst v13  }
0x1ff: {  	v12 =	vand.u32 $0x7E, v12;
	v13 =	vand.u32 $0x7D, v14;
	v10 =	vmul.f32 v10, v3;
	[tilespmem:s22+$0xFFFFFF10] =	vst v8;
	v8 =	vld [tilespmem:s22+$0xFFFFFF80]  }
0x200: {  	s11 =	simm.s32 $0x7;
	s23 =	simm.s32 $0x84F0;
	v7 =	vbroadcast v7, $0x0;
	s24 =	simm.s32 $0x8;
	v11 =	vmul.f32 v11, v3;
	v13 =	vor.u32 $0x80, v13;
	[tilespmem:s22+$0xFFFFFF20] =	vst v9;
	v9 =	vld [tilespmem:s22+$0xFFFFFF90]  }
.LBB2_7:
0x201: {  	p0 =	slt.u32 s24, $0x5C;
	v12 =	vor.u32 $0x80, v12;
	v14 =	vmov s11;
	[tilespmem:s22+$0xFFFFFF30] =	vst v10;
	v4 =	vmul.f32 v4, v3;
	v10 =	vld [tilespmem:s22+$0xFFFFFFA0]  }
0x202: {  	v13 =	vbroadcast v13, $0x0;
	v14 =	vand.u32 $0x7F, v14;
	[tilespmem:s22+$0xFFFFFF40] =	vst v11;
	v5 =	vmul.f32 v5, v3;
	v11 =	vld [tilespmem:s22+$0xFFFFFFB0]  }
0x203: {  	v12 =	vbroadcast v12, $0x0;
	v14 =	vor.u32 $0x80, v14;
	[tilespmem:s22+$0xFFFFFF50] =	vst v4;
	v4 =	vmul.f32 v6, v3;
	v6 =	vld [tilespmem:s22+$0xFFFFFFC0]  }
0x204: {  	v14 =	vbroadcast v14, $0x0;
	[tilespmem:s22+$0xFFFFFF60] =	vst v5;
	v3 =	vmul.f32 v8, v3;
	v5 =	vld [tilespmem:s22+$0xFFFFFFD0]  }
0x205: {  	[tilespmem:s22+$0xFFFFFF70] =	vst v4;
	v4 =	vmul.f32 v9, v2;
	v8 =	vld [tilespmem:s22+$0xFFFFFFE0]  }
0x206: {  	[tilespmem:s22+$0xFFFFFF80] =	vst v3;
	v3 =	vmul.f32 v10, v2;
	v9 =	vld [tilespmem:s22+$0xFFFFFFF0]  }
0x207: {  	v7 =	vld.idx.msk [tilespmem:v7+s31+$0x0], $0xffff;
	[tilespmem:s22+$0xFFFFFF90] =	vst v4;
	v4 =	vmul.f32 v11, v2  }
0x208: {  	v10 =	vld.idx.msk [tilespmem:v13+s31+$0x0], $0xffff;
	[tilespmem:s22+$0xFFFFFFA0] =	vst v3;
	v6 =	vmul.f32 v6, v2  }
0x209: {  	v3 =	vld.idx.msk [tilespmem:v12+s31+$0x0], $0xffff;
	[tilespmem:s22+$0xFFFFFFB0] =	vst v4;
	v4 =	vmul.f32 v5, v2  }
0x20a: {  	s22 =	sadd.s32 $0x200, s22;
	v5 =	vld.idx.msk [tilespmem:v14+s31+$0x0], $0xffff;
	[tilespmem:s23+$0xFFFFFFC0] =	vst v6;
	v6 =	vmul.f32 v8, v2  }
0x20b: {  	v8 =	vld [tilespmem:s22+$0x0];
	[tilespmem:s23+$0xFFFFFFD0] =	vst v4;
	v2 =	vmul.f32 v9, v2  }
0x20c: {  	v4 =	vld [tilespmem:s22+$0xFFFFFE10];
	[tilespmem:s23+$0xFFFFFFE0] =	vst v6  }
0x20d: {  	v6 =	vld [tilespmem:s22+$0xFFFFFE20];
	[tilespmem:s23+$0xFFFFFFF0] =	vst v2;
	s23 =	smov.u32 s22  }
0x20e: {  	v9 =	vld [tilespmem:s22+$0xFFFFFE30]  }
0x20f: {  	v11 =	vld [tilespmem:s22+$0xFFFFFE40]  }
0x210: {  	v2 =	vmov v5;
	v12 =	vld [tilespmem:s22+$0xFFFFFE50];
	v8 =	vmul.f32 v8, v5  }
0x211: {  	v4 =	vmul.f32 v4, v7;
	v5 =	vld [tilespmem:s22+$0xFFFFFE60]  }
0x212: {  	v6 =	vmul.f32 v6, v7;
	v13 =	vld [tilespmem:s22+$0xFFFFFE70];
	[tilespmem:s22+$0x0] =	vst v8  }
0x213: {  	[tilespmem:s22+$0xFFFFFE10] =	vst v4;
	v4 =	vmul.f32 v9, v7;
	v8 =	vld [tilespmem:s22+$0xFFFFFE80]  }
0x214: {  	[tilespmem:s22+$0xFFFFFE20] =	vst v6;
	v6 =	vmul.f32 v11, v7;
	v9 =	vld [tilespmem:s22+$0xFFFFFE90]  }
0x215: {  	[tilespmem:s22+$0xFFFFFE30] =	vst v4;
	v4 =	vmul.f32 v12, v7;
	v11 =	vld [tilespmem:s22+$0xFFFFFEA0]  }
0x216: {  	[tilespmem:s22+$0xFFFFFE40] =	vst v6;
	v5 =	vmul.f32 v5, v7;
	v6 =	vld [tilespmem:s22+$0xFFFFFEB0]  }
0x217: {  	[tilespmem:s22+$0xFFFFFE50] =	vst v4;
	v4 =	vmul.f32 v13, v7;
	v12 =	vld [tilespmem:s22+$0xFFFFFEC0]  }
0x218: {  	[tilespmem:s22+$0xFFFFFE60] =	vst v5;
	v5 =	vmul.f32 v8, v7;
	v7 =	vld [tilespmem:s22+$0xFFFFFED0]  }
0x219: {  	[tilespmem:s22+$0xFFFFFE70] =	vst v4;
	v4 =	vmul.f32 v9, v10;
	v8 =	vld [tilespmem:s22+$0xFFFFFEE0]  }
0x21a: {  	[tilespmem:s22+$0xFFFFFE80] =	vst v5;
	v5 =	vmul.f32 v11, v10;
	v9 =	vld [tilespmem:s22+$0xFFFFFEF0]  }
0x21b: {  	[tilespmem:s22+$0xFFFFFE90] =	vst v4;
	v4 =	vmul.f32 v6, v10;
	v6 =	vld [tilespmem:s22+$0xFFFFFF00]  }
0x21c: {  	[tilespmem:s22+$0xFFFFFEA0] =	vst v5;
	v5 =	vmul.f32 v12, v10;
	v11 =	vld [tilespmem:s22+$0xFFFFFF10]  }
0x21d: {  	[tilespmem:s22+$0xFFFFFEB0] =	vst v4;
	v4 =	vmul.f32 v7, v10;
	v7 =	vld [tilespmem:s22+$0xFFFFFF20]  }
0x21e: {  	[tilespmem:s22+$0xFFFFFEC0] =	vst v5;
	v5 =	vmul.f32 v8, v10;
	v8 =	vld [tilespmem:s22+$0xFFFFFF30]  }
0x21f: {  	[tilespmem:s22+$0xFFFFFED0] =	vst v4;
	v9 =	vmul.f32 v9, v10;
	v14 =	vld [tilespmem:s22+$0xFFFFFF40]  }
.Ltmp2:
0x220: {  	s11 =	sadd.s32 $0x1, s24;
	v12 =	vmov s24;
	[tilespmem:s22+$0xFFFFFEE0] =	vst v5;
	v6 =	vmul.f32 v6, v10;
	v4 =	vld [tilespmem:s22+$0xFFFFFF50];
	(pc) =	sbr.rel @p0 .LBB2_7-.Ltmp2, $4  }
0x221: {  	v10 =	vand.u32 $0x7C, v12;
	v12 =	vmov s11;
	s11 =	sadd.s32 $0x2, s24;
	[tilespmem:s22+$0xFFFFFEF0] =	vst v9;
	v9 =	vmul.f32 v11, v3;
	v5 =	vld [tilespmem:s22+$0xFFFFFF60]  }
0x222: {  	v11 =	vor.u32 $0x80, v10;
	v10 =	vmov s11;
	[tilespmem:s22+$0xFFFFFF00] =	vst v6;
	v15 =	vmul.f32 v7, v3;
	v6 =	vld [tilespmem:s22+$0xFFFFFF70]  }
0x223: {  	v13 =	vand.u32 $0x7D, v12;
	v12 =	vand.u32 $0x7E, v10;
	[tilespmem:s22+$0xFFFFFF10] =	vst v9;
	v10 =	vmul.f32 v8, v3;
	v8 =	vld [tilespmem:s22+$0xFFFFFF80]  }
0x224: {  	s11 =	sadd.s32 $0x3, s24;
	s24 =	sadd.s32 $0x4, s24;
	v7 =	vbroadcast v11, $0x0;
	v13 =	vor.u32 $0x80, v13;
	[tilespmem:s22+$0xFFFFFF20] =	vst v15;
	v11 =	vmul.f32 v14, v3;
	v9 =	vld [tilespmem:s22+$0xFFFFFF90]  }
0x225: {  	v15 =	vld [tilespmem:s22+$0xFFFFFFA0]  }
0x226: {  	v16 =	vld [tilespmem:s22+$0xFFFFFFB0]  }
0x227: {  	v17 =	vld [tilespmem:s22+$0xFFFFFFC0]  }
0x228: {  	v18 =	vld [tilespmem:s22+$0xFFFFFFD0]  }
0x229: {  	[tilespmem:s22+$0xFFFFFF30] =	vst v10;
	v4 =	vmul.f32 v4, v3;
	v21 =	vld [tilespmem:s22+$0xFFFFFFE0]  }
0x22a: {  	v22 =	vld [tilespmem:s22+$0xFFFFFFF0];
	[tilespmem:s22+$0xFFFFFF40] =	vst v11;
	v5 =	vmul.f32 v5, v3  }
0x22b: {  	s19 =	sadd.s32 $0x200, s22;
	v24 =	vld.idx.msk [tilespmem:v7+s31+$0x0], $0xffff;
	[tilespmem:s22+$0xFFFFFF50] =	vst v4;
	v23 =	vmul.f32 v6, v3  }
0x22c: {  	v30 =	vld [tilespmem:s19+$0x0];
	[tilespmem:s22+$0xFFFFFF60] =	vst v5;
	v3 =	vmul.f32 v8, v3  }
0x22d: {  	v31 =	vld [tilespmem:s19+$0xFFFFFE10];
	[tilespmem:s22+$0xFFFFFF70] =	vst v23;
	v26 =	vmul.f32 v9, v2  }
0x22e: {  	v14 =	vmov s11;
	v33 =	vld [tilespmem:s19+$0xFFFFFE20];
	[tilespmem:s22+$0xFFFFFF80] =	vst v3;
	v3 =	vmul.f32 v15, v2  }
0x22f: {  	v14 =	vand.u32 $0x7F, v14;
	v34 =	vld [tilespmem:s19+$0xFFFFFE30];
	v29 =	vmul.f32 v16, v2;
	[tilespmem:s22+$0xFFFFFF90] =	vst v26  }
0x230: {  	v35 =	vld [tilespmem:s19+$0xFFFFFE40];
	v14 =	vor.u32 $0x80, v14;
	[tilespmem:s22+$0xFFFFFFA0] =	vst v3;
	v3 =	vmul.f32 v17, v2  }
0x231: {  	v36 =	vld [tilespmem:s19+$0xFFFFFE60];
	v14 =	vbroadcast v14, $0x0;
	v32 =	vmul.f32 v18, v2;
	[tilespmem:s22+$0xFFFFFFB0] =	vst v29  }
0x232: {  	v13 =	vbroadcast v13, $0x0;
	v38 =	vld [tilespmem:s19+$0xFFFFFE70];
	[tilespmem:s23+$0xFFFFFFC0] =	vst v3;
	v3 =	vmul.f32 v21, v2  }
0x233: {  	v39 =	vld [tilespmem:s19+$0xFFFFFE80];
	[tilespmem:s23+$0xFFFFFFD0] =	vst v32;
	v2 =	vmul.f32 v22, v2  }
0x234: {  	v37 =	vmul.f32 v33, v24;
	[tilespmem:s23+$0xFFFFFFE0] =	vst v3;
	v3 =	vld [tilespmem:s19+$0xFFFFFE50]  }
0x235: {  	v40 =	vld [tilespmem:s19+$0xFFFFFE90];
	[tilespmem:s23+$0xFFFFFFF0] =	vst v2;
	v2 =	vmul.f32 v31, v24  }
0x236: {  	v42 =	vld [tilespmem:s19+$0xFFFFFEB0];
	v4 =	vmul.f32 v35, v24;
	[tilespmem:s19+$0xFFFFFE20] =	vst v37  }
0x237: {  	v28 =	vld.idx.msk [tilespmem:v14+s31+$0x0], $0xffff;
	[tilespmem:s19+$0xFFFFFE10] =	vst v2;
	v2 =	vmul.f32 v34, v24  }
0x238: {  	v25 =	vld.idx.msk [tilespmem:v13+s31+$0x0], $0xffff;
	v41 =	vmul.f32 v36, v24;
	[tilespmem:s19+$0xFFFFFE40] =	vst v4  }
0x239: {  	v12 =	vor.u32 $0x80, v12;
	[tilespmem:s19+$0xFFFFFE30] =	vst v2;
	v2 =	vmul.f32 v3, v24;
	v3 =	vld [tilespmem:s19+$0xFFFFFEA0]  }
0x23a: {  	v12 =	vbroadcast v12, $0x0;
	v43 =	vld [tilespmem:s19+$0xFFFFFEC0];
	v44 =	vmul.f32 v39, v24;
	[tilespmem:s19+$0xFFFFFE60] =	vst v41  }
0x23b: {  	v45 =	vld [tilespmem:s19+$0xFFFFFED0];
	[tilespmem:s19+$0xFFFFFE50] =	vst v2;
	v2 =	vmul.f32 v38, v24  }
0x23c: {  	v46 =	vld [tilespmem:s19+$0xFFFFFEE0];
	[tilespmem:s19+$0xFFFFFE80] =	vst v44;
	v9 =	vmul.f32 v30, v28  }
0x23d: {  	v47 =	vld [tilespmem:s19+$0xFFFFFEF0];
	[tilespmem:s19+$0xFFFFFE70] =	vst v2;
	v2 =	vmul.f32 v40, v25  }
0x23e: {  	v48 =	vld [tilespmem:s19+$0xFFFFFF00];
	[tilespmem:s19+$0x0] =	vst v9;
	v3 =	vmul.f32 v3, v25  }
0x23f: {  	v49 =	vld [tilespmem:s19+$0xFFFFFF10];
	[tilespmem:s19+$0xFFFFFE90] =	vst v2;
	v2 =	vmul.f32 v42, v25  }
0x240: {  	v27 =	vld.idx.msk [tilespmem:v12+s31+$0x0], $0xffff;
	[tilespmem:s19+$0xFFFFFEA0] =	vst v3;
	v3 =	vmul.f32 v43, v25  }
0x241: {  	v50 =	vld [tilespmem:s19+$0xFFFFFF20];
	[tilespmem:s19+$0xFFFFFEB0] =	vst v2;
	v2 =	vmul.f32 v45, v25  }
0x242: {  	v51 =	vld [tilespmem:s19+$0xFFFFFF30];
	[tilespmem:s19+$0xFFFFFEC0] =	vst v3;
	v3 =	vmul.f32 v46, v25  }
0x243: {  	v52 =	vld [tilespmem:s19+$0xFFFFFF40];
	[tilespmem:s19+$0xFFFFFED0] =	vst v2;
	v2 =	vmul.f32 v47, v25  }
0x244: {  	v53 =	vld [tilespmem:s19+$0xFFFFFF50];
	[tilespmem:s19+$0xFFFFFEE0] =	vst v3;
	v3 =	vmul.f32 v48, v25  }
0x245: {  	v54 =	vld [tilespmem:s19+$0xFFFFFF60];
	[tilespmem:s19+$0xFFFFFEF0] =	vst v2;
	v2 =	vmul.f32 v49, v27  }
0x246: {  	v55 =	vld [tilespmem:s19+$0xFFFFFF70];
	[tilespmem:s19+$0xFFFFFF00] =	vst v3;
	v3 =	vmul.f32 v50, v27  }
0x247: {  	v56 =	vld [tilespmem:s19+$0xFFFFFF80];
	[tilespmem:s19+$0xFFFFFF10] =	vst v2;
	v2 =	vmul.f32 v51, v27  }
0x248: {  	v57 =	vld [tilespmem:s19+$0xFFFFFF90];
	[tilespmem:s19+$0xFFFFFF20] =	vst v3;
	v3 =	vmul.f32 v52, v27  }
0x249: {  	v58 =	vld [tilespmem:s19+$0xFFFFFFA0];
	[tilespmem:s19+$0xFFFFFF30] =	vst v2;
	v2 =	vmul.f32 v53, v27  }
0x24a: {  	v59 =	vld [tilespmem:s19+$0xFFFFFFB0];
	[tilespmem:s19+$0xFFFFFF40] =	vst v3;
	v3 =	vmul.f32 v54, v27  }
0x24b: {  	v60 =	vld [tilespmem:s19+$0xFFFFFFC0];
	[tilespmem:s19+$0xFFFFFF50] =	vst v2;
	v2 =	vmul.f32 v55, v27  }
0x24c: {  	v61 =	vld [tilespmem:s19+$0xFFFFFFD0];
	[tilespmem:s19+$0xFFFFFF60] =	vst v3;
	v3 =	vmul.f32 v56, v27  }
0x24d: {  	v62 =	vld [tilespmem:s19+$0xFFFFFFE0];
	[tilespmem:s19+$0xFFFFFF70] =	vst v2;
	v2 =	vmul.f32 v57, v28  }
0x24e: {  	v63 =	vld [tilespmem:s19+$0xFFFFFFF0];
	[tilespmem:s19+$0xFFFFFF80] =	vst v3;
	v3 =	vmul.f32 v58, v28  }
0x24f: {  	[tilespmem:s19+$0xFFFFFF90] =	vst v2;
	v2 =	vmul.f32 v59, v28  }
0x250: {  	s21 =	sadd.s32 $0x1, s21;
	[tilespmem:s19+$0xFFFFFFA0] =	vst v3;
	v3 =	vmul.f32 v60, v28  }
0x251: {  	p0 =	sne.s32 s21, $0x36;
	[tilespmem:s19+$0xFFFFFFB0] =	vst v2;
	v2 =	vmul.f32 v61, v28  }
.Ltmp3:
0x252: {  	[tilespmem:s19+$0xFFFFFFC0] =	vst v3;
	v3 =	vmul.f32 v62, v28;
	(pc) =	sbr.rel @p0 .LBB2_4-.Ltmp3, $4  }
0x253: {  	[tilespmem:s19+$0xFFFFFFD0] =	vst v2;
	v2 =	vmul.f32 v63, v28  }
0x254: {  	[tilespmem:s19+$0xFFFFFFE0] =	vst v3  }
0x255: {  	[tilespmem:s19+$0xFFFFFFF0] =	vst v2  }
0x256: {  	[spmem:s2] =	stream.indirect.scatter.add.f32 [tilespmem:s13], [sflag:$0x3], $0x80, s8, s29, $0xb8;
	[tilespmem:$0x1F880] =	vst v63  }
0x257: {  	_ =	swait.ge [sflag:s0], $0x60  }
0x258: {  	[sflag:s0] =	ssyncset.done $0x0  }
0x259: {  	[sflag:s0] =	ssyncadd.s32 $0xFFFFFFA0  }
0x25a: {  	_ =	swait.ge [sflag:s16], $0x3000  }
0x25b: {  	[sflag:s16] =	ssyncset.done $0x0  }
0x25c: {  	[sflag:s16] =	ssyncadd.s32 $0xFFFFD000  }
0x25d: {  	s11 =	stileid.u32;
	[bflag:$0x0] =	sbarrier.arrive $0xFFFF  }
0x25e: {  	s11 =	sshll.u32 s11, $0x6;
	s21 =	rddreg [dreg:$0x7]  }
0x25f: {  	s11 =	sor.u32 $0x1C05, s11;
	s18 =	rddreg [dreg:$0x11];
	s17 =	sshrl.u32 s21, $0x3  }
0x260: {  	[hbm:s18], [sflag:s11] =	dma.local [spmem:s17], $0x2800  }
0x261: {  	s19 =	simm.s32 $0x20;
	_ =	swait.ge [sflag:s28], $0x2800  }
0x262: {  	s23 =	simm.s32 $0x10;
	[sflag:s28] =	ssyncset.done $0x0;
	s22 =	rddreg [dreg:$0xe]  }
0x263: {  	s25 =	rddreg [dreg:$0x12];
	[sflag:s28] =	ssyncadd.s32 $0xFFFFD800;
	s24 =	sshrl.u32 s22, $0x3  }
0x264: {  	[hbm:s25@s19], [sflag:s11] =	dma.strided [spmem:s24@s23], $0x50, s12, $0x10   }
0x265: {  	_ =	swait.ge [sflag:s28], $0x50  }
0x266: {  	s24 =	rddreg [dreg:$0x14]  }
0x267: {  	s25 =	rddreg [dreg:$0x13];
	s17 =	sadd.s32 $0x1, s24  }
0x268: {  	p0 =	sne.s32 s17, s25  }
.Ltmp4:
0x269: {  	_ = 	snop;
	(pc) =	sbr.rel @p0 .LBB2_1-.Ltmp4, $3  }
0x26a: {  	_ =	sdelay $0x1  }
0x26b: {  	[sflag:s28] =	ssyncset.done $0x0  }
0x26c: {  	[sflag:s28] =	ssyncadd.s32 $0xFFFFFFB0  }
0x26d: {  	_ =	sfence.sel $0x180000  }
0x26e: {  	[bflag:$0x0] =	sbarrier.arrive $0xFFFF  }
0x26f: {  	_ =	strace $0x90000047  }
0x270: {  	s0 =	stileid.u32;
	[bflag:$0x2] =	sbarrier.arrive $0xFFFF  }
0x271: {  	p0 =	sne.s32 s0, $0x0;
	s0 =	rddreg [dreg:$0x4]  }
0x272: {  	s0 =	sadd.s32 @!p0 $0x100000, s0  }
0x273: {  	[sflag:s0] =	ssyncadd.tile.s32 @!p0 $0x1;
	_ =	shalt  }
.Lfunc_end2:
_tile_overlayer_lowered:
.L_overlay_start_2:
0x274: {  	(tag) =	ssettag $0x2  }
0x275: {  	s0 =	rddreg [dreg:$0x0];
	s2 =	stileid.u32  }
0x276: {  	s1 =	rddreg [dreg:$0x1];
	p0 =	sne.s32 s2, $0x0  }
0x277: {  	s3 =	rddreg [dreg:$0x2];
	[bflag:$0x3] =	sbarrier.arrive $0xFFFF;
	s2 =	simm.s32 @!p0 $0x1C05  }
0x278: {  	[timem:s3], [sflag:s2] =	dma.local @!p0 [hbm:s0], s1  }
0x279: {  	s0 =	simm.s32 @!p0 $0x5  }
0x27a: {  	_ =	swait.ge @!p0 [sflag:s0], s1  }
0x27b: {  	s1 =	ssub.s32 @!p0 $0x0, s1;
	[sflag:s0] =	ssyncset.done @!p0 $0x0  }
0x27c: {  	[sflag:s0] =	ssyncadd.s32 @!p0 s1  }
0x27d: {  	[bflag:$0x3] =	sbarrier.arrive $0xFFFF  }
0x27e: {  	_ =	shalt  }

</sc_bundles>
